<compile_context>
chip_gen: v7x
topology: tpu7x:2x2x1
jax: 0.10.2.dev20260603
libtpu: 0.0.44.dev20260713+nightly
codegen_flags: <defaults>
</compile_context>

<pallas_src>
import functools

import jax
import jax.numpy as jnp
from jax import lax
from jax.experimental import pallas as pl
from jax.experimental.pallas import tpu as pltpu
from jax.experimental.pallas import tpu_sc as plsc

NC, NS, L = 2, 16, 16
NW = NC * NS

IVLEN = 128
CR = 3
C = CR * IVLEN
NBUF = 2


def _build_sc_call(n_out, hid):
    assert n_out % (NW * C) == 0
    rows_per_w = n_out // NW
    g_chunks = rows_per_w // C
    assert g_chunks >= 4 and (g_chunks - 3) % 2 == 0

    mesh = plsc.VectorSubcoreMesh(
        core_axis_name="c", subcore_axis_name="s",
        num_cores=NC, num_subcores=NS)

    @functools.partial(
        pl.kernel,
        out_type=jax.ShapeDtypeStruct((n_out, hid), jnp.float32),
        mesh=mesh,
        scratch_types=[
            pltpu.VMEM((NBUF, C), jnp.int32),
            pltpu.VMEM((NBUF, C), jnp.int32),
            pltpu.VMEM((NBUF, C, hid), jnp.float32),
            pltpu.VMEM((NBUF, C, hid), jnp.float32),
            pltpu.SemaphoreType.DMA,
            pltpu.SemaphoreType.DMA,
            pltpu.SemaphoreType.DMA,
            pltpu.SemaphoreType.DMA,
            pltpu.SemaphoreType.DMA,
            pltpu.SemaphoreType.DMA,
        ],
        compiler_params=pltpu.CompilerParams(use_tc_tiling_on_sc=False),
    )
    def emb(idx0_hbm, idx1_hbm, tab_hbm, out_hbm,
            i0_v, i1_v, r0_v, r1_v,
            semi0, semi1, semg0, semg1, semw0, semw1):
        semi = (semi0, semi1)
        semg = (semg0, semg1)
        semw = (semw0, semw1)
        wid = lax.axis_index("s") * NC + lax.axis_index("c")
        wbase = wid * rows_per_w

        def prefetch_idx(cg, b):
            off = wbase + cg * C
            pltpu.async_copy(idx0_hbm.at[pl.ds(off, C)], i0_v.at[b], semi[b])
            pltpu.async_copy(idx1_hbm.at[pl.ds(off, C)], i1_v.at[b], semi[b])

        def wait_idx(cg, b):
            off = wbase + cg * C
            pltpu.make_async_copy(
                idx0_hbm.at[pl.ds(off, C)], i0_v.at[b], semi[b]).wait()
            pltpu.make_async_copy(
                idx1_hbm.at[pl.ds(off, C)], i1_v.at[b], semi[b]).wait()

        def fire_gathers(b):
            for k in range(CR):
                sl = pl.ds(k * IVLEN, IVLEN)
                pltpu.async_copy(
                    tab_hbm.at[i0_v.at[b].at[sl]], r0_v.at[b].at[sl], semg[b])
                pltpu.async_copy(
                    tab_hbm.at[i1_v.at[b].at[sl]], r1_v.at[b].at[sl], semg[b])

        def wait_gathers(b):
            for k in range(CR):
                sl = pl.ds(k * IVLEN, IVLEN)
                pltpu.make_async_copy(
                    tab_hbm.at[i0_v.at[b].at[sl]], r0_v.at[b].at[sl],
                    semg[b]).wait()
                pltpu.make_async_copy(
                    tab_hbm.at[i1_v.at[b].at[sl]], r1_v.at[b].at[sl],
                    semg[b]).wait()

        def compute(b):
            def row_body(j, carry):
                for k2 in range(hid // L):
                    sl = pl.ds(k2 * L, L)
                    r0_v[b, j, sl] = (r0_v[b, j, sl] + r1_v[b, j, sl]) * 0.5
                return carry
            lax.fori_loop(0, C, row_body, 0, unroll=2)

        def start_wb(cg, b):
            off = wbase + cg * C
            pltpu.async_copy(
                r0_v.at[b], out_hbm.at[pl.ds(off, C)], semw[b])

        def drain_wb(cg, b):
            off = wbase + cg * C
            pltpu.make_async_copy(
                r0_v.at[b], out_hbm.at[pl.ds(off, C)], semw[b]).wait()

        prefetch_idx(0, 0)
        prefetch_idx(1, 1)
        wait_idx(0, 0)
        fire_gathers(0)

        wait_idx(1, 1)
        fire_gathers(1)
        wait_gathers(0)
        prefetch_idx(2, 0)
        compute(0)
        start_wb(0, 0)

        def pair_body(g, carry):
            c1 = 1 + 2 * g
            drain_wb(c1 - 1, 0)
            wait_idx(c1 + 1, 0)
            fire_gathers(0)
            wait_gathers(1)
            prefetch_idx(c1 + 2, 1)
            compute(1)
            start_wb(c1, 1)

            c2 = c1 + 1
            drain_wb(c2 - 1, 1)
            wait_idx(c2 + 1, 1)
            fire_gathers(1)
            wait_gathers(0)
            prefetch_idx(c2 + 2, 0)
            compute(0)
            start_wb(c2, 0)
            return carry

        lax.fori_loop(0, (g_chunks - 3) // 2, pair_body, 0, unroll=False)

        cl = g_chunks - 2
        drain_wb(cl - 1, 0)
        wait_idx(cl + 1, 0)
        fire_gathers(0)
        wait_gathers(1)
        compute(1)
        start_wb(cl, 1)

        wait_gathers(0)
        compute(0)
        start_wb(g_chunks - 1, 0)

        drain_wb(cl, 1)
        drain_wb(g_chunks - 1, 0)

    return emb


def kernel(time, time_embed_weight):
    b, s, td = time.shape
    vocab, hid = time_embed_weight.shape
    assert td == 2 and hid % L == 0
    n_out = b * s
    idx = time.reshape(n_out, td).astype(jnp.int32)
    idx0 = idx[:, 0]
    idx1 = idx[:, 1]
    out = _build_sc_call(n_out, hid)(idx0, idx1, time_embed_weight)
    return out.reshape(b, s, hid)

# --- scband reference (transcript-rebuilt; emitter-appended) ---
"""Pipeline reference for scband-time-embedding-36679020708588 (READ-ONLY COPY).

The authoritative reference and input builder live on the scoring server;
editing this copy changes nothing except your own understanding.
"""

import jax, jax.numpy as jnp
import numpy as np

B, S, TD = 4096, 243, 2
VOCAB, HID = 100000, 64

def setup_inputs(seed: int = 0) -> dict:
    key = jax.random.key(seed)
    k1, k2 = jax.random.split(key)
    time = jax.random.randint(k1, (B, S, TD), 0, VOCAB, dtype=jnp.int64 if jax.config.jax_enable_x64 else jnp.int32)
    time_embed_weight = jax.random.normal(k2, (VOCAB, HID), dtype=jnp.float32)
    return {"time": time, "time_embed_weight": time_embed_weight}

def reference(time, time_embed_weight):
    # nn.Embedding lookup: (B, S, TD) -> (B, S, TD, HID)
    emb = jnp.take(time_embed_weight, time, axis=0)
    # mean over time_dim axis (dim=2)
    return emb.mean(axis=2)

if __name__ == "__main__":
    import jax
    _d = setup_inputs()
    print(jax.jit(kernel)(*tuple(_d.values())))

</pallas_src>

<mosaic_0001>
#map = affine_map<(d0, d1) -> (0)>
#map1 = affine_map<(d0, d1) -> (0, 0)>
module attributes {stable_mosaic.version = 14 : i64} {
  func.func @emb(%arg0: i32, %arg1: i32, %arg2: memref<995328xi32, #tpu.memory_space<hbm>>, %arg3: memref<995328xi32, #tpu.memory_space<hbm>>, %arg4: memref<100000x64xf32, #tpu.memory_space<hbm>>, %arg5: memref<995328x64xf32, #tpu.memory_space<hbm>>, %arg6: memref<2x384xi32, #tpu.memory_space<vmem>>, %arg7: memref<2x384xi32, #tpu.memory_space<vmem>>, %arg8: memref<2x384x64xf32, #tpu.memory_space<vmem>>, %arg9: memref<2x384x64xf32, #tpu.memory_space<vmem>>, %arg10: memref<!tpu.dma_semaphore, #tpu.memory_space<semaphore_mem>>, %arg11: memref<!tpu.dma_semaphore, #tpu.memory_space<semaphore_mem>>, %arg12: memref<!tpu.dma_semaphore, #tpu.memory_space<semaphore_mem>>, %arg13: memref<!tpu.dma_semaphore, #tpu.memory_space<semaphore_mem>>, %arg14: memref<!tpu.dma_semaphore, #tpu.memory_space<semaphore_mem>>, %arg15: memref<!tpu.dma_semaphore, #tpu.memory_space<semaphore_mem>>) attributes {dimension_semantics = [#tpu.dimension_semantics<core_parallel>, #tpu.dimension_semantics<subcore_parallel>], iteration_bounds = array<i64: 2, 16>, scalar_prefetch = 0 : i64, scratch_operands = 10 : i64, tpu.core_type = #tpu.core_type<sc_vector_subcore>, window_params = [{transform_indices = #map}, {transform_indices = #map}, {transform_indices = #map1}, {transform_indices = #map1}]} {
    %mul3A = arith.constant 2 : i32
    %mul3A_0 = arith.muli %arg1, %mul3A : i32
    %add3A = arith.addi %mul3A_0, %arg0 : i32
    %mul3A_1 = arith.constant 31104 : i32
    %mul3A_2 = arith.muli %add3A, %mul3A_1 : i32
    %add3A_3 = arith.constant 0 : i32
    %add3A_4 = arith.addi %mul3A_2, %add3A_3 : i32
    %dma_start3A = arith.constant 0 : i32
    %dma_start3A_5 = arith.constant 0 : i32
    %dma_start3A_6 = tpu.memref_slice %arg6[%dma_start3A, %dma_start3A_5] : memref<2x384xi32, #tpu.memory_space<vmem>> -> memref<1x384xi32, #tpu.memory_space<vmem>>
    %dma_start3A_7 = tpu.memref_squeeze %dma_start3A_6 : memref<1x384xi32, #tpu.memory_space<vmem>> -> memref<384xi32, #tpu.memory_space<vmem>>
    %dma_start3A_8 = tpu.memref_slice %arg2[%add3A_4] : memref<995328xi32, #tpu.memory_space<hbm>> -> memref<384xi32, #tpu.memory_space<hbm>>
    %dma_start3A_9 = arith.constant 0 : i32
    %dma_start3A_10 = tpu.memref_slice %arg6[%dma_start3A, %dma_start3A_9] : memref<2x384xi32, #tpu.memory_space<vmem>> -> memref<1x384xi32, #tpu.memory_space<vmem>>
    %dma_start3A_11 = tpu.memref_squeeze %dma_start3A_10 : memref<1x384xi32, #tpu.memory_space<vmem>> -> memref<384xi32, #tpu.memory_space<vmem>>
    %dma_start3A_12 = tpu.memref_slice %arg2[%add3A_4] : memref<995328xi32, #tpu.memory_space<hbm>> -> memref<384xi32, #tpu.memory_space<hbm>>
    tpu.enqueue_dma source(%dma_start3A_12 : memref<384xi32, #tpu.memory_space<hbm>>) target(%dma_start3A_11 : memref<384xi32, #tpu.memory_space<vmem>>) target_semaphore(%arg10 : memref<!tpu.dma_semaphore, #tpu.memory_space<semaphore_mem>>)
    %dma_start3A_13 = arith.constant 0 : i32
    %dma_start3A_14 = arith.constant 0 : i32
    %dma_start3A_15 = tpu.memref_slice %arg7[%dma_start3A_13, %dma_start3A_14] : memref<2x384xi32, #tpu.memory_space<vmem>> -> memref<1x384xi32, #tpu.memory_space<vmem>>
    %dma_start3A_16 = tpu.memref_squeeze %dma_start3A_15 : memref<1x384xi32, #tpu.memory_space<vmem>> -> memref<384xi32, #tpu.memory_space<vmem>>
    %dma_start3A_17 = tpu.memref_slice %arg3[%add3A_4] : memref<995328xi32, #tpu.memory_space<hbm>> -> memref<384xi32, #tpu.memory_space<hbm>>
    %dma_start3A_18 = arith.constant 0 : i32
    %dma_start3A_19 = tpu.memref_slice %arg7[%dma_start3A_13, %dma_start3A_18] : memref<2x384xi32, #tpu.memory_space<vmem>> -> memref<1x384xi32, #tpu.memory_space<vmem>>
    %dma_start3A_20 = tpu.memref_squeeze %dma_start3A_19 : memref<1x384xi32, #tpu.memory_space<vmem>> -> memref<384xi32, #tpu.memory_space<vmem>>
    %dma_start3A_21 = tpu.memref_slice %arg3[%add3A_4] : memref<995328xi32, #tpu.memory_space<hbm>> -> memref<384xi32, #tpu.memory_space<hbm>>
    tpu.enqueue_dma source(%dma_start3A_21 : memref<384xi32, #tpu.memory_space<hbm>>) target(%dma_start3A_20 : memref<384xi32, #tpu.memory_space<vmem>>) target_semaphore(%arg10 : memref<!tpu.dma_semaphore, #tpu.memory_space<semaphore_mem>>)
    %add3A_22 = arith.constant 384 : i32
    %add3A_23 = arith.addi %mul3A_2, %add3A_22 : i32
    %dma_start3A_24 = arith.constant 1 : i32
    %dma_start3A_25 = arith.constant 0 : i32
    %dma_start3A_26 = tpu.memref_slice %arg6[%dma_start3A_24, %dma_start3A_25] : memref<2x384xi32, #tpu.memory_space<vmem>> -> memref<1x384xi32, #tpu.memory_space<vmem>>
    %dma_start3A_27 = tpu.memref_squeeze %dma_start3A_26 : memref<1x384xi32, #tpu.memory_space<vmem>> -> memref<384xi32, #tpu.memory_space<vmem>>
    %dma_start3A_28 = tpu.memref_slice %arg2[%add3A_23] : memref<995328xi32, #tpu.memory_space<hbm>> -> memref<384xi32, #tpu.memory_space<hbm>>
    %dma_start3A_29 = arith.constant 0 : i32
    %dma_start3A_30 = tpu.memref_slice %arg6[%dma_start3A_24, %dma_start3A_29] : memref<2x384xi32, #tpu.memory_space<vmem>> -> memref<1x384xi32, #tpu.memory_space<vmem>>
    %dma_start3A_31 = tpu.memref_squeeze %dma_start3A_30 : memref<1x384xi32, #tpu.memory_space<vmem>> -> memref<384xi32, #tpu.memory_space<vmem>>
    %dma_start3A_32 = tpu.memref_slice %arg2[%add3A_23] : memref<995328xi32, #tpu.memory_space<hbm>> -> memref<384xi32, #tpu.memory_space<hbm>>
    tpu.enqueue_dma source(%dma_start3A_32 : memref<384xi32, #tpu.memory_space<hbm>>) target(%dma_start3A_31 : memref<384xi32, #tpu.memory_space<vmem>>) target_semaphore(%arg11 : memref<!tpu.dma_semaphore, #tpu.memory_space<semaphore_mem>>)
    %dma_start3A_33 = arith.constant 1 : i32
    %dma_start3A_34 = arith.constant 0 : i32
    %dma_start3A_35 = tpu.memref_slice %arg7[%dma_start3A_33, %dma_start3A_34] : memref<2x384xi32, #tpu.memory_space<vmem>> -> memref<1x384xi32, #tpu.memory_space<vmem>>
    %dma_start3A_36 = tpu.memref_squeeze %dma_start3A_35 : memref<1x384xi32, #tpu.memory_space<vmem>> -> memref<384xi32, #tpu.memory_space<vmem>>
    %dma_start3A_37 = tpu.memref_slice %arg3[%add3A_23] : memref<995328xi32, #tpu.memory_space<hbm>> -> memref<384xi32, #tpu.memory_space<hbm>>
    %dma_start3A_38 = arith.constant 0 : i32
    %dma_start3A_39 = tpu.memref_slice %arg7[%dma_start3A_33, %dma_start3A_38] : memref<2x384xi32, #tpu.memory_space<vmem>> -> memref<1x384xi32, #tpu.memory_space<vmem>>
    %dma_start3A_40 = tpu.memref_squeeze %dma_start3A_39 : memref<1x384xi32, #tpu.memory_space<vmem>> -> memref<384xi32, #tpu.memory_space<vmem>>
    %dma_start3A_41 = tpu.memref_slice %arg3[%add3A_23] : memref<995328xi32, #tpu.memory_space<hbm>> -> memref<384xi32, #tpu.memory_space<hbm>>
    tpu.enqueue_dma source(%dma_start3A_41 : memref<384xi32, #tpu.memory_space<hbm>>) target(%dma_start3A_40 : memref<384xi32, #tpu.memory_space<vmem>>) target_semaphore(%arg11 : memref<!tpu.dma_semaphore, #tpu.memory_space<semaphore_mem>>)
    %add3A_42 = arith.constant 0 : i32
    %add3A_43 = arith.addi %mul3A_2, %add3A_42 : i32
    %dma_wait3A = arith.constant 0 : i32
    %dma_wait3A_44 = arith.constant 0 : i32
    %dma_wait3A_45 = tpu.memref_slice %arg6[%dma_wait3A, %dma_wait3A_44] : memref<2x384xi32, #tpu.memory_space<vmem>> -> memref<1x384xi32, #tpu.memory_space<vmem>>
    %dma_wait3A_46 = tpu.memref_squeeze %dma_wait3A_45 : memref<1x384xi32, #tpu.memory_space<vmem>> -> memref<384xi32, #tpu.memory_space<vmem>>
    %dma_wait3A_47 = tpu.memref_slice %arg2[%add3A_43] : memref<995328xi32, #tpu.memory_space<hbm>> -> memref<384xi32, #tpu.memory_space<hbm>>
    %dma_wait3A_48 = arith.constant 0 : i32
    %dma_wait3A_49 = tpu.memref_slice %arg6[%dma_wait3A, %dma_wait3A_48] : memref<2x384xi32, #tpu.memory_space<vmem>> -> memref<1x384xi32, #tpu.memory_space<vmem>>
    %dma_wait3A_50 = tpu.memref_squeeze %dma_wait3A_49 : memref<1x384xi32, #tpu.memory_space<vmem>> -> memref<384xi32, #tpu.memory_space<vmem>>
    %dma_wait3A_51 = tpu.memref_slice %arg2[%add3A_43] : memref<995328xi32, #tpu.memory_space<hbm>> -> memref<384xi32, #tpu.memory_space<hbm>>
    tpu.wait_dma2 semaphore(%arg10 : memref<!tpu.dma_semaphore, #tpu.memory_space<semaphore_mem>>) src(%dma_wait3A_51 : memref<384xi32, #tpu.memory_space<hbm>>) dst(%dma_wait3A_50 : memref<384xi32, #tpu.memory_space<vmem>>)
    %dma_wait3A_52 = arith.constant 0 : i32
    %dma_wait3A_53 = arith.constant 0 : i32
    %dma_wait3A_54 = tpu.memref_slice %arg7[%dma_wait3A_52, %dma_wait3A_53] : memref<2x384xi32, #tpu.memory_space<vmem>> -> memref<1x384xi32, #tpu.memory_space<vmem>>
    %dma_wait3A_55 = tpu.memref_squeeze %dma_wait3A_54 : memref<1x384xi32, #tpu.memory_space<vmem>> -> memref<384xi32, #tpu.memory_space<vmem>>
    %dma_wait3A_56 = tpu.memref_slice %arg3[%add3A_43] : memref<995328xi32, #tpu.memory_space<hbm>> -> memref<384xi32, #tpu.memory_space<hbm>>
    %dma_wait3A_57 = arith.constant 0 : i32
    %dma_wait3A_58 = tpu.memref_slice %arg7[%dma_wait3A_52, %dma_wait3A_57] : memref<2x384xi32, #tpu.memory_space<vmem>> -> memref<1x384xi32, #tpu.memory_space<vmem>>
    %dma_wait3A_59 = tpu.memref_squeeze %dma_wait3A_58 : memref<1x384xi32, #tpu.memory_space<vmem>> -> memref<384xi32, #tpu.memory_space<vmem>>
    %dma_wait3A_60 = tpu.memref_slice %arg3[%add3A_43] : memref<995328xi32, #tpu.memory_space<hbm>> -> memref<384xi32, #tpu.memory_space<hbm>>
    tpu.wait_dma2 semaphore(%arg10 : memref<!tpu.dma_semaphore, #tpu.memory_space<semaphore_mem>>) src(%dma_wait3A_60 : memref<384xi32, #tpu.memory_space<hbm>>) dst(%dma_wait3A_59 : memref<384xi32, #tpu.memory_space<vmem>>)
    %dma_start3A_61 = arith.constant 0 : i32
    %dma_start3A_62 = arith.constant 0 : i32
    %dma_start3A_63 = arith.constant 0 : i32
    %dma_start3A_64 = arith.constant 0 : i32
    %dma_start3A_65 = tpu.memref_slice %arg8[%dma_start3A_62, %dma_start3A_63, %dma_start3A_64] : memref<2x384x64xf32, #tpu.memory_space<vmem>> -> memref<1x384x64xf32, #tpu.memory_space<vmem>>
    %dma_start3A_66 = tpu.memref_squeeze %dma_start3A_65 : memref<1x384x64xf32, #tpu.memory_space<vmem>> -> memref<384x64xf32, #tpu.memory_space<vmem>>
    %dma_start3A_67 = arith.constant 0 : i32
    %dma_start3A_68 = arith.constant 0 : i32
    %dma_start3A_69 = tpu.memref_slice %dma_start3A_66[%dma_start3A_67, %dma_start3A_68] : memref<384x64xf32, #tpu.memory_space<vmem>> -> memref<128x64xf32, #tpu.memory_space<vmem>>
    %dma_start3A_70 = arith.constant 0 : i32
    %dma_start3A_71 = tpu.memref_slice %arg6[%dma_start3A_61, %dma_start3A_70] : memref<2x384xi32, #tpu.memory_space<vmem>> -> memref<1x384xi32, #tpu.memory_space<vmem>>
    %dma_start3A_72 = tpu.memref_squeeze %dma_start3A_71 : memref<1x384xi32, #tpu.memory_space<vmem>> -> memref<384xi32, #tpu.memory_space<vmem>>
    %dma_start3A_73 = arith.constant 0 : i32
    %dma_start3A_74 = tpu.memref_slice %dma_start3A_72[%dma_start3A_73] : memref<384xi32, #tpu.memory_space<vmem>> -> memref<128xi32, #tpu.memory_space<vmem>>
    %dma_start3A_75 = arith.constant 0 : i32
    %dma_start3A_76 = arith.constant 0 : i32
    %dma_start3A_77 = tpu.memref_slice %arg4[%dma_start3A_75, %dma_start3A_76] : memref<100000x64xf32, #tpu.memory_space<hbm>> -> memref<100000x64xf32, #tpu.memory_space<hbm>>
    tpu.enqueue_indirect_dma source(%dma_start3A_77 : memref<100000x64xf32, #tpu.memory_space<hbm>>) target(%dma_start3A_69 : memref<128x64xf32, #tpu.memory_space<vmem>>) offsets(%dma_start3A_74 : memref<128xi32, #tpu.memory_space<vmem>>) semaphore(%arg12 : memref<!tpu.dma_semaphore, #tpu.memory_space<semaphore_mem>>)
    %dma_start3A_78 = arith.constant 0 : i32
    %dma_start3A_79 = arith.constant 0 : i32
    %dma_start3A_80 = arith.constant 0 : i32
    %dma_start3A_81 = arith.constant 0 : i32
    %dma_start3A_82 = tpu.memref_slice %arg9[%dma_start3A_79, %dma_start3A_80, %dma_start3A_81] : memref<2x384x64xf32, #tpu.memory_space<vmem>> -> memref<1x384x64xf32, #tpu.memory_space<vmem>>
    %dma_start3A_83 = tpu.memref_squeeze %dma_start3A_82 : memref<1x384x64xf32, #tpu.memory_space<vmem>> -> memref<384x64xf32, #tpu.memory_space<vmem>>
    %dma_start3A_84 = arith.constant 0 : i32
    %dma_start3A_85 = arith.constant 0 : i32
    %dma_start3A_86 = tpu.memref_slice %dma_start3A_83[%dma_start3A_84, %dma_start3A_85] : memref<384x64xf32, #tpu.memory_space<vmem>> -> memref<128x64xf32, #tpu.memory_space<vmem>>
    %dma_start3A_87 = arith.constant 0 : i32
    %dma_start3A_88 = tpu.memref_slice %arg7[%dma_start3A_78, %dma_start3A_87] : memref<2x384xi32, #tpu.memory_space<vmem>> -> memref<1x384xi32, #tpu.memory_space<vmem>>
    %dma_start3A_89 = tpu.memref_squeeze %dma_start3A_88 : memref<1x384xi32, #tpu.memory_space<vmem>> -> memref<384xi32, #tpu.memory_space<vmem>>
    %dma_start3A_90 = arith.constant 0 : i32
    %dma_start3A_91 = tpu.memref_slice %dma_start3A_89[%dma_start3A_90] : memref<384xi32, #tpu.memory_space<vmem>> -> memref<128xi32, #tpu.memory_space<vmem>>
    %dma_start3A_92 = arith.constant 0 : i32
    %dma_start3A_93 = arith.constant 0 : i32
    %dma_start3A_94 = tpu.memref_slice %arg4[%dma_start3A_92, %dma_start3A_93] : memref<100000x64xf32, #tpu.memory_space<hbm>> -> memref<100000x64xf32, #tpu.memory_space<hbm>>
    tpu.enqueue_indirect_dma source(%dma_start3A_94 : memref<100000x64xf32, #tpu.memory_space<hbm>>) target(%dma_start3A_86 : memref<128x64xf32, #tpu.memory_space<vmem>>) offsets(%dma_start3A_91 : memref<128xi32, #tpu.memory_space<vmem>>) semaphore(%arg12 : memref<!tpu.dma_semaphore, #tpu.memory_space<semaphore_mem>>)
    %dma_start3A_95 = arith.constant 0 : i32
    %dma_start3A_96 = arith.constant 0 : i32
    %dma_start3A_97 = arith.constant 0 : i32
    %dma_start3A_98 = arith.constant 0 : i32
    %dma_start3A_99 = tpu.memref_slice %arg8[%dma_start3A_96, %dma_start3A_97, %dma_start3A_98] : memref<2x384x64xf32, #tpu.memory_space<vmem>> -> memref<1x384x64xf32, #tpu.memory_space<vmem>>
    %dma_start3A_100 = tpu.memref_squeeze %dma_start3A_99 : memref<1x384x64xf32, #tpu.memory_space<vmem>> -> memref<384x64xf32, #tpu.memory_space<vmem>>
    %dma_start3A_101 = arith.constant 128 : i32
    %dma_start3A_102 = arith.constant 0 : i32
    %dma_start3A_103 = tpu.memref_slice %dma_start3A_100[%dma_start3A_101, %dma_start3A_102] : memref<384x64xf32, #tpu.memory_space<vmem>> -> memref<128x64xf32, #tpu.memory_space<vmem>>
    %dma_start3A_104 = arith.constant 0 : i32
    %dma_start3A_105 = tpu.memref_slice %arg6[%dma_start3A_95, %dma_start3A_104] : memref<2x384xi32, #tpu.memory_space<vmem>> -> memref<1x384xi32, #tpu.memory_space<vmem>>
    %dma_start3A_106 = tpu.memref_squeeze %dma_start3A_105 : memref<1x384xi32, #tpu.memory_space<vmem>> -> memref<384xi32, #tpu.memory_space<vmem>>
    %dma_start3A_107 = arith.constant 128 : i32
    %dma_start3A_108 = tpu.memref_slice %dma_start3A_106[%dma_start3A_107] : memref<384xi32, #tpu.memory_space<vmem>> -> memref<128xi32, #tpu.memory_space<vmem>>
    %dma_start3A_109 = arith.constant 0 : i32
    %dma_start3A_110 = arith.constant 0 : i32
    %dma_start3A_111 = tpu.memref_slice %arg4[%dma_start3A_109, %dma_start3A_110] : memref<100000x64xf32, #tpu.memory_space<hbm>> -> memref<100000x64xf32, #tpu.memory_space<hbm>>
    tpu.enqueue_indirect_dma source(%dma_start3A_111 : memref<100000x64xf32, #tpu.memory_space<hbm>>) target(%dma_start3A_103 : memref<128x64xf32, #tpu.memory_space<vmem>>) offsets(%dma_start3A_108 : memref<128xi32, #tpu.memory_space<vmem>>) semaphore(%arg12 : memref<!tpu.dma_semaphore, #tpu.memory_space<semaphore_mem>>)
    %dma_start3A_112 = arith.constant 0 : i32
    %dma_start3A_113 = arith.constant 0 : i32
    %dma_start3A_114 = arith.constant 0 : i32
    %dma_start3A_115 = arith.constant 0 : i32
    %dma_start3A_116 = tpu.memref_slice %arg9[%dma_start3A_113, %dma_start3A_114, %dma_start3A_115] : memref<2x384x64xf32, #tpu.memory_space<vmem>> -> memref<1x384x64xf32, #tpu.memory_space<vmem>>
    %dma_start3A_117 = tpu.memref_squeeze %dma_start3A_116 : memref<1x384x64xf32, #tpu.memory_space<vmem>> -> memref<384x64xf32, #tpu.memory_space<vmem>>
    %dma_start3A_118 = arith.constant 128 : i32
    %dma_start3A_119 = arith.constant 0 : i32
    %dma_start3A_120 = tpu.memref_slice %dma_start3A_117[%dma_start3A_118, %dma_start3A_119] : memref<384x64xf32, #tpu.memory_space<vmem>> -> memref<128x64xf32, #tpu.memory_space<vmem>>
    %dma_start3A_121 = arith.constant 0 : i32
    %dma_start3A_122 = tpu.memref_slice %arg7[%dma_start3A_112, %dma_start3A_121] : memref<2x384xi32, #tpu.memory_space<vmem>> -> memref<1x384xi32, #tpu.memory_space<vmem>>
    %dma_start3A_123 = tpu.memref_squeeze %dma_start3A_122 : memref<1x384xi32, #tpu.memory_space<vmem>> -> memref<384xi32, #tpu.memory_space<vmem>>
    %dma_start3A_124 = arith.constant 128 : i32
    %dma_start3A_125 = tpu.memref_slice %dma_start3A_123[%dma_start3A_124] : memref<384xi32, #tpu.memory_space<vmem>> -> memref<128xi32, #tpu.memory_space<vmem>>
    %dma_start3A_126 = arith.constant 0 : i32
    %dma_start3A_127 = arith.constant 0 : i32
    %dma_start3A_128 = tpu.memref_slice %arg4[%dma_start3A_126, %dma_start3A_127] : memref<100000x64xf32, #tpu.memory_space<hbm>> -> memref<100000x64xf32, #tpu.memory_space<hbm>>
    tpu.enqueue_indirect_dma source(%dma_start3A_128 : memref<100000x64xf32, #tpu.memory_space<hbm>>) target(%dma_start3A_120 : memref<128x64xf32, #tpu.memory_space<vmem>>) offsets(%dma_start3A_125 : memref<128xi32, #tpu.memory_space<vmem>>) semaphore(%arg12 : memref<!tpu.dma_semaphore, #tpu.memory_space<semaphore_mem>>)
    %dma_start3A_129 = arith.constant 0 : i32
    %dma_start3A_130 = arith.constant 0 : i32
    %dma_start3A_131 = arith.constant 0 : i32
    %dma_start3A_132 = arith.constant 0 : i32
    %dma_start3A_133 = tpu.memref_slice %arg8[%dma_start3A_130, %dma_start3A_131, %dma_start3A_132] : memref<2x384x64xf32, #tpu.memory_space<vmem>> -> memref<1x384x64xf32, #tpu.memory_space<vmem>>
    %dma_start3A_134 = tpu.memref_squeeze %dma_start3A_133 : memref<1x384x64xf32, #tpu.memory_space<vmem>> -> memref<384x64xf32, #tpu.memory_space<vmem>>
    %dma_start3A_135 = arith.constant 256 : i32
    %dma_start3A_136 = arith.constant 0 : i32
    %dma_start3A_137 = tpu.memref_slice %dma_start3A_134[%dma_start3A_135, %dma_start3A_136] : memref<384x64xf32, #tpu.memory_space<vmem>> -> memref<128x64xf32, #tpu.memory_space<vmem>>
    %dma_start3A_138 = arith.constant 0 : i32
    %dma_start3A_139 = tpu.memref_slice %arg6[%dma_start3A_129, %dma_start3A_138] : memref<2x384xi32, #tpu.memory_space<vmem>> -> memref<1x384xi32, #tpu.memory_space<vmem>>
    %dma_start3A_140 = tpu.memref_squeeze %dma_start3A_139 : memref<1x384xi32, #tpu.memory_space<vmem>> -> memref<384xi32, #tpu.memory_space<vmem>>
    %dma_start3A_141 = arith.constant 256 : i32
    %dma_start3A_142 = tpu.memref_slice %dma_start3A_140[%dma_start3A_141] : memref<384xi32, #tpu.memory_space<vmem>> -> memref<128xi32, #tpu.memory_space<vmem>>
    %dma_start3A_143 = arith.constant 0 : i32
    %dma_start3A_144 = arith.constant 0 : i32
    %dma_start3A_145 = tpu.memref_slice %arg4[%dma_start3A_143, %dma_start3A_144] : memref<100000x64xf32, #tpu.memory_space<hbm>> -> memref<100000x64xf32, #tpu.memory_space<hbm>>
    tpu.enqueue_indirect_dma source(%dma_start3A_145 : memref<100000x64xf32, #tpu.memory_space<hbm>>) target(%dma_start3A_137 : memref<128x64xf32, #tpu.memory_space<vmem>>) offsets(%dma_start3A_142 : memref<128xi32, #tpu.memory_space<vmem>>) semaphore(%arg12 : memref<!tpu.dma_semaphore, #tpu.memory_space<semaphore_mem>>)
    %dma_start3A_146 = arith.constant 0 : i32
    %dma_start3A_147 = arith.constant 0 : i32
    %dma_start3A_148 = arith.constant 0 : i32
    %dma_start3A_149 = arith.constant 0 : i32
    %dma_start3A_150 = tpu.memref_slice %arg9[%dma_start3A_147, %dma_start3A_148, %dma_start3A_149] : memref<2x384x64xf32, #tpu.memory_space<vmem>> -> memref<1x384x64xf32, #tpu.memory_space<vmem>>
    %dma_start3A_151 = tpu.memref_squeeze %dma_start3A_150 : memref<1x384x64xf32, #tpu.memory_space<vmem>> -> memref<384x64xf32, #tpu.memory_space<vmem>>
    %dma_start3A_152 = arith.constant 256 : i32
    %dma_start3A_153 = arith.constant 0 : i32
    %dma_start3A_154 = tpu.memref_slice %dma_start3A_151[%dma_start3A_152, %dma_start3A_153] : memref<384x64xf32, #tpu.memory_space<vmem>> -> memref<128x64xf32, #tpu.memory_space<vmem>>
    %dma_start3A_155 = arith.constant 0 : i32
    %dma_start3A_156 = tpu.memref_slice %arg7[%dma_start3A_146, %dma_start3A_155] : memref<2x384xi32, #tpu.memory_space<vmem>> -> memref<1x384xi32, #tpu.memory_space<vmem>>
    %dma_start3A_157 = tpu.memref_squeeze %dma_start3A_156 : memref<1x384xi32, #tpu.memory_space<vmem>> -> memref<384xi32, #tpu.memory_space<vmem>>
    %dma_start3A_158 = arith.constant 256 : i32
    %dma_start3A_159 = tpu.memref_slice %dma_start3A_157[%dma_start3A_158] : memref<384xi32, #tpu.memory_space<vmem>> -> memref<128xi32, #tpu.memory_space<vmem>>
    %dma_start3A_160 = arith.constant 0 : i32
    %dma_start3A_161 = arith.constant 0 : i32
    %dma_start3A_162 = tpu.memref_slice %arg4[%dma_start3A_160, %dma_start3A_161] : memref<100000x64xf32, #tpu.memory_space<hbm>> -> memref<100000x64xf32, #tpu.memory_space<hbm>>
    tpu.enqueue_indirect_dma source(%dma_start3A_162 : memref<100000x64xf32, #tpu.memory_space<hbm>>) target(%dma_start3A_154 : memref<128x64xf32, #tpu.memory_space<vmem>>) offsets(%dma_start3A_159 : memref<128xi32, #tpu.memory_space<vmem>>) semaphore(%arg12 : memref<!tpu.dma_semaphore, #tpu.memory_space<semaphore_mem>>)
    %add3A_163 = arith.constant 384 : i32
    %add3A_164 = arith.addi %mul3A_2, %add3A_163 : i32
    %dma_wait3A_165 = arith.constant 1 : i32
    %dma_wait3A_166 = arith.constant 0 : i32
    %dma_wait3A_167 = tpu.memref_slice %arg6[%dma_wait3A_165, %dma_wait3A_166] : memref<2x384xi32, #tpu.memory_space<vmem>> -> memref<1x384xi32, #tpu.memory_space<vmem>>
    %dma_wait3A_168 = tpu.memref_squeeze %dma_wait3A_167 : memref<1x384xi32, #tpu.memory_space<vmem>> -> memref<384xi32, #tpu.memory_space<vmem>>
    %dma_wait3A_169 = tpu.memref_slice %arg2[%add3A_164] : memref<995328xi32, #tpu.memory_space<hbm>> -> memref<384xi32, #tpu.memory_space<hbm>>
    %dma_wait3A_170 = arith.constant 0 : i32
    %dma_wait3A_171 = tpu.memref_slice %arg6[%dma_wait3A_165, %dma_wait3A_170] : memref<2x384xi32, #tpu.memory_space<vmem>> -> memref<1x384xi32, #tpu.memory_space<vmem>>
    %dma_wait3A_172 = tpu.memref_squeeze %dma_wait3A_171 : memref<1x384xi32, #tpu.memory_space<vmem>> -> memref<384xi32, #tpu.memory_space<vmem>>
    %dma_wait3A_173 = tpu.memref_slice %arg2[%add3A_164] : memref<995328xi32, #tpu.memory_space<hbm>> -> memref<384xi32, #tpu.memory_space<hbm>>
    tpu.wait_dma2 semaphore(%arg11 : memref<!tpu.dma_semaphore, #tpu.memory_space<semaphore_mem>>) src(%dma_wait3A_173 : memref<384xi32, #tpu.memory_space<hbm>>) dst(%dma_wait3A_172 : memref<384xi32, #tpu.memory_space<vmem>>)
    %dma_wait3A_174 = arith.constant 1 : i32
    %dma_wait3A_175 = arith.constant 0 : i32
    %dma_wait3A_176 = tpu.memref_slice %arg7[%dma_wait3A_174, %dma_wait3A_175] : memref<2x384xi32, #tpu.memory_space<vmem>> -> memref<1x384xi32, #tpu.memory_space<vmem>>
    %dma_wait3A_177 = tpu.memref_squeeze %dma_wait3A_176 : memref<1x384xi32, #tpu.memory_space<vmem>> -> memref<384xi32, #tpu.memory_space<vmem>>
    %dma_wait3A_178 = tpu.memref_slice %arg3[%add3A_164] : memref<995328xi32, #tpu.memory_space<hbm>> -> memref<384xi32, #tpu.memory_space<hbm>>
    %dma_wait3A_179 = arith.constant 0 : i32
    %dma_wait3A_180 = tpu.memref_slice %arg7[%dma_wait3A_174, %dma_wait3A_179] : memref<2x384xi32, #tpu.memory_space<vmem>> -> memref<1x384xi32, #tpu.memory_space<vmem>>
    %dma_wait3A_181 = tpu.memref_squeeze %dma_wait3A_180 : memref<1x384xi32, #tpu.memory_space<vmem>> -> memref<384xi32, #tpu.memory_space<vmem>>
    %dma_wait3A_182 = tpu.memref_slice %arg3[%add3A_164] : memref<995328xi32, #tpu.memory_space<hbm>> -> memref<384xi32, #tpu.memory_space<hbm>>
    tpu.wait_dma2 semaphore(%arg11 : memref<!tpu.dma_semaphore, #tpu.memory_space<semaphore_mem>>) src(%dma_wait3A_182 : memref<384xi32, #tpu.memory_space<hbm>>) dst(%dma_wait3A_181 : memref<384xi32, #tpu.memory_space<vmem>>)
    %dma_start3A_183 = arith.constant 1 : i32
    %dma_start3A_184 = arith.constant 1 : i32
    %dma_start3A_185 = arith.constant 0 : i32
    %dma_start3A_186 = arith.constant 0 : i32
    %dma_start3A_187 = tpu.memref_slice %arg8[%dma_start3A_184, %dma_start3A_185, %dma_start3A_186] : memref<2x384x64xf32, #tpu.memory_space<vmem>> -> memref<1x384x64xf32, #tpu.memory_space<vmem>>
    %dma_start3A_188 = tpu.memref_squeeze %dma_start3A_187 : memref<1x384x64xf32, #tpu.memory_space<vmem>> -> memref<384x64xf32, #tpu.memory_space<vmem>>
    %dma_start3A_189 = arith.constant 0 : i32
    %dma_start3A_190 = arith.constant 0 : i32
    %dma_start3A_191 = tpu.memref_slice %dma_start3A_188[%dma_start3A_189, %dma_start3A_190] : memref<384x64xf32, #tpu.memory_space<vmem>> -> memref<128x64xf32, #tpu.memory_space<vmem>>
    %dma_start3A_192 = arith.constant 0 : i32
    %dma_start3A_193 = tpu.memref_slice %arg6[%dma_start3A_183, %dma_start3A_192] : memref<2x384xi32, #tpu.memory_space<vmem>> -> memref<1x384xi32, #tpu.memory_space<vmem>>
    %dma_start3A_194 = tpu.memref_squeeze %dma_start3A_193 : memref<1x384xi32, #tpu.memory_space<vmem>> -> memref<384xi32, #tpu.memory_space<vmem>>
    %dma_start3A_195 = arith.constant 0 : i32
    %dma_start3A_196 = tpu.memref_slice %dma_start3A_194[%dma_start3A_195] : memref<384xi32, #tpu.memory_space<vmem>> -> memref<128xi32, #tpu.memory_space<vmem>>
    %dma_start3A_197 = arith.constant 0 : i32
    %dma_start3A_198 = arith.constant 0 : i32
    %dma_start3A_199 = tpu.memref_slice %arg4[%dma_start3A_197, %dma_start3A_198] : memref<100000x64xf32, #tpu.memory_space<hbm>> -> memref<100000x64xf32, #tpu.memory_space<hbm>>
    tpu.enqueue_indirect_dma source(%dma_start3A_199 : memref<100000x64xf32, #tpu.memory_space<hbm>>) target(%dma_start3A_191 : memref<128x64xf32, #tpu.memory_space<vmem>>) offsets(%dma_start3A_196 : memref<128xi32, #tpu.memory_space<vmem>>) semaphore(%arg13 : memref<!tpu.dma_semaphore, #tpu.memory_space<semaphore_mem>>)
    %dma_start3A_200 = arith.constant 1 : i32
    %dma_start3A_201 = arith.constant 1 : i32
    %dma_start3A_202 = arith.constant 0 : i32
    %dma_start3A_203 = arith.constant 0 : i32
    %dma_start3A_204 = tpu.memref_slice %arg9[%dma_start3A_201, %dma_start3A_202, %dma_start3A_203] : memref<2x384x64xf32, #tpu.memory_space<vmem>> -> memref<1x384x64xf32, #tpu.memory_space<vmem>>
    %dma_start3A_205 = tpu.memref_squeeze %dma_start3A_204 : memref<1x384x64xf32, #tpu.memory_space<vmem>> -> memref<384x64xf32, #tpu.memory_space<vmem>>
    %dma_start3A_206 = arith.constant 0 : i32
    %dma_start3A_207 = arith.constant 0 : i32
    %dma_start3A_208 = tpu.memref_slice %dma_start3A_205[%dma_start3A_206, %dma_start3A_207] : memref<384x64xf32, #tpu.memory_space<vmem>> -> memref<128x64xf32, #tpu.memory_space<vmem>>
    %dma_start3A_209 = arith.constant 0 : i32
    %dma_start3A_210 = tpu.memref_slice %arg7[%dma_start3A_200, %dma_start3A_209] : memref<2x384xi32, #tpu.memory_space<vmem>> -> memref<1x384xi32, #tpu.memory_space<vmem>>
    %dma_start3A_211 = tpu.memref_squeeze %dma_start3A_210 : memref<1x384xi32, #tpu.memory_space<vmem>> -> memref<384xi32, #tpu.memory_space<vmem>>
    %dma_start3A_212 = arith.constant 0 : i32
    %dma_start3A_213 = tpu.memref_slice %dma_start3A_211[%dma_start3A_212] : memref<384xi32, #tpu.memory_space<vmem>> -> memref<128xi32, #tpu.memory_space<vmem>>
    %dma_start3A_214 = arith.constant 0 : i32
    %dma_start3A_215 = arith.constant 0 : i32
    %dma_start3A_216 = tpu.memref_slice %arg4[%dma_start3A_214, %dma_start3A_215] : memref<100000x64xf32, #tpu.memory_space<hbm>> -> memref<100000x64xf32, #tpu.memory_space<hbm>>
    tpu.enqueue_indirect_dma source(%dma_start3A_216 : memref<100000x64xf32, #tpu.memory_space<hbm>>) target(%dma_start3A_208 : memref<128x64xf32, #tpu.memory_space<vmem>>) offsets(%dma_start3A_213 : memref<128xi32, #tpu.memory_space<vmem>>) semaphore(%arg13 : memref<!tpu.dma_semaphore, #tpu.memory_space<semaphore_mem>>)
    %dma_start3A_217 = arith.constant 1 : i32
    %dma_start3A_218 = arith.constant 1 : i32
    %dma_start3A_219 = arith.constant 0 : i32
    %dma_start3A_220 = arith.constant 0 : i32
    %dma_start3A_221 = tpu.memref_slice %arg8[%dma_start3A_218, %dma_start3A_219, %dma_start3A_220] : memref<2x384x64xf32, #tpu.memory_space<vmem>> -> memref<1x384x64xf32, #tpu.memory_space<vmem>>
    %dma_start3A_222 = tpu.memref_squeeze %dma_start3A_221 : memref<1x384x64xf32, #tpu.memory_space<vmem>> -> memref<384x64xf32, #tpu.memory_space<vmem>>
    %dma_start3A_223 = arith.constant 128 : i32
    %dma_start3A_224 = arith.constant 0 : i32
    %dma_start3A_225 = tpu.memref_slice %dma_start3A_222[%dma_start3A_223, %dma_start3A_224] : memref<384x64xf32, #tpu.memory_space<vmem>> -> memref<128x64xf32, #tpu.memory_space<vmem>>
    %dma_start3A_226 = arith.constant 0 : i32
    %dma_start3A_227 = tpu.memref_slice %arg6[%dma_start3A_217, %dma_start3A_226] : memref<2x384xi32, #tpu.memory_space<vmem>> -> memref<1x384xi32, #tpu.memory_space<vmem>>
    %dma_start3A_228 = tpu.memref_squeeze %dma_start3A_227 : memref<1x384xi32, #tpu.memory_space<vmem>> -> memref<384xi32, #tpu.memory_space<vmem>>
    %dma_start3A_229 = arith.constant 128 : i32
    %dma_start3A_230 = tpu.memref_slice %dma_start3A_228[%dma_start3A_229] : memref<384xi32, #tpu.memory_space<vmem>> -> memref<128xi32, #tpu.memory_space<vmem>>
    %dma_start3A_231 = arith.constant 0 : i32
    %dma_start3A_232 = arith.constant 0 : i32
    %dma_start3A_233 = tpu.memref_slice %arg4[%dma_start3A_231, %dma_start3A_232] : memref<100000x64xf32, #tpu.memory_space<hbm>> -> memref<100000x64xf32, #tpu.memory_space<hbm>>
    tpu.enqueue_indirect_dma source(%dma_start3A_233 : memref<100000x64xf32, #tpu.memory_space<hbm>>) target(%dma_start3A_225 : memref<128x64xf32, #tpu.memory_space<vmem>>) offsets(%dma_start3A_230 : memref<128xi32, #tpu.memory_space<vmem>>) semaphore(%arg13 : memref<!tpu.dma_semaphore, #tpu.memory_space<semaphore_mem>>)
    %dma_start3A_234 = arith.constant 1 : i32
    %dma_start3A_235 = arith.constant 1 : i32
    %dma_start3A_236 = arith.constant 0 : i32
    %dma_start3A_237 = arith.constant 0 : i32
    %dma_start3A_238 = tpu.memref_slice %arg9[%dma_start3A_235, %dma_start3A_236, %dma_start3A_237] : memref<2x384x64xf32, #tpu.memory_space<vmem>> -> memref<1x384x64xf32, #tpu.memory_space<vmem>>
    %dma_start3A_239 = tpu.memref_squeeze %dma_start3A_238 : memref<1x384x64xf32, #tpu.memory_space<vmem>> -> memref<384x64xf32, #tpu.memory_space<vmem>>
    %dma_start3A_240 = arith.constant 128 : i32
    %dma_start3A_241 = arith.constant 0 : i32
    %dma_start3A_242 = tpu.memref_slice %dma_start3A_239[%dma_start3A_240, %dma_start3A_241] : memref<384x64xf32, #tpu.memory_space<vmem>> -> memref<128x64xf32, #tpu.memory_space<vmem>>
    %dma_start3A_243 = arith.constant 0 : i32
    %dma_start3A_244 = tpu.memref_slice %arg7[%dma_start3A_234, %dma_start3A_243] : memref<2x384xi32, #tpu.memory_space<vmem>> -> memref<1x384xi32, #tpu.memory_space<vmem>>
    %dma_start3A_245 = tpu.memref_squeeze %dma_start3A_244 : memref<1x384xi32, #tpu.memory_space<vmem>> -> memref<384xi32, #tpu.memory_space<vmem>>
    %dma_start3A_246 = arith.constant 128 : i32
    %dma_start3A_247 = tpu.memref_slice %dma_start3A_245[%dma_start3A_246] : memref<384xi32, #tpu.memory_space<vmem>> -> memref<128xi32, #tpu.memory_space<vmem>>
    %dma_start3A_248 = arith.constant 0 : i32
    %dma_start3A_249 = arith.constant 0 : i32
    %dma_start3A_250 = tpu.memref_slice %arg4[%dma_start3A_248, %dma_start3A_249] : memref<100000x64xf32, #tpu.memory_space<hbm>> -> memref<100000x64xf32, #tpu.memory_space<hbm>>
    tpu.enqueue_indirect_dma source(%dma_start3A_250 : memref<100000x64xf32, #tpu.memory_space<hbm>>) target(%dma_start3A_242 : memref<128x64xf32, #tpu.memory_space<vmem>>) offsets(%dma_start3A_247 : memref<128xi32, #tpu.memory_space<vmem>>) semaphore(%arg13 : memref<!tpu.dma_semaphore, #tpu.memory_space<semaphore_mem>>)
    %dma_start3A_251 = arith.constant 1 : i32
    %dma_start3A_252 = arith.constant 1 : i32
    %dma_start3A_253 = arith.constant 0 : i32
    %dma_start3A_254 = arith.constant 0 : i32
    %dma_start3A_255 = tpu.memref_slice %arg8[%dma_start3A_252, %dma_start3A_253, %dma_start3A_254] : memref<2x384x64xf32, #tpu.memory_space<vmem>> -> memref<1x384x64xf32, #tpu.memory_space<vmem>>
    %dma_start3A_256 = tpu.memref_squeeze %dma_start3A_255 : memref<1x384x64xf32, #tpu.memory_space<vmem>> -> memref<384x64xf32, #tpu.memory_space<vmem>>
    %dma_start3A_257 = arith.constant 256 : i32
    %dma_start3A_258 = arith.constant 0 : i32
    %dma_start3A_259 = tpu.memref_slice %dma_start3A_256[%dma_start3A_257, %dma_start3A_258] : memref<384x64xf32, #tpu.memory_space<vmem>> -> memref<128x64xf32, #tpu.memory_space<vmem>>
    %dma_start3A_260 = arith.constant 0 : i32
    %dma_start3A_261 = tpu.memref_slice %arg6[%dma_start3A_251, %dma_start3A_260] : memref<2x384xi32, #tpu.memory_space<vmem>> -> memref<1x384xi32, #tpu.memory_space<vmem>>
    %dma_start3A_262 = tpu.memref_squeeze %dma_start3A_261 : memref<1x384xi32, #tpu.memory_space<vmem>> -> memref<384xi32, #tpu.memory_space<vmem>>
    %dma_start3A_263 = arith.constant 256 : i32
    %dma_start3A_264 = tpu.memref_slice %dma_start3A_262[%dma_start3A_263] : memref<384xi32, #tpu.memory_space<vmem>> -> memref<128xi32, #tpu.memory_space<vmem>>
    %dma_start3A_265 = arith.constant 0 : i32
    %dma_start3A_266 = arith.constant 0 : i32
    %dma_start3A_267 = tpu.memref_slice %arg4[%dma_start3A_265, %dma_start3A_266] : memref<100000x64xf32, #tpu.memory_space<hbm>> -> memref<100000x64xf32, #tpu.memory_space<hbm>>
    tpu.enqueue_indirect_dma source(%dma_start3A_267 : memref<100000x64xf32, #tpu.memory_space<hbm>>) target(%dma_start3A_259 : memref<128x64xf32, #tpu.memory_space<vmem>>) offsets(%dma_start3A_264 : memref<128xi32, #tpu.memory_space<vmem>>) semaphore(%arg13 : memref<!tpu.dma_semaphore, #tpu.memory_space<semaphore_mem>>)
    %dma_start3A_268 = arith.constant 1 : i32
    %dma_start3A_269 = arith.constant 1 : i32
    %dma_start3A_270 = arith.constant 0 : i32
    %dma_start3A_271 = arith.constant 0 : i32
    %dma_start3A_272 = tpu.memref_slice %arg9[%dma_start3A_269, %dma_start3A_270, %dma_start3A_271] : memref<2x384x64xf32, #tpu.memory_space<vmem>> -> memref<1x384x64xf32, #tpu.memory_space<vmem>>
    %dma_start3A_273 = tpu.memref_squeeze %dma_start3A_272 : memref<1x384x64xf32, #tpu.memory_space<vmem>> -> memref<384x64xf32, #tpu.memory_space<vmem>>
    %dma_start3A_274 = arith.constant 256 : i32
    %dma_start3A_275 = arith.constant 0 : i32
    %dma_start3A_276 = tpu.memref_slice %dma_start3A_273[%dma_start3A_274, %dma_start3A_275] : memref<384x64xf32, #tpu.memory_space<vmem>> -> memref<128x64xf32, #tpu.memory_space<vmem>>
    %dma_start3A_277 = arith.constant 0 : i32
    %dma_start3A_278 = tpu.memref_slice %arg7[%dma_start3A_268, %dma_start3A_277] : memref<2x384xi32, #tpu.memory_space<vmem>> -> memref<1x384xi32, #tpu.memory_space<vmem>>
    %dma_start3A_279 = tpu.memref_squeeze %dma_start3A_278 : memref<1x384xi32, #tpu.memory_space<vmem>> -> memref<384xi32, #tpu.memory_space<vmem>>
    %dma_start3A_280 = arith.constant 256 : i32
    %dma_start3A_281 = tpu.memref_slice %dma_start3A_279[%dma_start3A_280] : memref<384xi32, #tpu.memory_space<vmem>> -> memref<128xi32, #tpu.memory_space<vmem>>
    %dma_start3A_282 = arith.constant 0 : i32
    %dma_start3A_283 = arith.constant 0 : i32
    %dma_start3A_284 = tpu.memref_slice %arg4[%dma_start3A_282, %dma_start3A_283] : memref<100000x64xf32, #tpu.memory_space<hbm>> -> memref<100000x64xf32, #tpu.memory_space<hbm>>
    tpu.enqueue_indirect_dma source(%dma_start3A_284 : memref<100000x64xf32, #tpu.memory_space<hbm>>) target(%dma_start3A_276 : memref<128x64xf32, #tpu.memory_space<vmem>>) offsets(%dma_start3A_281 : memref<128xi32, #tpu.memory_space<vmem>>) semaphore(%arg13 : memref<!tpu.dma_semaphore, #tpu.memory_space<semaphore_mem>>)
    %dma_wait3A_285 = arith.constant 0 : i32
    %dma_wait3A_286 = arith.constant 0 : i32
    %dma_wait3A_287 = arith.constant 0 : i32
    %dma_wait3A_288 = arith.constant 0 : i32
    %dma_wait3A_289 = tpu.memref_slice %arg8[%dma_wait3A_286, %dma_wait3A_287, %dma_wait3A_288] : memref<2x384x64xf32, #tpu.memory_space<vmem>> -> memref<1x384x64xf32, #tpu.memory_space<vmem>>
    %dma_wait3A_290 = tpu.memref_squeeze %dma_wait3A_289 : memref<1x384x64xf32, #tpu.memory_space<vmem>> -> memref<384x64xf32, #tpu.memory_space<vmem>>
    %dma_wait3A_291 = arith.constant 0 : i32
    %dma_wait3A_292 = arith.constant 0 : i32
    %dma_wait3A_293 = tpu.memref_slice %dma_wait3A_290[%dma_wait3A_291, %dma_wait3A_292] : memref<384x64xf32, #tpu.memory_space<vmem>> -> memref<128x64xf32, #tpu.memory_space<vmem>>
    %dma_wait3A_294 = arith.constant 0 : i32
    %dma_wait3A_295 = tpu.memref_slice %arg6[%dma_wait3A_285, %dma_wait3A_294] : memref<2x384xi32, #tpu.memory_space<vmem>> -> memref<1x384xi32, #tpu.memory_space<vmem>>
    %dma_wait3A_296 = tpu.memref_squeeze %dma_wait3A_295 : memref<1x384xi32, #tpu.memory_space<vmem>> -> memref<384xi32, #tpu.memory_space<vmem>>
    %dma_wait3A_297 = arith.constant 0 : i32
    %dma_wait3A_298 = tpu.memref_slice %dma_wait3A_296[%dma_wait3A_297] : memref<384xi32, #tpu.memory_space<vmem>> -> memref<128xi32, #tpu.memory_space<vmem>>
    %dma_wait3A_299 = arith.constant 0 : i32
    %dma_wait3A_300 = arith.constant 0 : i32
    %dma_wait3A_301 = tpu.memref_slice %arg4[%dma_wait3A_299, %dma_wait3A_300] : memref<100000x64xf32, #tpu.memory_space<hbm>> -> memref<100000x64xf32, #tpu.memory_space<hbm>>
    tpu.wait_indirect_dma semaphore(%arg12 : memref<!tpu.dma_semaphore, #tpu.memory_space<semaphore_mem>>) src(%dma_wait3A_301 : memref<100000x64xf32, #tpu.memory_space<hbm>>) dst(%dma_wait3A_293 : memref<128x64xf32, #tpu.memory_space<vmem>>)
    %dma_wait3A_302 = arith.constant 0 : i32
    %dma_wait3A_303 = arith.constant 0 : i32
    %dma_wait3A_304 = arith.constant 0 : i32
    %dma_wait3A_305 = arith.constant 0 : i32
    %dma_wait3A_306 = tpu.memref_slice %arg9[%dma_wait3A_303, %dma_wait3A_304, %dma_wait3A_305] : memref<2x384x64xf32, #tpu.memory_space<vmem>> -> memref<1x384x64xf32, #tpu.memory_space<vmem>>
    %dma_wait3A_307 = tpu.memref_squeeze %dma_wait3A_306 : memref<1x384x64xf32, #tpu.memory_space<vmem>> -> memref<384x64xf32, #tpu.memory_space<vmem>>
    %dma_wait3A_308 = arith.constant 0 : i32
    %dma_wait3A_309 = arith.constant 0 : i32
    %dma_wait3A_310 = tpu.memref_slice %dma_wait3A_307[%dma_wait3A_308, %dma_wait3A_309] : memref<384x64xf32, #tpu.memory_space<vmem>> -> memref<128x64xf32, #tpu.memory_space<vmem>>
    %dma_wait3A_311 = arith.constant 0 : i32
    %dma_wait3A_312 = tpu.memref_slice %arg7[%dma_wait3A_302, %dma_wait3A_311] : memref<2x384xi32, #tpu.memory_space<vmem>> -> memref<1x384xi32, #tpu.memory_space<vmem>>
    %dma_wait3A_313 = tpu.memref_squeeze %dma_wait3A_312 : memref<1x384xi32, #tpu.memory_space<vmem>> -> memref<384xi32, #tpu.memory_space<vmem>>
    %dma_wait3A_314 = arith.constant 0 : i32
    %dma_wait3A_315 = tpu.memref_slice %dma_wait3A_313[%dma_wait3A_314] : memref<384xi32, #tpu.memory_space<vmem>> -> memref<128xi32, #tpu.memory_space<vmem>>
    %dma_wait3A_316 = arith.constant 0 : i32
    %dma_wait3A_317 = arith.constant 0 : i32
    %dma_wait3A_318 = tpu.memref_slice %arg4[%dma_wait3A_316, %dma_wait3A_317] : memref<100000x64xf32, #tpu.memory_space<hbm>> -> memref<100000x64xf32, #tpu.memory_space<hbm>>
    tpu.wait_indirect_dma semaphore(%arg12 : memref<!tpu.dma_semaphore, #tpu.memory_space<semaphore_mem>>) src(%dma_wait3A_318 : memref<100000x64xf32, #tpu.memory_space<hbm>>) dst(%dma_wait3A_310 : memref<128x64xf32, #tpu.memory_space<vmem>>)
    %dma_wait3A_319 = arith.constant 0 : i32
    %dma_wait3A_320 = arith.constant 0 : i32
    %dma_wait3A_321 = arith.constant 0 : i32
    %dma_wait3A_322 = arith.constant 0 : i32
    %dma_wait3A_323 = tpu.memref_slice %arg8[%dma_wait3A_320, %dma_wait3A_321, %dma_wait3A_322] : memref<2x384x64xf32, #tpu.memory_space<vmem>> -> memref<1x384x64xf32, #tpu.memory_space<vmem>>
    %dma_wait3A_324 = tpu.memref_squeeze %dma_wait3A_323 : memref<1x384x64xf32, #tpu.memory_space<vmem>> -> memref<384x64xf32, #tpu.memory_space<vmem>>
    %dma_wait3A_325 = arith.constant 128 : i32
    %dma_wait3A_326 = arith.constant 0 : i32
    %dma_wait3A_327 = tpu.memref_slice %dma_wait3A_324[%dma_wait3A_325, %dma_wait3A_326] : memref<384x64xf32, #tpu.memory_space<vmem>> -> memref<128x64xf32, #tpu.memory_space<vmem>>
    %dma_wait3A_328 = arith.constant 0 : i32
    %dma_wait3A_329 = tpu.memref_slice %arg6[%dma_wait3A_319, %dma_wait3A_328] : memref<2x384xi32, #tpu.memory_space<vmem>> -> memref<1x384xi32, #tpu.memory_space<vmem>>
    %dma_wait3A_330 = tpu.memref_squeeze %dma_wait3A_329 : memref<1x384xi32, #tpu.memory_space<vmem>> -> memref<384xi32, #tpu.memory_space<vmem>>
    %dma_wait3A_331 = arith.constant 128 : i32
    %dma_wait3A_332 = tpu.memref_slice %dma_wait3A_330[%dma_wait3A_331] : memref<384xi32, #tpu.memory_space<vmem>> -> memref<128xi32, #tpu.memory_space<vmem>>
    %dma_wait3A_333 = arith.constant 0 : i32
    %dma_wait3A_334 = arith.constant 0 : i32
    %dma_wait3A_335 = tpu.memref_slice %arg4[%dma_wait3A_333, %dma_wait3A_334] : memref<100000x64xf32, #tpu.memory_space<hbm>> -> memref<100000x64xf32, #tpu.memory_space<hbm>>
    tpu.wait_indirect_dma semaphore(%arg12 : memref<!tpu.dma_semaphore, #tpu.memory_space<semaphore_mem>>) src(%dma_wait3A_335 : memref<100000x64xf32, #tpu.memory_space<hbm>>) dst(%dma_wait3A_327 : memref<128x64xf32, #tpu.memory_space<vmem>>)
    %dma_wait3A_336 = arith.constant 0 : i32
    %dma_wait3A_337 = arith.constant 0 : i32
    %dma_wait3A_338 = arith.constant 0 : i32
    %dma_wait3A_339 = arith.constant 0 : i32
    %dma_wait3A_340 = tpu.memref_slice %arg9[%dma_wait3A_337, %dma_wait3A_338, %dma_wait3A_339] : memref<2x384x64xf32, #tpu.memory_space<vmem>> -> memref<1x384x64xf32, #tpu.memory_space<vmem>>
    %dma_wait3A_341 = tpu.memref_squeeze %dma_wait3A_340 : memref<1x384x64xf32, #tpu.memory_space<vmem>> -> memref<384x64xf32, #tpu.memory_space<vmem>>
    %dma_wait3A_342 = arith.constant 128 : i32
    %dma_wait3A_343 = arith.constant 0 : i32
    %dma_wait3A_344 = tpu.memref_slice %dma_wait3A_341[%dma_wait3A_342, %dma_wait3A_343] : memref<384x64xf32, #tpu.memory_space<vmem>> -> memref<128x64xf32, #tpu.memory_space<vmem>>
    %dma_wait3A_345 = arith.constant 0 : i32
    %dma_wait3A_346 = tpu.memref_slice %arg7[%dma_wait3A_336, %dma_wait3A_345] : memref<2x384xi32, #tpu.memory_space<vmem>> -> memref<1x384xi32, #tpu.memory_space<vmem>>
    %dma_wait3A_347 = tpu.memref_squeeze %dma_wait3A_346 : memref<1x384xi32, #tpu.memory_space<vmem>> -> memref<384xi32, #tpu.memory_space<vmem>>
    %dma_wait3A_348 = arith.constant 128 : i32
    %dma_wait3A_349 = tpu.memref_slice %dma_wait3A_347[%dma_wait3A_348] : memref<384xi32, #tpu.memory_space<vmem>> -> memref<128xi32, #tpu.memory_space<vmem>>
    %dma_wait3A_350 = arith.constant 0 : i32
    %dma_wait3A_351 = arith.constant 0 : i32
    %dma_wait3A_352 = tpu.memref_slice %arg4[%dma_wait3A_350, %dma_wait3A_351] : memref<100000x64xf32, #tpu.memory_space<hbm>> -> memref<100000x64xf32, #tpu.memory_space<hbm>>
    tpu.wait_indirect_dma semaphore(%arg12 : memref<!tpu.dma_semaphore, #tpu.memory_space<semaphore_mem>>) src(%dma_wait3A_352 : memref<100000x64xf32, #tpu.memory_space<hbm>>) dst(%dma_wait3A_344 : memref<128x64xf32, #tpu.memory_space<vmem>>)
    %dma_wait3A_353 = arith.constant 0 : i32
    %dma_wait3A_354 = arith.constant 0 : i32
    %dma_wait3A_355 = arith.constant 0 : i32
    %dma_wait3A_356 = arith.constant 0 : i32
    %dma_wait3A_357 = tpu.memref_slice %arg8[%dma_wait3A_354, %dma_wait3A_355, %dma_wait3A_356] : memref<2x384x64xf32, #tpu.memory_space<vmem>> -> memref<1x384x64xf32, #tpu.memory_space<vmem>>
    %dma_wait3A_358 = tpu.memref_squeeze %dma_wait3A_357 : memref<1x384x64xf32, #tpu.memory_space<vmem>> -> memref<384x64xf32, #tpu.memory_space<vmem>>
    %dma_wait3A_359 = arith.constant 256 : i32
    %dma_wait3A_360 = arith.constant 0 : i32
    %dma_wait3A_361 = tpu.memref_slice %dma_wait3A_358[%dma_wait3A_359, %dma_wait3A_360] : memref<384x64xf32, #tpu.memory_space<vmem>> -> memref<128x64xf32, #tpu.memory_space<vmem>>
    %dma_wait3A_362 = arith.constant 0 : i32
    %dma_wait3A_363 = tpu.memref_slice %arg6[%dma_wait3A_353, %dma_wait3A_362] : memref<2x384xi32, #tpu.memory_space<vmem>> -> memref<1x384xi32, #tpu.memory_space<vmem>>
    %dma_wait3A_364 = tpu.memref_squeeze %dma_wait3A_363 : memref<1x384xi32, #tpu.memory_space<vmem>> -> memref<384xi32, #tpu.memory_space<vmem>>
    %dma_wait3A_365 = arith.constant 256 : i32
    %dma_wait3A_366 = tpu.memref_slice %dma_wait3A_364[%dma_wait3A_365] : memref<384xi32, #tpu.memory_space<vmem>> -> memref<128xi32, #tpu.memory_space<vmem>>
    %dma_wait3A_367 = arith.constant 0 : i32
    %dma_wait3A_368 = arith.constant 0 : i32
    %dma_wait3A_369 = tpu.memref_slice %arg4[%dma_wait3A_367, %dma_wait3A_368] : memref<100000x64xf32, #tpu.memory_space<hbm>> -> memref<100000x64xf32, #tpu.memory_space<hbm>>
    tpu.wait_indirect_dma semaphore(%arg12 : memref<!tpu.dma_semaphore, #tpu.memory_space<semaphore_mem>>) src(%dma_wait3A_369 : memref<100000x64xf32, #tpu.memory_space<hbm>>) dst(%dma_wait3A_361 : memref<128x64xf32, #tpu.memory_space<vmem>>)
    %dma_wait3A_370 = arith.constant 0 : i32
    %dma_wait3A_371 = arith.constant 0 : i32
    %dma_wait3A_372 = arith.constant 0 : i32
    %dma_wait3A_373 = arith.constant 0 : i32
    %dma_wait3A_374 = tpu.memref_slice %arg9[%dma_wait3A_371, %dma_wait3A_372, %dma_wait3A_373] : memref<2x384x64xf32, #tpu.memory_space<vmem>> -> memref<1x384x64xf32, #tpu.memory_space<vmem>>
    %dma_wait3A_375 = tpu.memref_squeeze %dma_wait3A_374 : memref<1x384x64xf32, #tpu.memory_space<vmem>> -> memref<384x64xf32, #tpu.memory_space<vmem>>
    %dma_wait3A_376 = arith.constant 256 : i32
    %dma_wait3A_377 = arith.constant 0 : i32
    %dma_wait3A_378 = tpu.memref_slice %dma_wait3A_375[%dma_wait3A_376, %dma_wait3A_377] : memref<384x64xf32, #tpu.memory_space<vmem>> -> memref<128x64xf32, #tpu.memory_space<vmem>>
    %dma_wait3A_379 = arith.constant 0 : i32
    %dma_wait3A_380 = tpu.memref_slice %arg7[%dma_wait3A_370, %dma_wait3A_379] : memref<2x384xi32, #tpu.memory_space<vmem>> -> memref<1x384xi32, #tpu.memory_space<vmem>>
    %dma_wait3A_381 = tpu.memref_squeeze %dma_wait3A_380 : memref<1x384xi32, #tpu.memory_space<vmem>> -> memref<384xi32, #tpu.memory_space<vmem>>
    %dma_wait3A_382 = arith.constant 256 : i32
    %dma_wait3A_383 = tpu.memref_slice %dma_wait3A_381[%dma_wait3A_382] : memref<384xi32, #tpu.memory_space<vmem>> -> memref<128xi32, #tpu.memory_space<vmem>>
    %dma_wait3A_384 = arith.constant 0 : i32
    %dma_wait3A_385 = arith.constant 0 : i32
    %dma_wait3A_386 = tpu.memref_slice %arg4[%dma_wait3A_384, %dma_wait3A_385] : memref<100000x64xf32, #tpu.memory_space<hbm>> -> memref<100000x64xf32, #tpu.memory_space<hbm>>
    tpu.wait_indirect_dma semaphore(%arg12 : memref<!tpu.dma_semaphore, #tpu.memory_space<semaphore_mem>>) src(%dma_wait3A_386 : memref<100000x64xf32, #tpu.memory_space<hbm>>) dst(%dma_wait3A_378 : memref<128x64xf32, #tpu.memory_space<vmem>>)
    %add3A_387 = arith.constant 768 : i32
    %add3A_388 = arith.addi %mul3A_2, %add3A_387 : i32
    %dma_start3A_389 = arith.constant 0 : i32
    %dma_start3A_390 = arith.constant 0 : i32
    %dma_start3A_391 = tpu.memref_slice %arg6[%dma_start3A_389, %dma_start3A_390] : memref<2x384xi32, #tpu.memory_space<vmem>> -> memref<1x384xi32, #tpu.memory_space<vmem>>
    %dma_start3A_392 = tpu.memref_squeeze %dma_start3A_391 : memref<1x384xi32, #tpu.memory_space<vmem>> -> memref<384xi32, #tpu.memory_space<vmem>>
    %dma_start3A_393 = tpu.memref_slice %arg2[%add3A_388] : memref<995328xi32, #tpu.memory_space<hbm>> -> memref<384xi32, #tpu.memory_space<hbm>>
    %dma_start3A_394 = arith.constant 0 : i32
    %dma_start3A_395 = tpu.memref_slice %arg6[%dma_start3A_389, %dma_start3A_394] : memref<2x384xi32, #tpu.memory_space<vmem>> -> memref<1x384xi32, #tpu.memory_space<vmem>>
    %dma_start3A_396 = tpu.memref_squeeze %dma_start3A_395 : memref<1x384xi32, #tpu.memory_space<vmem>> -> memref<384xi32, #tpu.memory_space<vmem>>
    %dma_start3A_397 = tpu.memref_slice %arg2[%add3A_388] : memref<995328xi32, #tpu.memory_space<hbm>> -> memref<384xi32, #tpu.memory_space<hbm>>
    tpu.enqueue_dma source(%dma_start3A_397 : memref<384xi32, #tpu.memory_space<hbm>>) target(%dma_start3A_396 : memref<384xi32, #tpu.memory_space<vmem>>) target_semaphore(%arg10 : memref<!tpu.dma_semaphore, #tpu.memory_space<semaphore_mem>>)
    %dma_start3A_398 = arith.constant 0 : i32
    %dma_start3A_399 = arith.constant 0 : i32
    %dma_start3A_400 = tpu.memref_slice %arg7[%dma_start3A_398, %dma_start3A_399] : memref<2x384xi32, #tpu.memory_space<vmem>> -> memref<1x384xi32, #tpu.memory_space<vmem>>
    %dma_start3A_401 = tpu.memref_squeeze %dma_start3A_400 : memref<1x384xi32, #tpu.memory_space<vmem>> -> memref<384xi32, #tpu.memory_space<vmem>>
    %dma_start3A_402 = tpu.memref_slice %arg3[%add3A_388] : memref<995328xi32, #tpu.memory_space<hbm>> -> memref<384xi32, #tpu.memory_space<hbm>>
    %dma_start3A_403 = arith.constant 0 : i32
    %dma_start3A_404 = tpu.memref_slice %arg7[%dma_start3A_398, %dma_start3A_403] : memref<2x384xi32, #tpu.memory_space<vmem>> -> memref<1x384xi32, #tpu.memory_space<vmem>>
    %dma_start3A_405 = tpu.memref_squeeze %dma_start3A_404 : memref<1x384xi32, #tpu.memory_space<vmem>> -> memref<384xi32, #tpu.memory_space<vmem>>
    %dma_start3A_406 = tpu.memref_slice %arg3[%add3A_388] : memref<995328xi32, #tpu.memory_space<hbm>> -> memref<384xi32, #tpu.memory_space<hbm>>
    tpu.enqueue_dma source(%dma_start3A_406 : memref<384xi32, #tpu.memory_space<hbm>>) target(%dma_start3A_405 : memref<384xi32, #tpu.memory_space<vmem>>) target_semaphore(%arg10 : memref<!tpu.dma_semaphore, #tpu.memory_space<semaphore_mem>>)
    %scan3A = arith.constant 0 : i32
    %scan3A_407 = arith.constant 0 : i32
    %scan3A_408 = arith.constant 384 : i32
    %scan3A_409 = arith.addi %scan3A_407, %scan3A_408 : i32
    %scan3A_410 = arith.constant 2 : i32
    scf.for %scan3A_846 = %scan3A_407 to %scan3A_409 step %scan3A_410  : i32 {
      %get3A = arith.constant 0 : i32
      %get3A_847 = arith.index_cast %get3A : i32 to index
      %get3A_848 = arith.index_cast %scan3A_846 : i32 to index
      %get3A_849 = arith.constant 0 : index
      %get3A_850 = tpu.vector_load %arg8[%get3A_847, %get3A_848, %get3A_849] {strides = array<i32>} : memref<2x384x64xf32, #tpu.memory_space<vmem>>, vector<1x1x16xf32>,
      %get3A_851 = vector.shape_cast %get3A_850 : vector<1x1x16xf32> to vector<16xf32>
      %get3A_852 = arith.constant 0 : i32
      %get3A_853 = arith.index_cast %get3A_852 : i32 to index
      %get3A_854 = arith.index_cast %scan3A_846 : i32 to index
      %get3A_855 = arith.constant 0 : index
      %get3A_856 = tpu.vector_load %arg9[%get3A_853, %get3A_854, %get3A_855] {strides = array<i32>} : memref<2x384x64xf32, #tpu.memory_space<vmem>>, vector<1x1x16xf32>,
      %get3A_857 = vector.shape_cast %get3A_856 : vector<1x1x16xf32> to vector<16xf32>
      %add3A_858 = arith.addf %get3A_851, %get3A_857 : vector<16xf32>
      %mul3A_859 = arith.constant 5.000000e-01 : f32
      %mul3A_860 = vector.broadcast %mul3A_859 : f32 to vector<16xf32>
      %mul3A_861 = arith.mulf %add3A_858, %mul3A_860 : vector<16xf32>
      %swap3A = arith.constant 0 : i32
      %swap3A_862 = arith.index_cast %swap3A : i32 to index
      %swap3A_863 = arith.index_cast %scan3A_846 : i32 to index
      %swap3A_864 = arith.constant 0 : index
      %swap3A_865 = tpu.vector_load %arg8[%swap3A_862, %swap3A_863, %swap3A_864] {strides = array<i32>} : memref<2x384x64xf32, #tpu.memory_space<vmem>>, vector<1x1x16xf32>,
      %swap3A_866 = vector.shape_cast %swap3A_865 : vector<1x1x16xf32> to vector<16xf32>
      %swap3A_867 = vector.shape_cast %mul3A_861 : vector<16xf32> to vector<1x1x16xf32>
      tpu.vector_store %arg8[%swap3A_862, %swap3A_863, %swap3A_864], %swap3A_867 {strides = array<i32>} : memref<2x384x64xf32, #tpu.memory_space<vmem>>, vector<1x1x16xf32>,
      %get3A_868 = arith.constant 0 : i32
      %get3A_869 = arith.index_cast %get3A_868 : i32 to index
      %get3A_870 = arith.index_cast %scan3A_846 : i32 to index
      %get3A_871 = arith.constant 16 : index
      %get3A_872 = tpu.vector_load %arg8[%get3A_869, %get3A_870, %get3A_871] {strides = array<i32>} : memref<2x384x64xf32, #tpu.memory_space<vmem>>, vector<1x1x16xf32>,
      %get3A_873 = vector.shape_cast %get3A_872 : vector<1x1x16xf32> to vector<16xf32>
      %get3A_874 = arith.constant 0 : i32
      %get3A_875 = arith.index_cast %get3A_874 : i32 to index
      %get3A_876 = arith.index_cast %scan3A_846 : i32 to index
      %get3A_877 = arith.constant 16 : index
      %get3A_878 = tpu.vector_load %arg9[%get3A_875, %get3A_876, %get3A_877] {strides = array<i32>} : memref<2x384x64xf32, #tpu.memory_space<vmem>>, vector<1x1x16xf32>,
      %get3A_879 = vector.shape_cast %get3A_878 : vector<1x1x16xf32> to vector<16xf32>
      %add3A_880 = arith.addf %get3A_873, %get3A_879 : vector<16xf32>
      %mul3A_881 = arith.constant 5.000000e-01 : f32
      %mul3A_882 = vector.broadcast %mul3A_881 : f32 to vector<16xf32>
      %mul3A_883 = arith.mulf %add3A_880, %mul3A_882 : vector<16xf32>
      %swap3A_884 = arith.constant 0 : i32
      %swap3A_885 = arith.index_cast %swap3A_884 : i32 to index
      %swap3A_886 = arith.index_cast %scan3A_846 : i32 to index
      %swap3A_887 = arith.constant 16 : index
      %swap3A_888 = tpu.vector_load %arg8[%swap3A_885, %swap3A_886, %swap3A_887] {strides = array<i32>} : memref<2x384x64xf32, #tpu.memory_space<vmem>>, vector<1x1x16xf32>,
      %swap3A_889 = vector.shape_cast %swap3A_888 : vector<1x1x16xf32> to vector<16xf32>
      %swap3A_890 = vector.shape_cast %mul3A_883 : vector<16xf32> to vector<1x1x16xf32>
      tpu.vector_store %arg8[%swap3A_885, %swap3A_886, %swap3A_887], %swap3A_890 {strides = array<i32>} : memref<2x384x64xf32, #tpu.memory_space<vmem>>, vector<1x1x16xf32>,
      %get3A_891 = arith.constant 0 : i32
      %get3A_892 = arith.index_cast %get3A_891 : i32 to index
      %get3A_893 = arith.index_cast %scan3A_846 : i32 to index
      %get3A_894 = arith.constant 32 : index
      %get3A_895 = tpu.vector_load %arg8[%get3A_892, %get3A_893, %get3A_894] {strides = array<i32>} : memref<2x384x64xf32, #tpu.memory_space<vmem>>, vector<1x1x16xf32>,
      %get3A_896 = vector.shape_cast %get3A_895 : vector<1x1x16xf32> to vector<16xf32>
      %get3A_897 = arith.constant 0 : i32
      %get3A_898 = arith.index_cast %get3A_897 : i32 to index
      %get3A_899 = arith.index_cast %scan3A_846 : i32 to index
      %get3A_900 = arith.constant 32 : index
      %get3A_901 = tpu.vector_load %arg9[%get3A_898, %get3A_899, %get3A_900] {strides = array<i32>} : memref<2x384x64xf32, #tpu.memory_space<vmem>>, vector<1x1x16xf32>,
      %get3A_902 = vector.shape_cast %get3A_901 : vector<1x1x16xf32> to vector<16xf32>
      %add3A_903 = arith.addf %get3A_896, %get3A_902 : vector<16xf32>
      %mul3A_904 = arith.constant 5.000000e-01 : f32
      %mul3A_905 = vector.broadcast %mul3A_904 : f32 to vector<16xf32>
      %mul3A_906 = arith.mulf %add3A_903, %mul3A_905 : vector<16xf32>
      %swap3A_907 = arith.constant 0 : i32
      %swap3A_908 = arith.index_cast %swap3A_907 : i32 to index
      %swap3A_909 = arith.index_cast %scan3A_846 : i32 to index
      %swap3A_910 = arith.constant 32 : index
      %swap3A_911 = tpu.vector_load %arg8[%swap3A_908, %swap3A_909, %swap3A_910] {strides = array<i32>} : memref<2x384x64xf32, #tpu.memory_space<vmem>>, vector<1x1x16xf32>,
      %swap3A_912 = vector.shape_cast %swap3A_911 : vector<1x1x16xf32> to vector<16xf32>
      %swap3A_913 = vector.shape_cast %mul3A_906 : vector<16xf32> to vector<1x1x16xf32>
      tpu.vector_store %arg8[%swap3A_908, %swap3A_909, %swap3A_910], %swap3A_913 {strides = array<i32>} : memref<2x384x64xf32, #tpu.memory_space<vmem>>, vector<1x1x16xf32>,
      %get3A_914 = arith.constant 0 : i32
      %get3A_915 = arith.index_cast %get3A_914 : i32 to index
      %get3A_916 = arith.index_cast %scan3A_846 : i32 to index
      %get3A_917 = arith.constant 48 : index
      %get3A_918 = tpu.vector_load %arg8[%get3A_915, %get3A_916, %get3A_917] {strides = array<i32>} : memref<2x384x64xf32, #tpu.memory_space<vmem>>, vector<1x1x16xf32>,
      %get3A_919 = vector.shape_cast %get3A_918 : vector<1x1x16xf32> to vector<16xf32>
      %get3A_920 = arith.constant 0 : i32
      %get3A_921 = arith.index_cast %get3A_920 : i32 to index
      %get3A_922 = arith.index_cast %scan3A_846 : i32 to index
      %get3A_923 = arith.constant 48 : index
      %get3A_924 = tpu.vector_load %arg9[%get3A_921, %get3A_922, %get3A_923] {strides = array<i32>} : memref<2x384x64xf32, #tpu.memory_space<vmem>>, vector<1x1x16xf32>,
      %get3A_925 = vector.shape_cast %get3A_924 : vector<1x1x16xf32> to vector<16xf32>
      %add3A_926 = arith.addf %get3A_919, %get3A_925 : vector<16xf32>
      %mul3A_927 = arith.constant 5.000000e-01 : f32
      %mul3A_928 = vector.broadcast %mul3A_927 : f32 to vector<16xf32>
      %mul3A_929 = arith.mulf %add3A_926, %mul3A_928 : vector<16xf32>
      %swap3A_930 = arith.constant 0 : i32
      %swap3A_931 = arith.index_cast %swap3A_930 : i32 to index
      %swap3A_932 = arith.index_cast %scan3A_846 : i32 to index
      %swap3A_933 = arith.constant 48 : index
      %swap3A_934 = tpu.vector_load %arg8[%swap3A_931, %swap3A_932, %swap3A_933] {strides = array<i32>} : memref<2x384x64xf32, #tpu.memory_space<vmem>>, vector<1x1x16xf32>,
      %swap3A_935 = vector.shape_cast %swap3A_934 : vector<1x1x16xf32> to vector<16xf32>
      %swap3A_936 = vector.shape_cast %mul3A_929 : vector<16xf32> to vector<1x1x16xf32>
      tpu.vector_store %arg8[%swap3A_931, %swap3A_932, %swap3A_933], %swap3A_936 {strides = array<i32>} : memref<2x384x64xf32, #tpu.memory_space<vmem>>, vector<1x1x16xf32>,
      %scan3A_937 = arith.constant 1 : i32
      %scan3A_938 = arith.addi %scan3A_846, %scan3A_937 : i32
      %get3A_939 = arith.constant 0 : i32
      %get3A_940 = arith.index_cast %get3A_939 : i32 to index
      %get3A_941 = arith.index_cast %scan3A_938 : i32 to index
      %get3A_942 = arith.constant 0 : index
      %get3A_943 = tpu.vector_load %arg8[%get3A_940, %get3A_941, %get3A_942] {strides = array<i32>} : memref<2x384x64xf32, #tpu.memory_space<vmem>>, vector<1x1x16xf32>,
      %get3A_944 = vector.shape_cast %get3A_943 : vector<1x1x16xf32> to vector<16xf32>
      %get3A_945 = arith.constant 0 : i32
      %get3A_946 = arith.index_cast %get3A_945 : i32 to index
      %get3A_947 = arith.index_cast %scan3A_938 : i32 to index
      %get3A_948 = arith.constant 0 : index
      %get3A_949 = tpu.vector_load %arg9[%get3A_946, %get3A_947, %get3A_948] {strides = array<i32>} : memref<2x384x64xf32, #tpu.memory_space<vmem>>, vector<1x1x16xf32>,
      %get3A_950 = vector.shape_cast %get3A_949 : vector<1x1x16xf32> to vector<16xf32>
      %add3A_951 = arith.addf %get3A_944, %get3A_950 : vector<16xf32>
      %mul3A_952 = arith.constant 5.000000e-01 : f32
      %mul3A_953 = vector.broadcast %mul3A_952 : f32 to vector<16xf32>
      %mul3A_954 = arith.mulf %add3A_951, %mul3A_953 : vector<16xf32>
      %swap3A_955 = arith.constant 0 : i32
      %swap3A_956 = arith.index_cast %swap3A_955 : i32 to index
      %swap3A_957 = arith.index_cast %scan3A_938 : i32 to index
      %swap3A_958 = arith.constant 0 : index
      %swap3A_959 = tpu.vector_load %arg8[%swap3A_956, %swap3A_957, %swap3A_958] {strides = array<i32>} : memref<2x384x64xf32, #tpu.memory_space<vmem>>, vector<1x1x16xf32>,
      %swap3A_960 = vector.shape_cast %swap3A_959 : vector<1x1x16xf32> to vector<16xf32>
      %swap3A_961 = vector.shape_cast %mul3A_954 : vector<16xf32> to vector<1x1x16xf32>
      tpu.vector_store %arg8[%swap3A_956, %swap3A_957, %swap3A_958], %swap3A_961 {strides = array<i32>} : memref<2x384x64xf32, #tpu.memory_space<vmem>>, vector<1x1x16xf32>,
      %get3A_962 = arith.constant 0 : i32
      %get3A_963 = arith.index_cast %get3A_962 : i32 to index
      %get3A_964 = arith.index_cast %scan3A_938 : i32 to index
      %get3A_965 = arith.constant 16 : index
      %get3A_966 = tpu.vector_load %arg8[%get3A_963, %get3A_964, %get3A_965] {strides = array<i32>} : memref<2x384x64xf32, #tpu.memory_space<vmem>>, vector<1x1x16xf32>,
      %get3A_967 = vector.shape_cast %get3A_966 : vector<1x1x16xf32> to vector<16xf32>
      %get3A_968 = arith.constant 0 : i32
      %get3A_969 = arith.index_cast %get3A_968 : i32 to index
      %get3A_970 = arith.index_cast %scan3A_938 : i32 to index
      %get3A_971 = arith.constant 16 : index
      %get3A_972 = tpu.vector_load %arg9[%get3A_969, %get3A_970, %get3A_971] {strides = array<i32>} : memref<2x384x64xf32, #tpu.memory_space<vmem>>, vector<1x1x16xf32>,
      %get3A_973 = vector.shape_cast %get3A_972 : vector<1x1x16xf32> to vector<16xf32>
      %add3A_974 = arith.addf %get3A_967, %get3A_973 : vector<16xf32>
      %mul3A_975 = arith.constant 5.000000e-01 : f32
      %mul3A_976 = vector.broadcast %mul3A_975 : f32 to vector<16xf32>
      %mul3A_977 = arith.mulf %add3A_974, %mul3A_976 : vector<16xf32>
      %swap3A_978 = arith.constant 0 : i32
      %swap3A_979 = arith.index_cast %swap3A_978 : i32 to index
      %swap3A_980 = arith.index_cast %scan3A_938 : i32 to index
      %swap3A_981 = arith.constant 16 : index
      %swap3A_982 = tpu.vector_load %arg8[%swap3A_979, %swap3A_980, %swap3A_981] {strides = array<i32>} : memref<2x384x64xf32, #tpu.memory_space<vmem>>, vector<1x1x16xf32>,
      %swap3A_983 = vector.shape_cast %swap3A_982 : vector<1x1x16xf32> to vector<16xf32>
      %swap3A_984 = vector.shape_cast %mul3A_977 : vector<16xf32> to vector<1x1x16xf32>
      tpu.vector_store %arg8[%swap3A_979, %swap3A_980, %swap3A_981], %swap3A_984 {strides = array<i32>} : memref<2x384x64xf32, #tpu.memory_space<vmem>>, vector<1x1x16xf32>,
      %get3A_985 = arith.constant 0 : i32
      %get3A_986 = arith.index_cast %get3A_985 : i32 to index
      %get3A_987 = arith.index_cast %scan3A_938 : i32 to index
      %get3A_988 = arith.constant 32 : index
      %get3A_989 = tpu.vector_load %arg8[%get3A_986, %get3A_987, %get3A_988] {strides = array<i32>} : memref<2x384x64xf32, #tpu.memory_space<vmem>>, vector<1x1x16xf32>,
      %get3A_990 = vector.shape_cast %get3A_989 : vector<1x1x16xf32> to vector<16xf32>
      %get3A_991 = arith.constant 0 : i32
      %get3A_992 = arith.index_cast %get3A_991 : i32 to index
      %get3A_993 = arith.index_cast %scan3A_938 : i32 to index
      %get3A_994 = arith.constant 32 : index
      %get3A_995 = tpu.vector_load %arg9[%get3A_992, %get3A_993, %get3A_994] {strides = array<i32>} : memref<2x384x64xf32, #tpu.memory_space<vmem>>, vector<1x1x16xf32>,
      %get3A_996 = vector.shape_cast %get3A_995 : vector<1x1x16xf32> to vector<16xf32>
      %add3A_997 = arith.addf %get3A_990, %get3A_996 : vector<16xf32>
      %mul3A_998 = arith.constant 5.000000e-01 : f32
      %mul3A_999 = vector.broadcast %mul3A_998 : f32 to vector<16xf32>
      %mul3A_1000 = arith.mulf %add3A_997, %mul3A_999 : vector<16xf32>
      %swap3A_1001 = arith.constant 0 : i32
      %swap3A_1002 = arith.index_cast %swap3A_1001 : i32 to index
      %swap3A_1003 = arith.index_cast %scan3A_938 : i32 to index
      %swap3A_1004 = arith.constant 32 : index
      %swap3A_1005 = tpu.vector_load %arg8[%swap3A_1002, %swap3A_1003, %swap3A_1004] {strides = array<i32>} : memref<2x384x64xf32, #tpu.memory_space<vmem>>, vector<1x1x16xf32>,
      %swap3A_1006 = vector.shape_cast %swap3A_1005 : vector<1x1x16xf32> to vector<16xf32>
      %swap3A_1007 = vector.shape_cast %mul3A_1000 : vector<16xf32> to vector<1x1x16xf32>
      tpu.vector_store %arg8[%swap3A_1002, %swap3A_1003, %swap3A_1004], %swap3A_1007 {strides = array<i32>} : memref<2x384x64xf32, #tpu.memory_space<vmem>>, vector<1x1x16xf32>,
      %get3A_1008 = arith.constant 0 : i32
      %get3A_1009 = arith.index_cast %get3A_1008 : i32 to index
      %get3A_1010 = arith.index_cast %scan3A_938 : i32 to index
      %get3A_1011 = arith.constant 48 : index
      %get3A_1012 = tpu.vector_load %arg8[%get3A_1009, %get3A_1010, %get3A_1011] {strides = array<i32>} : memref<2x384x64xf32, #tpu.memory_space<vmem>>, vector<1x1x16xf32>,
      %get3A_1013 = vector.shape_cast %get3A_1012 : vector<1x1x16xf32> to vector<16xf32>
      %get3A_1014 = arith.constant 0 : i32
      %get3A_1015 = arith.index_cast %get3A_1014 : i32 to index
      %get3A_1016 = arith.index_cast %scan3A_938 : i32 to index
      %get3A_1017 = arith.constant 48 : index
      %get3A_1018 = tpu.vector_load %arg9[%get3A_1015, %get3A_1016, %get3A_1017] {strides = array<i32>} : memref<2x384x64xf32, #tpu.memory_space<vmem>>, vector<1x1x16xf32>,
      %get3A_1019 = vector.shape_cast %get3A_1018 : vector<1x1x16xf32> to vector<16xf32>
      %add3A_1020 = arith.addf %get3A_1013, %get3A_1019 : vector<16xf32>
      %mul3A_1021 = arith.constant 5.000000e-01 : f32
      %mul3A_1022 = vector.broadcast %mul3A_1021 : f32 to vector<16xf32>
      %mul3A_1023 = arith.mulf %add3A_1020, %mul3A_1022 : vector<16xf32>
      %swap3A_1024 = arith.constant 0 : i32
      %swap3A_1025 = arith.index_cast %swap3A_1024 : i32 to index
      %swap3A_1026 = arith.index_cast %scan3A_938 : i32 to index
      %swap3A_1027 = arith.constant 48 : index
      %swap3A_1028 = tpu.vector_load %arg8[%swap3A_1025, %swap3A_1026, %swap3A_1027] {strides = array<i32>} : memref<2x384x64xf32, #tpu.memory_space<vmem>>, vector<1x1x16xf32>,
      %swap3A_1029 = vector.shape_cast %swap3A_1028 : vector<1x1x16xf32> to vector<16xf32>
      %swap3A_1030 = vector.shape_cast %mul3A_1023 : vector<16xf32> to vector<1x1x16xf32>
      tpu.vector_store %arg8[%swap3A_1025, %swap3A_1026, %swap3A_1027], %swap3A_1030 {strides = array<i32>} : memref<2x384x64xf32, #tpu.memory_space<vmem>>, vector<1x1x16xf32>,
    }
    %scan3A_411 = arith.constant 384 : i32
    %add3A_412 = arith.constant 0 : i32
    %add3A_413 = arith.addi %mul3A_2, %add3A_412 : i32
    %dma_start3A_414 = arith.constant 0 : i32
    %dma_start3A_415 = arith.constant 0 : i32
    %dma_start3A_416 = arith.constant 0 : i32
    %dma_start3A_417 = tpu.memref_slice %arg8[%dma_start3A_414, %dma_start3A_415, %dma_start3A_416] : memref<2x384x64xf32, #tpu.memory_space<vmem>> -> memref<1x384x64xf32, #tpu.memory_space<vmem>>
    %dma_start3A_418 = tpu.memref_squeeze %dma_start3A_417 : memref<1x384x64xf32, #tpu.memory_space<vmem>> -> memref<384x64xf32, #tpu.memory_space<vmem>>
    %dma_start3A_419 = arith.constant 0 : i32
    %dma_start3A_420 = tpu.memref_slice %arg5[%add3A_413, %dma_start3A_419] : memref<995328x64xf32, #tpu.memory_space<hbm>> -> memref<384x64xf32, #tpu.memory_space<hbm>>
    %dma_start3A_421 = arith.constant 0 : i32
    %dma_start3A_422 = tpu.memref_slice %arg5[%add3A_413, %dma_start3A_421] : memref<995328x64xf32, #tpu.memory_space<hbm>> -> memref<384x64xf32, #tpu.memory_space<hbm>>
    %dma_start3A_423 = arith.constant 0 : i32
    %dma_start3A_424 = arith.constant 0 : i32
    %dma_start3A_425 = tpu.memref_slice %arg8[%dma_start3A_414, %dma_start3A_423, %dma_start3A_424] : memref<2x384x64xf32, #tpu.memory_space<vmem>> -> memref<1x384x64xf32, #tpu.memory_space<vmem>>
    %dma_start3A_426 = tpu.memref_squeeze %dma_start3A_425 : memref<1x384x64xf32, #tpu.memory_space<vmem>> -> memref<384x64xf32, #tpu.memory_space<vmem>>
    tpu.enqueue_dma source(%dma_start3A_426 : memref<384x64xf32, #tpu.memory_space<vmem>>) target(%dma_start3A_422 : memref<384x64xf32, #tpu.memory_space<hbm>>) target_semaphore(%arg14 : memref<!tpu.dma_semaphore, #tpu.memory_space<semaphore_mem>>)
    %scan3A_427 = arith.constant 0 : i32
    %scan3A_428 = arith.constant 0 : i32
    %scan3A_429 = arith.constant 39 : i32
    %scan3A_430 = arith.addi %scan3A_428, %scan3A_429 : i32
    %scan3A_431 = arith.constant 1 : i32
    scf.for %scan3A_846 = %scan3A_428 to %scan3A_430 step %scan3A_431  : i32 {
      %mul3A_847 = arith.constant 2 : i32
      %mul3A_848 = arith.muli %mul3A_847, %scan3A_846 : i32
      %add3A_849 = arith.constant 1 : i32
      %add3A_850 = arith.addi %add3A_849, %mul3A_848 : i32
      %sub3A = arith.constant 1 : i32
      %sub3A_851 = arith.subi %add3A_850, %sub3A : i32
      %mul3A_852 = arith.constant 384 : i32
      %mul3A_853 = arith.muli %sub3A_851, %mul3A_852 : i32
      %add3A_854 = arith.addi %mul3A_2, %mul3A_853 : i32
      %dma_wait3A_855 = arith.constant 0 : i32
      %dma_wait3A_856 = arith.constant 0 : i32
      %dma_wait3A_857 = arith.constant 0 : i32
      %dma_wait3A_858 = tpu.memref_slice %arg8[%dma_wait3A_855, %dma_wait3A_856, %dma_wait3A_857] : memref<2x384x64xf32, #tpu.memory_space<vmem>> -> memref<1x384x64xf32, #tpu.memory_space<vmem>>
      %dma_wait3A_859 = tpu.memref_squeeze %dma_wait3A_858 : memref<1x384x64xf32, #tpu.memory_space<vmem>> -> memref<384x64xf32, #tpu.memory_space<vmem>>
      %dma_wait3A_860 = arith.constant 0 : i32
      %dma_wait3A_861 = tpu.memref_slice %arg5[%add3A_854, %dma_wait3A_860] : memref<995328x64xf32, #tpu.memory_space<hbm>> -> memref<384x64xf32, #tpu.memory_space<hbm>>
      %dma_wait3A_862 = arith.constant 0 : i32
      %dma_wait3A_863 = tpu.memref_slice %arg5[%add3A_854, %dma_wait3A_862] : memref<995328x64xf32, #tpu.memory_space<hbm>> -> memref<384x64xf32, #tpu.memory_space<hbm>>
      %dma_wait3A_864 = arith.constant 0 : i32
      %dma_wait3A_865 = arith.constant 0 : i32
      %dma_wait3A_866 = tpu.memref_slice %arg8[%dma_wait3A_855, %dma_wait3A_864, %dma_wait3A_865] : memref<2x384x64xf32, #tpu.memory_space<vmem>> -> memref<1x384x64xf32, #tpu.memory_space<vmem>>
      %dma_wait3A_867 = tpu.memref_squeeze %dma_wait3A_866 : memref<1x384x64xf32, #tpu.memory_space<vmem>> -> memref<384x64xf32, #tpu.memory_space<vmem>>
      tpu.wait_dma2 semaphore(%arg14 : memref<!tpu.dma_semaphore, #tpu.memory_space<semaphore_mem>>) src(%dma_wait3A_867 : memref<384x64xf32, #tpu.memory_space<vmem>>) dst(%dma_wait3A_863 : memref<384x64xf32, #tpu.memory_space<hbm>>)
      %add3A_868 = arith.constant 1 : i32
      %add3A_869 = arith.addi %add3A_850, %add3A_868 : i32
      %mul3A_870 = arith.constant 384 : i32
      %mul3A_871 = arith.muli %add3A_869, %mul3A_870 : i32
      %add3A_872 = arith.addi %mul3A_2, %mul3A_871 : i32
      %dma_wait3A_873 = arith.constant 0 : i32
      %dma_wait3A_874 = arith.constant 0 : i32
      %dma_wait3A_875 = tpu.memref_slice %arg6[%dma_wait3A_873, %dma_wait3A_874] : memref<2x384xi32, #tpu.memory_space<vmem>> -> memref<1x384xi32, #tpu.memory_space<vmem>>
      %dma_wait3A_876 = tpu.memref_squeeze %dma_wait3A_875 : memref<1x384xi32, #tpu.memory_space<vmem>> -> memref<384xi32, #tpu.memory_space<vmem>>
      %dma_wait3A_877 = tpu.memref_slice %arg2[%add3A_872] : memref<995328xi32, #tpu.memory_space<hbm>> -> memref<384xi32, #tpu.memory_space<hbm>>
      %dma_wait3A_878 = arith.constant 0 : i32
      %dma_wait3A_879 = tpu.memref_slice %arg6[%dma_wait3A_873, %dma_wait3A_878] : memref<2x384xi32, #tpu.memory_space<vmem>> -> memref<1x384xi32, #tpu.memory_space<vmem>>
      %dma_wait3A_880 = tpu.memref_squeeze %dma_wait3A_879 : memref<1x384xi32, #tpu.memory_space<vmem>> -> memref<384xi32, #tpu.memory_space<vmem>>
      %dma_wait3A_881 = tpu.memref_slice %arg2[%add3A_872] : memref<995328xi32, #tpu.memory_space<hbm>> -> memref<384xi32, #tpu.memory_space<hbm>>
      tpu.wait_dma2 semaphore(%arg10 : memref<!tpu.dma_semaphore, #tpu.memory_space<semaphore_mem>>) src(%dma_wait3A_881 : memref<384xi32, #tpu.memory_space<hbm>>) dst(%dma_wait3A_880 : memref<384xi32, #tpu.memory_space<vmem>>)
      %dma_wait3A_882 = arith.constant 0 : i32
      %dma_wait3A_883 = arith.constant 0 : i32
      %dma_wait3A_884 = tpu.memref_slice %arg7[%dma_wait3A_882, %dma_wait3A_883] : memref<2x384xi32, #tpu.memory_space<vmem>> -> memref<1x384xi32, #tpu.memory_space<vmem>>
      %dma_wait3A_885 = tpu.memref_squeeze %dma_wait3A_884 : memref<1x384xi32, #tpu.memory_space<vmem>> -> memref<384xi32, #tpu.memory_space<vmem>>
      %dma_wait3A_886 = tpu.memref_slice %arg3[%add3A_872] : memref<995328xi32, #tpu.memory_space<hbm>> -> memref<384xi32, #tpu.memory_space<hbm>>
      %dma_wait3A_887 = arith.constant 0 : i32
      %dma_wait3A_888 = tpu.memref_slice %arg7[%dma_wait3A_882, %dma_wait3A_887] : memref<2x384xi32, #tpu.memory_space<vmem>> -> memref<1x384xi32, #tpu.memory_space<vmem>>
      %dma_wait3A_889 = tpu.memref_squeeze %dma_wait3A_888 : memref<1x384xi32, #tpu.memory_space<vmem>> -> memref<384xi32, #tpu.memory_space<vmem>>
      %dma_wait3A_890 = tpu.memref_slice %arg3[%add3A_872] : memref<995328xi32, #tpu.memory_space<hbm>> -> memref<384xi32, #tpu.memory_space<hbm>>
      tpu.wait_dma2 semaphore(%arg10 : memref<!tpu.dma_semaphore, #tpu.memory_space<semaphore_mem>>) src(%dma_wait3A_890 : memref<384xi32, #tpu.memory_space<hbm>>) dst(%dma_wait3A_889 : memref<384xi32, #tpu.memory_space<vmem>>)
      %dma_start3A_891 = arith.constant 0 : i32
      %dma_start3A_892 = arith.constant 0 : i32
      %dma_start3A_893 = arith.constant 0 : i32
      %dma_start3A_894 = arith.constant 0 : i32
      %dma_start3A_895 = tpu.memref_slice %arg8[%dma_start3A_892, %dma_start3A_893, %dma_start3A_894] : memref<2x384x64xf32, #tpu.memory_space<vmem>> -> memref<1x384x64xf32, #tpu.memory_space<vmem>>
      %dma_start3A_896 = tpu.memref_squeeze %dma_start3A_895 : memref<1x384x64xf32, #tpu.memory_space<vmem>> -> memref<384x64xf32, #tpu.memory_space<vmem>>
      %dma_start3A_897 = arith.constant 0 : i32
      %dma_start3A_898 = arith.constant 0 : i32
      %dma_start3A_899 = tpu.memref_slice %dma_start3A_896[%dma_start3A_897, %dma_start3A_898] : memref<384x64xf32, #tpu.memory_space<vmem>> -> memref<128x64xf32, #tpu.memory_space<vmem>>
      %dma_start3A_900 = arith.constant 0 : i32
      %dma_start3A_901 = tpu.memref_slice %arg6[%dma_start3A_891, %dma_start3A_900] : memref<2x384xi32, #tpu.memory_space<vmem>> -> memref<1x384xi32, #tpu.memory_space<vmem>>
      %dma_start3A_902 = tpu.memref_squeeze %dma_start3A_901 : memref<1x384xi32, #tpu.memory_space<vmem>> -> memref<384xi32, #tpu.memory_space<vmem>>
      %dma_start3A_903 = arith.constant 0 : i32
      %dma_start3A_904 = tpu.memref_slice %dma_start3A_902[%dma_start3A_903] : memref<384xi32, #tpu.memory_space<vmem>> -> memref<128xi32, #tpu.memory_space<vmem>>
      %dma_start3A_905 = arith.constant 0 : i32
      %dma_start3A_906 = arith.constant 0 : i32
      %dma_start3A_907 = tpu.memref_slice %arg4[%dma_start3A_905, %dma_start3A_906] : memref<100000x64xf32, #tpu.memory_space<hbm>> -> memref<100000x64xf32, #tpu.memory_space<hbm>>
      tpu.enqueue_indirect_dma source(%dma_start3A_907 : memref<100000x64xf32, #tpu.memory_space<hbm>>) target(%dma_start3A_899 : memref<128x64xf32, #tpu.memory_space<vmem>>) offsets(%dma_start3A_904 : memref<128xi32, #tpu.memory_space<vmem>>) semaphore(%arg12 : memref<!tpu.dma_semaphore, #tpu.memory_space<semaphore_mem>>)
      %dma_start3A_908 = arith.constant 0 : i32
      %dma_start3A_909 = arith.constant 0 : i32
      %dma_start3A_910 = arith.constant 0 : i32
      %dma_start3A_911 = arith.constant 0 : i32
      %dma_start3A_912 = tpu.memref_slice %arg9[%dma_start3A_909, %dma_start3A_910, %dma_start3A_911] : memref<2x384x64xf32, #tpu.memory_space<vmem>> -> memref<1x384x64xf32, #tpu.memory_space<vmem>>
      %dma_start3A_913 = tpu.memref_squeeze %dma_start3A_912 : memref<1x384x64xf32, #tpu.memory_space<vmem>> -> memref<384x64xf32, #tpu.memory_space<vmem>>
      %dma_start3A_914 = arith.constant 0 : i32
      %dma_start3A_915 = arith.constant 0 : i32
      %dma_start3A_916 = tpu.memref_slice %dma_start3A_913[%dma_start3A_914, %dma_start3A_915] : memref<384x64xf32, #tpu.memory_space<vmem>> -> memref<128x64xf32, #tpu.memory_space<vmem>>
      %dma_start3A_917 = arith.constant 0 : i32
      %dma_start3A_918 = tpu.memref_slice %arg7[%dma_start3A_908, %dma_start3A_917] : memref<2x384xi32, #tpu.memory_space<vmem>> -> memref<1x384xi32, #tpu.memory_space<vmem>>
      %dma_start3A_919 = tpu.memref_squeeze %dma_start3A_918 : memref<1x384xi32, #tpu.memory_space<vmem>> -> memref<384xi32, #tpu.memory_space<vmem>>
      %dma_start3A_920 = arith.constant 0 : i32
      %dma_start3A_921 = tpu.memref_slice %dma_start3A_919[%dma_start3A_920] : memref<384xi32, #tpu.memory_space<vmem>> -> memref<128xi32, #tpu.memory_space<vmem>>
      %dma_start3A_922 = arith.constant 0 : i32
      %dma_start3A_923 = arith.constant 0 : i32
      %dma_start3A_924 = tpu.memref_slice %arg4[%dma_start3A_922, %dma_start3A_923] : memref<100000x64xf32, #tpu.memory_space<hbm>> -> memref<100000x64xf32, #tpu.memory_space<hbm>>
      tpu.enqueue_indirect_dma source(%dma_start3A_924 : memref<100000x64xf32, #tpu.memory_space<hbm>>) target(%dma_start3A_916 : memref<128x64xf32, #tpu.memory_space<vmem>>) offsets(%dma_start3A_921 : memref<128xi32, #tpu.memory_space<vmem>>) semaphore(%arg12 : memref<!tpu.dma_semaphore, #tpu.memory_space<semaphore_mem>>)
      %dma_start3A_925 = arith.constant 0 : i32
      %dma_start3A_926 = arith.constant 0 : i32
      %dma_start3A_927 = arith.constant 0 : i32
      %dma_start3A_928 = arith.constant 0 : i32
      %dma_start3A_929 = tpu.memref_slice %arg8[%dma_start3A_926, %dma_start3A_927, %dma_start3A_928] : memref<2x384x64xf32, #tpu.memory_space<vmem>> -> memref<1x384x64xf32, #tpu.memory_space<vmem>>
      %dma_start3A_930 = tpu.memref_squeeze %dma_start3A_929 : memref<1x384x64xf32, #tpu.memory_space<vmem>> -> memref<384x64xf32, #tpu.memory_space<vmem>>
      %dma_start3A_931 = arith.constant 128 : i32
      %dma_start3A_932 = arith.constant 0 : i32
      %dma_start3A_933 = tpu.memref_slice %dma_start3A_930[%dma_start3A_931, %dma_start3A_932] : memref<384x64xf32, #tpu.memory_space<vmem>> -> memref<128x64xf32, #tpu.memory_space<vmem>>
      %dma_start3A_934 = arith.constant 0 : i32
      %dma_start3A_935 = tpu.memref_slice %arg6[%dma_start3A_925, %dma_start3A_934] : memref<2x384xi32, #tpu.memory_space<vmem>> -> memref<1x384xi32, #tpu.memory_space<vmem>>
      %dma_start3A_936 = tpu.memref_squeeze %dma_start3A_935 : memref<1x384xi32, #tpu.memory_space<vmem>> -> memref<384xi32, #tpu.memory_space<vmem>>
      %dma_start3A_937 = arith.constant 128 : i32
      %dma_start3A_938 = tpu.memref_slice %dma_start3A_936[%dma_start3A_937] : memref<384xi32, #tpu.memory_space<vmem>> -> memref<128xi32, #tpu.memory_space<vmem>>
      %dma_start3A_939 = arith.constant 0 : i32
      %dma_start3A_940 = arith.constant 0 : i32
      %dma_start3A_941 = tpu.memref_slice %arg4[%dma_start3A_939, %dma_start3A_940] : memref<100000x64xf32, #tpu.memory_space<hbm>> -> memref<100000x64xf32, #tpu.memory_space<hbm>>
      tpu.enqueue_indirect_dma source(%dma_start3A_941 : memref<100000x64xf32, #tpu.memory_space<hbm>>) target(%dma_start3A_933 : memref<128x64xf32, #tpu.memory_space<vmem>>) offsets(%dma_start3A_938 : memref<128xi32, #tpu.memory_space<vmem>>) semaphore(%arg12 : memref<!tpu.dma_semaphore, #tpu.memory_space<semaphore_mem>>)
      %dma_start3A_942 = arith.constant 0 : i32
      %dma_start3A_943 = arith.constant 0 : i32
      %dma_start3A_944 = arith.constant 0 : i32
      %dma_start3A_945 = arith.constant 0 : i32
      %dma_start3A_946 = tpu.memref_slice %arg9[%dma_start3A_943, %dma_start3A_944, %dma_start3A_945] : memref<2x384x64xf32, #tpu.memory_space<vmem>> -> memref<1x384x64xf32, #tpu.memory_space<vmem>>
      %dma_start3A_947 = tpu.memref_squeeze %dma_start3A_946 : memref<1x384x64xf32, #tpu.memory_space<vmem>> -> memref<384x64xf32, #tpu.memory_space<vmem>>
      %dma_start3A_948 = arith.constant 128 : i32
      %dma_start3A_949 = arith.constant 0 : i32
      %dma_start3A_950 = tpu.memref_slice %dma_start3A_947[%dma_start3A_948, %dma_start3A_949] : memref<384x64xf32, #tpu.memory_space<vmem>> -> memref<128x64xf32, #tpu.memory_space<vmem>>
      %dma_start3A_951 = arith.constant 0 : i32
      %dma_start3A_952 = tpu.memref_slice %arg7[%dma_start3A_942, %dma_start3A_951] : memref<2x384xi32, #tpu.memory_space<vmem>> -> memref<1x384xi32, #tpu.memory_space<vmem>>
      %dma_start3A_953 = tpu.memref_squeeze %dma_start3A_952 : memref<1x384xi32, #tpu.memory_space<vmem>> -> memref<384xi32, #tpu.memory_space<vmem>>
      %dma_start3A_954 = arith.constant 128 : i32
      %dma_start3A_955 = tpu.memref_slice %dma_start3A_953[%dma_start3A_954] : memref<384xi32, #tpu.memory_space<vmem>> -> memref<128xi32, #tpu.memory_space<vmem>>
      %dma_start3A_956 = arith.constant 0 : i32
      %dma_start3A_957 = arith.constant 0 : i32
      %dma_start3A_958 = tpu.memref_slice %arg4[%dma_start3A_956, %dma_start3A_957] : memref<100000x64xf32, #tpu.memory_space<hbm>> -> memref<100000x64xf32, #tpu.memory_space<hbm>>
      tpu.enqueue_indirect_dma source(%dma_start3A_958 : memref<100000x64xf32, #tpu.memory_space<hbm>>) target(%dma_start3A_950 : memref<128x64xf32, #tpu.memory_space<vmem>>) offsets(%dma_start3A_955 : memref<128xi32, #tpu.memory_space<vmem>>) semaphore(%arg12 : memref<!tpu.dma_semaphore, #tpu.memory_space<semaphore_mem>>)
      %dma_start3A_959 = arith.constant 0 : i32
      %dma_start3A_960 = arith.constant 0 : i32
      %dma_start3A_961 = arith.constant 0 : i32
      %dma_start3A_962 = arith.constant 0 : i32
      %dma_start3A_963 = tpu.memref_slice %arg8[%dma_start3A_960, %dma_start3A_961, %dma_start3A_962] : memref<2x384x64xf32, #tpu.memory_space<vmem>> -> memref<1x384x64xf32, #tpu.memory_space<vmem>>
      %dma_start3A_964 = tpu.memref_squeeze %dma_start3A_963 : memref<1x384x64xf32, #tpu.memory_space<vmem>> -> memref<384x64xf32, #tpu.memory_space<vmem>>
      %dma_start3A_965 = arith.constant 256 : i32
      %dma_start3A_966 = arith.constant 0 : i32
      %dma_start3A_967 = tpu.memref_slice %dma_start3A_964[%dma_start3A_965, %dma_start3A_966] : memref<384x64xf32, #tpu.memory_space<vmem>> -> memref<128x64xf32, #tpu.memory_space<vmem>>
      %dma_start3A_968 = arith.constant 0 : i32
      %dma_start3A_969 = tpu.memref_slice %arg6[%dma_start3A_959, %dma_start3A_968] : memref<2x384xi32, #tpu.memory_space<vmem>> -> memref<1x384xi32, #tpu.memory_space<vmem>>
      %dma_start3A_970 = tpu.memref_squeeze %dma_start3A_969 : memref<1x384xi32, #tpu.memory_space<vmem>> -> memref<384xi32, #tpu.memory_space<vmem>>
      %dma_start3A_971 = arith.constant 256 : i32
      %dma_start3A_972 = tpu.memref_slice %dma_start3A_970[%dma_start3A_971] : memref<384xi32, #tpu.memory_space<vmem>> -> memref<128xi32, #tpu.memory_space<vmem>>
      %dma_start3A_973 = arith.constant 0 : i32
      %dma_start3A_974 = arith.constant 0 : i32
      %dma_start3A_975 = tpu.memref_slice %arg4[%dma_start3A_973, %dma_start3A_974] : memref<100000x64xf32, #tpu.memory_space<hbm>> -> memref<100000x64xf32, #tpu.memory_space<hbm>>
      tpu.enqueue_indirect_dma source(%dma_start3A_975 : memref<100000x64xf32, #tpu.memory_space<hbm>>) target(%dma_start3A_967 : memref<128x64xf32, #tpu.memory_space<vmem>>) offsets(%dma_start3A_972 : memref<128xi32, #tpu.memory_space<vmem>>) semaphore(%arg12 : memref<!tpu.dma_semaphore, #tpu.memory_space<semaphore_mem>>)
      %dma_start3A_976 = arith.constant 0 : i32
      %dma_start3A_977 = arith.constant 0 : i32
      %dma_start3A_978 = arith.constant 0 : i32
      %dma_start3A_979 = arith.constant 0 : i32
      %dma_start3A_980 = tpu.memref_slice %arg9[%dma_start3A_977, %dma_start3A_978, %dma_start3A_979] : memref<2x384x64xf32, #tpu.memory_space<vmem>> -> memref<1x384x64xf32, #tpu.memory_space<vmem>>
      %dma_start3A_981 = tpu.memref_squeeze %dma_start3A_980 : memref<1x384x64xf32, #tpu.memory_space<vmem>> -> memref<384x64xf32, #tpu.memory_space<vmem>>
      %dma_start3A_982 = arith.constant 256 : i32
      %dma_start3A_983 = arith.constant 0 : i32
      %dma_start3A_984 = tpu.memref_slice %dma_start3A_981[%dma_start3A_982, %dma_start3A_983] : memref<384x64xf32, #tpu.memory_space<vmem>> -> memref<128x64xf32, #tpu.memory_space<vmem>>
      %dma_start3A_985 = arith.constant 0 : i32
      %dma_start3A_986 = tpu.memref_slice %arg7[%dma_start3A_976, %dma_start3A_985] : memref<2x384xi32, #tpu.memory_space<vmem>> -> memref<1x384xi32, #tpu.memory_space<vmem>>
      %dma_start3A_987 = tpu.memref_squeeze %dma_start3A_986 : memref<1x384xi32, #tpu.memory_space<vmem>> -> memref<384xi32, #tpu.memory_space<vmem>>
      %dma_start3A_988 = arith.constant 256 : i32
      %dma_start3A_989 = tpu.memref_slice %dma_start3A_987[%dma_start3A_988] : memref<384xi32, #tpu.memory_space<vmem>> -> memref<128xi32, #tpu.memory_space<vmem>>
      %dma_start3A_990 = arith.constant 0 : i32
      %dma_start3A_991 = arith.constant 0 : i32
      %dma_start3A_992 = tpu.memref_slice %arg4[%dma_start3A_990, %dma_start3A_991] : memref<100000x64xf32, #tpu.memory_space<hbm>> -> memref<100000x64xf32, #tpu.memory_space<hbm>>
      tpu.enqueue_indirect_dma source(%dma_start3A_992 : memref<100000x64xf32, #tpu.memory_space<hbm>>) target(%dma_start3A_984 : memref<128x64xf32, #tpu.memory_space<vmem>>) offsets(%dma_start3A_989 : memref<128xi32, #tpu.memory_space<vmem>>) semaphore(%arg12 : memref<!tpu.dma_semaphore, #tpu.memory_space<semaphore_mem>>)
      %dma_wait3A_993 = arith.constant 1 : i32
      %dma_wait3A_994 = arith.constant 1 : i32
      %dma_wait3A_995 = arith.constant 0 : i32
      %dma_wait3A_996 = arith.constant 0 : i32
      %dma_wait3A_997 = tpu.memref_slice %arg8[%dma_wait3A_994, %dma_wait3A_995, %dma_wait3A_996] : memref<2x384x64xf32, #tpu.memory_space<vmem>> -> memref<1x384x64xf32, #tpu.memory_space<vmem>>
      %dma_wait3A_998 = tpu.memref_squeeze %dma_wait3A_997 : memref<1x384x64xf32, #tpu.memory_space<vmem>> -> memref<384x64xf32, #tpu.memory_space<vmem>>
      %dma_wait3A_999 = arith.constant 0 : i32
      %dma_wait3A_1000 = arith.constant 0 : i32
      %dma_wait3A_1001 = tpu.memref_slice %dma_wait3A_998[%dma_wait3A_999, %dma_wait3A_1000] : memref<384x64xf32, #tpu.memory_space<vmem>> -> memref<128x64xf32, #tpu.memory_space<vmem>>
      %dma_wait3A_1002 = arith.constant 0 : i32
      %dma_wait3A_1003 = tpu.memref_slice %arg6[%dma_wait3A_993, %dma_wait3A_1002] : memref<2x384xi32, #tpu.memory_space<vmem>> -> memref<1x384xi32, #tpu.memory_space<vmem>>
      %dma_wait3A_1004 = tpu.memref_squeeze %dma_wait3A_1003 : memref<1x384xi32, #tpu.memory_space<vmem>> -> memref<384xi32, #tpu.memory_space<vmem>>
      %dma_wait3A_1005 = arith.constant 0 : i32
      %dma_wait3A_1006 = tpu.memref_slice %dma_wait3A_1004[%dma_wait3A_1005] : memref<384xi32, #tpu.memory_space<vmem>> -> memref<128xi32, #tpu.memory_space<vmem>>
      %dma_wait3A_1007 = arith.constant 0 : i32
      %dma_wait3A_1008 = arith.constant 0 : i32
      %dma_wait3A_1009 = tpu.memref_slice %arg4[%dma_wait3A_1007, %dma_wait3A_1008] : memref<100000x64xf32, #tpu.memory_space<hbm>> -> memref<100000x64xf32, #tpu.memory_space<hbm>>
      tpu.wait_indirect_dma semaphore(%arg13 : memref<!tpu.dma_semaphore, #tpu.memory_space<semaphore_mem>>) src(%dma_wait3A_1009 : memref<100000x64xf32, #tpu.memory_space<hbm>>) dst(%dma_wait3A_1001 : memref<128x64xf32, #tpu.memory_space<vmem>>)
      %dma_wait3A_1010 = arith.constant 1 : i32
      %dma_wait3A_1011 = arith.constant 1 : i32
      %dma_wait3A_1012 = arith.constant 0 : i32
      %dma_wait3A_1013 = arith.constant 0 : i32
      %dma_wait3A_1014 = tpu.memref_slice %arg9[%dma_wait3A_1011, %dma_wait3A_1012, %dma_wait3A_1013] : memref<2x384x64xf32, #tpu.memory_space<vmem>> -> memref<1x384x64xf32, #tpu.memory_space<vmem>>
      %dma_wait3A_1015 = tpu.memref_squeeze %dma_wait3A_1014 : memref<1x384x64xf32, #tpu.memory_space<vmem>> -> memref<384x64xf32, #tpu.memory_space<vmem>>
      %dma_wait3A_1016 = arith.constant 0 : i32
      %dma_wait3A_1017 = arith.constant 0 : i32
      %dma_wait3A_1018 = tpu.memref_slice %dma_wait3A_1015[%dma_wait3A_1016, %dma_wait3A_1017] : memref<384x64xf32, #tpu.memory_space<vmem>> -> memref<128x64xf32, #tpu.memory_space<vmem>>
      %dma_wait3A_1019 = arith.constant 0 : i32
      %dma_wait3A_1020 = tpu.memref_slice %arg7[%dma_wait3A_1010, %dma_wait3A_1019] : memref<2x384xi32, #tpu.memory_space<vmem>> -> memref<1x384xi32, #tpu.memory_space<vmem>>
      %dma_wait3A_1021 = tpu.memref_squeeze %dma_wait3A_1020 : memref<1x384xi32, #tpu.memory_space<vmem>> -> memref<384xi32, #tpu.memory_space<vmem>>
      %dma_wait3A_1022 = arith.constant 0 : i32
      %dma_wait3A_1023 = tpu.memref_slice %dma_wait3A_1021[%dma_wait3A_1022] : memref<384xi32, #tpu.memory_space<vmem>> -> memref<128xi32, #tpu.memory_space<vmem>>
      %dma_wait3A_1024 = arith.constant 0 : i32
      %dma_wait3A_1025 = arith.constant 0 : i32
      %dma_wait3A_1026 = tpu.memref_slice %arg4[%dma_wait3A_1024, %dma_wait3A_1025] : memref<100000x64xf32, #tpu.memory_space<hbm>> -> memref<100000x64xf32, #tpu.memory_space<hbm>>
      tpu.wait_indirect_dma semaphore(%arg13 : memref<!tpu.dma_semaphore, #tpu.memory_space<semaphore_mem>>) src(%dma_wait3A_1026 : memref<100000x64xf32, #tpu.memory_space<hbm>>) dst(%dma_wait3A_1018 : memref<128x64xf32, #tpu.memory_space<vmem>>)
      %dma_wait3A_1027 = arith.constant 1 : i32
      %dma_wait3A_1028 = arith.constant 1 : i32
      %dma_wait3A_1029 = arith.constant 0 : i32
      %dma_wait3A_1030 = arith.constant 0 : i32
      %dma_wait3A_1031 = tpu.memref_slice %arg8[%dma_wait3A_1028, %dma_wait3A_1029, %dma_wait3A_1030] : memref<2x384x64xf32, #tpu.memory_space<vmem>> -> memref<1x384x64xf32, #tpu.memory_space<vmem>>
      %dma_wait3A_1032 = tpu.memref_squeeze %dma_wait3A_1031 : memref<1x384x64xf32, #tpu.memory_space<vmem>> -> memref<384x64xf32, #tpu.memory_space<vmem>>
      %dma_wait3A_1033 = arith.constant 128 : i32
      %dma_wait3A_1034 = arith.constant 0 : i32
      %dma_wait3A_1035 = tpu.memref_slice %dma_wait3A_1032[%dma_wait3A_1033, %dma_wait3A_1034] : memref<384x64xf32, #tpu.memory_space<vmem>> -> memref<128x64xf32, #tpu.memory_space<vmem>>
      %dma_wait3A_1036 = arith.constant 0 : i32
      %dma_wait3A_1037 = tpu.memref_slice %arg6[%dma_wait3A_1027, %dma_wait3A_1036] : memref<2x384xi32, #tpu.memory_space<vmem>> -> memref<1x384xi32, #tpu.memory_space<vmem>>
      %dma_wait3A_1038 = tpu.memref_squeeze %dma_wait3A_1037 : memref<1x384xi32, #tpu.memory_space<vmem>> -> memref<384xi32, #tpu.memory_space<vmem>>
      %dma_wait3A_1039 = arith.constant 128 : i32
      %dma_wait3A_1040 = tpu.memref_slice %dma_wait3A_1038[%dma_wait3A_1039] : memref<384xi32, #tpu.memory_space<vmem>> -> memref<128xi32, #tpu.memory_space<vmem>>
      %dma_wait3A_1041 = arith.constant 0 : i32
      %dma_wait3A_1042 = arith.constant 0 : i32
      %dma_wait3A_1043 = tpu.memref_slice %arg4[%dma_wait3A_1041, %dma_wait3A_1042] : memref<100000x64xf32, #tpu.memory_space<hbm>> -> memref<100000x64xf32, #tpu.memory_space<hbm>>
      tpu.wait_indirect_dma semaphore(%arg13 : memref<!tpu.dma_semaphore, #tpu.memory_space<semaphore_mem>>) src(%dma_wait3A_1043 : memref<100000x64xf32, #tpu.memory_space<hbm>>) dst(%dma_wait3A_1035 : memref<128x64xf32, #tpu.memory_space<vmem>>)
      %dma_wait3A_1044 = arith.constant 1 : i32
      %dma_wait3A_1045 = arith.constant 1 : i32
      %dma_wait3A_1046 = arith.constant 0 : i32
      %dma_wait3A_1047 = arith.constant 0 : i32
      %dma_wait3A_1048 = tpu.memref_slice %arg9[%dma_wait3A_1045, %dma_wait3A_1046, %dma_wait3A_1047] : memref<2x384x64xf32, #tpu.memory_space<vmem>> -> memref<1x384x64xf32, #tpu.memory_space<vmem>>
      %dma_wait3A_1049 = tpu.memref_squeeze %dma_wait3A_1048 : memref<1x384x64xf32, #tpu.memory_space<vmem>> -> memref<384x64xf32, #tpu.memory_space<vmem>>
      %dma_wait3A_1050 = arith.constant 128 : i32
      %dma_wait3A_1051 = arith.constant 0 : i32
      %dma_wait3A_1052 = tpu.memref_slice %dma_wait3A_1049[%dma_wait3A_1050, %dma_wait3A_1051] : memref<384x64xf32, #tpu.memory_space<vmem>> -> memref<128x64xf32, #tpu.memory_space<vmem>>
      %dma_wait3A_1053 = arith.constant 0 : i32
      %dma_wait3A_1054 = tpu.memref_slice %arg7[%dma_wait3A_1044, %dma_wait3A_1053] : memref<2x384xi32, #tpu.memory_space<vmem>> -> memref<1x384xi32, #tpu.memory_space<vmem>>
      %dma_wait3A_1055 = tpu.memref_squeeze %dma_wait3A_1054 : memref<1x384xi32, #tpu.memory_space<vmem>> -> memref<384xi32, #tpu.memory_space<vmem>>
      %dma_wait3A_1056 = arith.constant 128 : i32
      %dma_wait3A_1057 = tpu.memref_slice %dma_wait3A_1055[%dma_wait3A_1056] : memref<384xi32, #tpu.memory_space<vmem>> -> memref<128xi32, #tpu.memory_space<vmem>>
      %dma_wait3A_1058 = arith.constant 0 : i32
      %dma_wait3A_1059 = arith.constant 0 : i32
      %dma_wait3A_1060 = tpu.memref_slice %arg4[%dma_wait3A_1058, %dma_wait3A_1059] : memref<100000x64xf32, #tpu.memory_space<hbm>> -> memref<100000x64xf32, #tpu.memory_space<hbm>>
      tpu.wait_indirect_dma semaphore(%arg13 : memref<!tpu.dma_semaphore, #tpu.memory_space<semaphore_mem>>) src(%dma_wait3A_1060 : memref<100000x64xf32, #tpu.memory_space<hbm>>) dst(%dma_wait3A_1052 : memref<128x64xf32, #tpu.memory_space<vmem>>)
      %dma_wait3A_1061 = arith.constant 1 : i32
      %dma_wait3A_1062 = arith.constant 1 : i32
      %dma_wait3A_1063 = arith.constant 0 : i32
      %dma_wait3A_1064 = arith.constant 0 : i32
      %dma_wait3A_1065 = tpu.memref_slice %arg8[%dma_wait3A_1062, %dma_wait3A_1063, %dma_wait3A_1064] : memref<2x384x64xf32, #tpu.memory_space<vmem>> -> memref<1x384x64xf32, #tpu.memory_space<vmem>>
      %dma_wait3A_1066 = tpu.memref_squeeze %dma_wait3A_1065 : memref<1x384x64xf32, #tpu.memory_space<vmem>> -> memref<384x64xf32, #tpu.memory_space<vmem>>
      %dma_wait3A_1067 = arith.constant 256 : i32
      %dma_wait3A_1068 = arith.constant 0 : i32
      %dma_wait3A_1069 = tpu.memref_slice %dma_wait3A_1066[%dma_wait3A_1067, %dma_wait3A_1068] : memref<384x64xf32, #tpu.memory_space<vmem>> -> memref<128x64xf32, #tpu.memory_space<vmem>>
      %dma_wait3A_1070 = arith.constant 0 : i32
      %dma_wait3A_1071 = tpu.memref_slice %arg6[%dma_wait3A_1061, %dma_wait3A_1070] : memref<2x384xi32, #tpu.memory_space<vmem>> -> memref<1x384xi32, #tpu.memory_space<vmem>>
      %dma_wait3A_1072 = tpu.memref_squeeze %dma_wait3A_1071 : memref<1x384xi32, #tpu.memory_space<vmem>> -> memref<384xi32, #tpu.memory_space<vmem>>
      %dma_wait3A_1073 = arith.constant 256 : i32
      %dma_wait3A_1074 = tpu.memref_slice %dma_wait3A_1072[%dma_wait3A_1073] : memref<384xi32, #tpu.memory_space<vmem>> -> memref<128xi32, #tpu.memory_space<vmem>>
      %dma_wait3A_1075 = arith.constant 0 : i32
      %dma_wait3A_1076 = arith.constant 0 : i32
      %dma_wait3A_1077 = tpu.memref_slice %arg4[%dma_wait3A_1075, %dma_wait3A_1076] : memref<100000x64xf32, #tpu.memory_space<hbm>> -> memref<100000x64xf32, #tpu.memory_space<hbm>>
      tpu.wait_indirect_dma semaphore(%arg13 : memref<!tpu.dma_semaphore, #tpu.memory_space<semaphore_mem>>) src(%dma_wait3A_1077 : memref<100000x64xf32, #tpu.memory_space<hbm>>) dst(%dma_wait3A_1069 : memref<128x64xf32, #tpu.memory_space<vmem>>)
      %dma_wait3A_1078 = arith.constant 1 : i32
      %dma_wait3A_1079 = arith.constant 1 : i32
      %dma_wait3A_1080 = arith.constant 0 : i32
      %dma_wait3A_1081 = arith.constant 0 : i32
      %dma_wait3A_1082 = tpu.memref_slice %arg9[%dma_wait3A_1079, %dma_wait3A_1080, %dma_wait3A_1081] : memref<2x384x64xf32, #tpu.memory_space<vmem>> -> memref<1x384x64xf32, #tpu.memory_space<vmem>>
      %dma_wait3A_1083 = tpu.memref_squeeze %dma_wait3A_1082 : memref<1x384x64xf32, #tpu.memory_space<vmem>> -> memref<384x64xf32, #tpu.memory_space<vmem>>
      %dma_wait3A_1084 = arith.constant 256 : i32
      %dma_wait3A_1085 = arith.constant 0 : i32
      %dma_wait3A_1086 = tpu.memref_slice %dma_wait3A_1083[%dma_wait3A_1084, %dma_wait3A_1085] : memref<384x64xf32, #tpu.memory_space<vmem>> -> memref<128x64xf32, #tpu.memory_space<vmem>>
      %dma_wait3A_1087 = arith.constant 0 : i32
      %dma_wait3A_1088 = tpu.memref_slice %arg7[%dma_wait3A_1078, %dma_wait3A_1087] : memref<2x384xi32, #tpu.memory_space<vmem>> -> memref<1x384xi32, #tpu.memory_space<vmem>>
      %dma_wait3A_1089 = tpu.memref_squeeze %dma_wait3A_1088 : memref<1x384xi32, #tpu.memory_space<vmem>> -> memref<384xi32, #tpu.memory_space<vmem>>
      %dma_wait3A_1090 = arith.constant 256 : i32
      %dma_wait3A_1091 = tpu.memref_slice %dma_wait3A_1089[%dma_wait3A_1090] : memref<384xi32, #tpu.memory_space<vmem>> -> memref<128xi32, #tpu.memory_space<vmem>>
      %dma_wait3A_1092 = arith.constant 0 : i32
      %dma_wait3A_1093 = arith.constant 0 : i32
      %dma_wait3A_1094 = tpu.memref_slice %arg4[%dma_wait3A_1092, %dma_wait3A_1093] : memref<100000x64xf32, #tpu.memory_space<hbm>> -> memref<100000x64xf32, #tpu.memory_space<hbm>>
      tpu.wait_indirect_dma semaphore(%arg13 : memref<!tpu.dma_semaphore, #tpu.memory_space<semaphore_mem>>) src(%dma_wait3A_1094 : memref<100000x64xf32, #tpu.memory_space<hbm>>) dst(%dma_wait3A_1086 : memref<128x64xf32, #tpu.memory_space<vmem>>)
      %add3A_1095 = arith.constant 2 : i32
      %add3A_1096 = arith.addi %add3A_850, %add3A_1095 : i32
      %mul3A_1097 = arith.constant 384 : i32
      %mul3A_1098 = arith.muli %add3A_1096, %mul3A_1097 : i32
      %add3A_1099 = arith.addi %mul3A_2, %mul3A_1098 : i32
      %dma_start3A_1100 = arith.constant 1 : i32
      %dma_start3A_1101 = arith.constant 0 : i32
      %dma_start3A_1102 = tpu.memref_slice %arg6[%dma_start3A_1100, %dma_start3A_1101] : memref<2x384xi32, #tpu.memory_space<vmem>> -> memref<1x384xi32, #tpu.memory_space<vmem>>
      %dma_start3A_1103 = tpu.memref_squeeze %dma_start3A_1102 : memref<1x384xi32, #tpu.memory_space<vmem>> -> memref<384xi32, #tpu.memory_space<vmem>>
      %dma_start3A_1104 = tpu.memref_slice %arg2[%add3A_1099] : memref<995328xi32, #tpu.memory_space<hbm>> -> memref<384xi32, #tpu.memory_space<hbm>>
      %dma_start3A_1105 = arith.constant 0 : i32
      %dma_start3A_1106 = tpu.memref_slice %arg6[%dma_start3A_1100, %dma_start3A_1105] : memref<2x384xi32, #tpu.memory_space<vmem>> -> memref<1x384xi32, #tpu.memory_space<vmem>>
      %dma_start3A_1107 = tpu.memref_squeeze %dma_start3A_1106 : memref<1x384xi32, #tpu.memory_space<vmem>> -> memref<384xi32, #tpu.memory_space<vmem>>
      %dma_start3A_1108 = tpu.memref_slice %arg2[%add3A_1099] : memref<995328xi32, #tpu.memory_space<hbm>> -> memref<384xi32, #tpu.memory_space<hbm>>
      tpu.enqueue_dma source(%dma_start3A_1108 : memref<384xi32, #tpu.memory_space<hbm>>) target(%dma_start3A_1107 : memref<384xi32, #tpu.memory_space<vmem>>) target_semaphore(%arg11 : memref<!tpu.dma_semaphore, #tpu.memory_space<semaphore_mem>>)
      %dma_start3A_1109 = arith.constant 1 : i32
      %dma_start3A_1110 = arith.constant 0 : i32
      %dma_start3A_1111 = tpu.memref_slice %arg7[%dma_start3A_1109, %dma_start3A_1110] : memref<2x384xi32, #tpu.memory_space<vmem>> -> memref<1x384xi32, #tpu.memory_space<vmem>>
      %dma_start3A_1112 = tpu.memref_squeeze %dma_start3A_1111 : memref<1x384xi32, #tpu.memory_space<vmem>> -> memref<384xi32, #tpu.memory_space<vmem>>
      %dma_start3A_1113 = tpu.memref_slice %arg3[%add3A_1099] : memref<995328xi32, #tpu.memory_space<hbm>> -> memref<384xi32, #tpu.memory_space<hbm>>
      %dma_start3A_1114 = arith.constant 0 : i32
      %dma_start3A_1115 = tpu.memref_slice %arg7[%dma_start3A_1109, %dma_start3A_1114] : memref<2x384xi32, #tpu.memory_space<vmem>> -> memref<1x384xi32, #tpu.memory_space<vmem>>
      %dma_start3A_1116 = tpu.memref_squeeze %dma_start3A_1115 : memref<1x384xi32, #tpu.memory_space<vmem>> -> memref<384xi32, #tpu.memory_space<vmem>>
      %dma_start3A_1117 = tpu.memref_slice %arg3[%add3A_1099] : memref<995328xi32, #tpu.memory_space<hbm>> -> memref<384xi32, #tpu.memory_space<hbm>>
      tpu.enqueue_dma source(%dma_start3A_1117 : memref<384xi32, #tpu.memory_space<hbm>>) target(%dma_start3A_1116 : memref<384xi32, #tpu.memory_space<vmem>>) target_semaphore(%arg11 : memref<!tpu.dma_semaphore, #tpu.memory_space<semaphore_mem>>)
      %scan3A_1118 = arith.constant 0 : i32
      %scan3A_1119 = arith.constant 0 : i32
      %scan3A_1120 = arith.constant 384 : i32
      %scan3A_1121 = arith.addi %scan3A_1119, %scan3A_1120 : i32
      %scan3A_1122 = arith.constant 2 : i32
      scf.for %scan3A_1432 = %scan3A_1119 to %scan3A_1121 step %scan3A_1122  : i32 {
        %get3A = arith.constant 1 : i32
        %get3A_1433 = arith.index_cast %get3A : i32 to index
        %get3A_1434 = arith.index_cast %scan3A_1432 : i32 to index
        %get3A_1435 = arith.constant 0 : index
        %get3A_1436 = tpu.vector_load %arg8[%get3A_1433, %get3A_1434, %get3A_1435] {strides = array<i32>} : memref<2x384x64xf32, #tpu.memory_space<vmem>>, vector<1x1x16xf32>,
        %get3A_1437 = vector.shape_cast %get3A_1436 : vector<1x1x16xf32> to vector<16xf32>
        %get3A_1438 = arith.constant 1 : i32
        %get3A_1439 = arith.index_cast %get3A_1438 : i32 to index
        %get3A_1440 = arith.index_cast %scan3A_1432 : i32 to index
        %get3A_1441 = arith.constant 0 : index
        %get3A_1442 = tpu.vector_load %arg9[%get3A_1439, %get3A_1440, %get3A_1441] {strides = array<i32>} : memref<2x384x64xf32, #tpu.memory_space<vmem>>, vector<1x1x16xf32>,
        %get3A_1443 = vector.shape_cast %get3A_1442 : vector<1x1x16xf32> to vector<16xf32>
        %add3A_1444 = arith.addf %get3A_1437, %get3A_1443 : vector<16xf32>
        %mul3A_1445 = arith.constant 5.000000e-01 : f32
        %mul3A_1446 = vector.broadcast %mul3A_1445 : f32 to vector<16xf32>
        %mul3A_1447 = arith.mulf %add3A_1444, %mul3A_1446 : vector<16xf32>
        %swap3A = arith.constant 1 : i32
        %swap3A_1448 = arith.index_cast %swap3A : i32 to index
        %swap3A_1449 = arith.index_cast %scan3A_1432 : i32 to index
        %swap3A_1450 = arith.constant 0 : index
        %swap3A_1451 = tpu.vector_load %arg8[%swap3A_1448, %swap3A_1449, %swap3A_1450] {strides = array<i32>} : memref<2x384x64xf32, #tpu.memory_space<vmem>>, vector<1x1x16xf32>,
        %swap3A_1452 = vector.shape_cast %swap3A_1451 : vector<1x1x16xf32> to vector<16xf32>
        %swap3A_1453 = vector.shape_cast %mul3A_1447 : vector<16xf32> to vector<1x1x16xf32>
        tpu.vector_store %arg8[%swap3A_1448, %swap3A_1449, %swap3A_1450], %swap3A_1453 {strides = array<i32>} : memref<2x384x64xf32, #tpu.memory_space<vmem>>, vector<1x1x16xf32>,
        %get3A_1454 = arith.constant 1 : i32
        %get3A_1455 = arith.index_cast %get3A_1454 : i32 to index
        %get3A_1456 = arith.index_cast %scan3A_1432 : i32 to index
        %get3A_1457 = arith.constant 16 : index
        %get3A_1458 = tpu.vector_load %arg8[%get3A_1455, %get3A_1456, %get3A_1457] {strides = array<i32>} : memref<2x384x64xf32, #tpu.memory_space<vmem>>, vector<1x1x16xf32>,
        %get3A_1459 = vector.shape_cast %get3A_1458 : vector<1x1x16xf32> to vector<16xf32>
        %get3A_1460 = arith.constant 1 : i32
        %get3A_1461 = arith.index_cast %get3A_1460 : i32 to index
        %get3A_1462 = arith.index_cast %scan3A_1432 : i32 to index
        %get3A_1463 = arith.constant 16 : index
        %get3A_1464 = tpu.vector_load %arg9[%get3A_1461, %get3A_1462, %get3A_1463] {strides = array<i32>} : memref<2x384x64xf32, #tpu.memory_space<vmem>>, vector<1x1x16xf32>,
        %get3A_1465 = vector.shape_cast %get3A_1464 : vector<1x1x16xf32> to vector<16xf32>
        %add3A_1466 = arith.addf %get3A_1459, %get3A_1465 : vector<16xf32>
        %mul3A_1467 = arith.constant 5.000000e-01 : f32
        %mul3A_1468 = vector.broadcast %mul3A_1467 : f32 to vector<16xf32>
        %mul3A_1469 = arith.mulf %add3A_1466, %mul3A_1468 : vector<16xf32>
        %swap3A_1470 = arith.constant 1 : i32
        %swap3A_1471 = arith.index_cast %swap3A_1470 : i32 to index
        %swap3A_1472 = arith.index_cast %scan3A_1432 : i32 to index
        %swap3A_1473 = arith.constant 16 : index
        %swap3A_1474 = tpu.vector_load %arg8[%swap3A_1471, %swap3A_1472, %swap3A_1473] {strides = array<i32>} : memref<2x384x64xf32, #tpu.memory_space<vmem>>, vector<1x1x16xf32>,
        %swap3A_1475 = vector.shape_cast %swap3A_1474 : vector<1x1x16xf32> to vector<16xf32>
        %swap3A_1476 = vector.shape_cast %mul3A_1469 : vector<16xf32> to vector<1x1x16xf32>
        tpu.vector_store %arg8[%swap3A_1471, %swap3A_1472, %swap3A_1473], %swap3A_1476 {strides = array<i32>} : memref<2x384x64xf32, #tpu.memory_space<vmem>>, vector<1x1x16xf32>,
        %get3A_1477 = arith.constant 1 : i32
        %get3A_1478 = arith.index_cast %get3A_1477 : i32 to index
        %get3A_1479 = arith.index_cast %scan3A_1432 : i32 to index
        %get3A_1480 = arith.constant 32 : index
        %get3A_1481 = tpu.vector_load %arg8[%get3A_1478, %get3A_1479, %get3A_1480] {strides = array<i32>} : memref<2x384x64xf32, #tpu.memory_space<vmem>>, vector<1x1x16xf32>,
        %get3A_1482 = vector.shape_cast %get3A_1481 : vector<1x1x16xf32> to vector<16xf32>
        %get3A_1483 = arith.constant 1 : i32
        %get3A_1484 = arith.index_cast %get3A_1483 : i32 to index
        %get3A_1485 = arith.index_cast %scan3A_1432 : i32 to index
        %get3A_1486 = arith.constant 32 : index
        %get3A_1487 = tpu.vector_load %arg9[%get3A_1484, %get3A_1485, %get3A_1486] {strides = array<i32>} : memref<2x384x64xf32, #tpu.memory_space<vmem>>, vector<1x1x16xf32>,
        %get3A_1488 = vector.shape_cast %get3A_1487 : vector<1x1x16xf32> to vector<16xf32>
        %add3A_1489 = arith.addf %get3A_1482, %get3A_1488 : vector<16xf32>
        %mul3A_1490 = arith.constant 5.000000e-01 : f32
        %mul3A_1491 = vector.broadcast %mul3A_1490 : f32 to vector<16xf32>
        %mul3A_1492 = arith.mulf %add3A_1489, %mul3A_1491 : vector<16xf32>
        %swap3A_1493 = arith.constant 1 : i32
        %swap3A_1494 = arith.index_cast %swap3A_1493 : i32 to index
        %swap3A_1495 = arith.index_cast %scan3A_1432 : i32 to index
        %swap3A_1496 = arith.constant 32 : index
        %swap3A_1497 = tpu.vector_load %arg8[%swap3A_1494, %swap3A_1495, %swap3A_1496] {strides = array<i32>} : memref<2x384x64xf32, #tpu.memory_space<vmem>>, vector<1x1x16xf32>,
        %swap3A_1498 = vector.shape_cast %swap3A_1497 : vector<1x1x16xf32> to vector<16xf32>
        %swap3A_1499 = vector.shape_cast %mul3A_1492 : vector<16xf32> to vector<1x1x16xf32>
        tpu.vector_store %arg8[%swap3A_1494, %swap3A_1495, %swap3A_1496], %swap3A_1499 {strides = array<i32>} : memref<2x384x64xf32, #tpu.memory_space<vmem>>, vector<1x1x16xf32>,
        %get3A_1500 = arith.constant 1 : i32
        %get3A_1501 = arith.index_cast %get3A_1500 : i32 to index
        %get3A_1502 = arith.index_cast %scan3A_1432 : i32 to index
        %get3A_1503 = arith.constant 48 : index
        %get3A_1504 = tpu.vector_load %arg8[%get3A_1501, %get3A_1502, %get3A_1503] {strides = array<i32>} : memref<2x384x64xf32, #tpu.memory_space<vmem>>, vector<1x1x16xf32>,
        %get3A_1505 = vector.shape_cast %get3A_1504 : vector<1x1x16xf32> to vector<16xf32>
        %get3A_1506 = arith.constant 1 : i32
        %get3A_1507 = arith.index_cast %get3A_1506 : i32 to index
        %get3A_1508 = arith.index_cast %scan3A_1432 : i32 to index
        %get3A_1509 = arith.constant 48 : index
        %get3A_1510 = tpu.vector_load %arg9[%get3A_1507, %get3A_1508, %get3A_1509] {strides = array<i32>} : memref<2x384x64xf32, #tpu.memory_space<vmem>>, vector<1x1x16xf32>,
        %get3A_1511 = vector.shape_cast %get3A_1510 : vector<1x1x16xf32> to vector<16xf32>
        %add3A_1512 = arith.addf %get3A_1505, %get3A_1511 : vector<16xf32>
        %mul3A_1513 = arith.constant 5.000000e-01 : f32
        %mul3A_1514 = vector.broadcast %mul3A_1513 : f32 to vector<16xf32>
        %mul3A_1515 = arith.mulf %add3A_1512, %mul3A_1514 : vector<16xf32>
        %swap3A_1516 = arith.constant 1 : i32
        %swap3A_1517 = arith.index_cast %swap3A_1516 : i32 to index
        %swap3A_1518 = arith.index_cast %scan3A_1432 : i32 to index
        %swap3A_1519 = arith.constant 48 : index
        %swap3A_1520 = tpu.vector_load %arg8[%swap3A_1517, %swap3A_1518, %swap3A_1519] {strides = array<i32>} : memref<2x384x64xf32, #tpu.memory_space<vmem>>, vector<1x1x16xf32>,
        %swap3A_1521 = vector.shape_cast %swap3A_1520 : vector<1x1x16xf32> to vector<16xf32>
        %swap3A_1522 = vector.shape_cast %mul3A_1515 : vector<16xf32> to vector<1x1x16xf32>
        tpu.vector_store %arg8[%swap3A_1517, %swap3A_1518, %swap3A_1519], %swap3A_1522 {strides = array<i32>} : memref<2x384x64xf32, #tpu.memory_space<vmem>>, vector<1x1x16xf32>,
        %scan3A_1523 = arith.constant 1 : i32
        %scan3A_1524 = arith.addi %scan3A_1432, %scan3A_1523 : i32
        %get3A_1525 = arith.constant 1 : i32
        %get3A_1526 = arith.index_cast %get3A_1525 : i32 to index
        %get3A_1527 = arith.index_cast %scan3A_1524 : i32 to index
        %get3A_1528 = arith.constant 0 : index
        %get3A_1529 = tpu.vector_load %arg8[%get3A_1526, %get3A_1527, %get3A_1528] {strides = array<i32>} : memref<2x384x64xf32, #tpu.memory_space<vmem>>, vector<1x1x16xf32>,
        %get3A_1530 = vector.shape_cast %get3A_1529 : vector<1x1x16xf32> to vector<16xf32>
        %get3A_1531 = arith.constant 1 : i32
        %get3A_1532 = arith.index_cast %get3A_1531 : i32 to index
        %get3A_1533 = arith.index_cast %scan3A_1524 : i32 to index
        %get3A_1534 = arith.constant 0 : index
        %get3A_1535 = tpu.vector_load %arg9[%get3A_1532, %get3A_1533, %get3A_1534] {strides = array<i32>} : memref<2x384x64xf32, #tpu.memory_space<vmem>>, vector<1x1x16xf32>,
        %get3A_1536 = vector.shape_cast %get3A_1535 : vector<1x1x16xf32> to vector<16xf32>
        %add3A_1537 = arith.addf %get3A_1530, %get3A_1536 : vector<16xf32>
        %mul3A_1538 = arith.constant 5.000000e-01 : f32
        %mul3A_1539 = vector.broadcast %mul3A_1538 : f32 to vector<16xf32>
        %mul3A_1540 = arith.mulf %add3A_1537, %mul3A_1539 : vector<16xf32>
        %swap3A_1541 = arith.constant 1 : i32
        %swap3A_1542 = arith.index_cast %swap3A_1541 : i32 to index
        %swap3A_1543 = arith.index_cast %scan3A_1524 : i32 to index
        %swap3A_1544 = arith.constant 0 : index
        %swap3A_1545 = tpu.vector_load %arg8[%swap3A_1542, %swap3A_1543, %swap3A_1544] {strides = array<i32>} : memref<2x384x64xf32, #tpu.memory_space<vmem>>, vector<1x1x16xf32>,
        %swap3A_1546 = vector.shape_cast %swap3A_1545 : vector<1x1x16xf32> to vector<16xf32>
        %swap3A_1547 = vector.shape_cast %mul3A_1540 : vector<16xf32> to vector<1x1x16xf32>
        tpu.vector_store %arg8[%swap3A_1542, %swap3A_1543, %swap3A_1544], %swap3A_1547 {strides = array<i32>} : memref<2x384x64xf32, #tpu.memory_space<vmem>>, vector<1x1x16xf32>,
        %get3A_1548 = arith.constant 1 : i32
        %get3A_1549 = arith.index_cast %get3A_1548 : i32 to index
        %get3A_1550 = arith.index_cast %scan3A_1524 : i32 to index
        %get3A_1551 = arith.constant 16 : index
        %get3A_1552 = tpu.vector_load %arg8[%get3A_1549, %get3A_1550, %get3A_1551] {strides = array<i32>} : memref<2x384x64xf32, #tpu.memory_space<vmem>>, vector<1x1x16xf32>,
        %get3A_1553 = vector.shape_cast %get3A_1552 : vector<1x1x16xf32> to vector<16xf32>
        %get3A_1554 = arith.constant 1 : i32
        %get3A_1555 = arith.index_cast %get3A_1554 : i32 to index
        %get3A_1556 = arith.index_cast %scan3A_1524 : i32 to index
        %get3A_1557 = arith.constant 16 : index
        %get3A_1558 = tpu.vector_load %arg9[%get3A_1555, %get3A_1556, %get3A_1557] {strides = array<i32>} : memref<2x384x64xf32, #tpu.memory_space<vmem>>, vector<1x1x16xf32>,
        %get3A_1559 = vector.shape_cast %get3A_1558 : vector<1x1x16xf32> to vector<16xf32>
        %add3A_1560 = arith.addf %get3A_1553, %get3A_1559 : vector<16xf32>
        %mul3A_1561 = arith.constant 5.000000e-01 : f32
        %mul3A_1562 = vector.broadcast %mul3A_1561 : f32 to vector<16xf32>
        %mul3A_1563 = arith.mulf %add3A_1560, %mul3A_1562 : vector<16xf32>
        %swap3A_1564 = arith.constant 1 : i32
        %swap3A_1565 = arith.index_cast %swap3A_1564 : i32 to index
        %swap3A_1566 = arith.index_cast %scan3A_1524 : i32 to index
        %swap3A_1567 = arith.constant 16 : index
        %swap3A_1568 = tpu.vector_load %arg8[%swap3A_1565, %swap3A_1566, %swap3A_1567] {strides = array<i32>} : memref<2x384x64xf32, #tpu.memory_space<vmem>>, vector<1x1x16xf32>,
        %swap3A_1569 = vector.shape_cast %swap3A_1568 : vector<1x1x16xf32> to vector<16xf32>
        %swap3A_1570 = vector.shape_cast %mul3A_1563 : vector<16xf32> to vector<1x1x16xf32>
        tpu.vector_store %arg8[%swap3A_1565, %swap3A_1566, %swap3A_1567], %swap3A_1570 {strides = array<i32>} : memref<2x384x64xf32, #tpu.memory_space<vmem>>, vector<1x1x16xf32>,
        %get3A_1571 = arith.constant 1 : i32
        %get3A_1572 = arith.index_cast %get3A_1571 : i32 to index
        %get3A_1573 = arith.index_cast %scan3A_1524 : i32 to index
        %get3A_1574 = arith.constant 32 : index
        %get3A_1575 = tpu.vector_load %arg8[%get3A_1572, %get3A_1573, %get3A_1574] {strides = array<i32>} : memref<2x384x64xf32, #tpu.memory_space<vmem>>, vector<1x1x16xf32>,
        %get3A_1576 = vector.shape_cast %get3A_1575 : vector<1x1x16xf32> to vector<16xf32>
        %get3A_1577 = arith.constant 1 : i32
        %get3A_1578 = arith.index_cast %get3A_1577 : i32 to index
        %get3A_1579 = arith.index_cast %scan3A_1524 : i32 to index
        %get3A_1580 = arith.constant 32 : index
        %get3A_1581 = tpu.vector_load %arg9[%get3A_1578, %get3A_1579, %get3A_1580] {strides = array<i32>} : memref<2x384x64xf32, #tpu.memory_space<vmem>>, vector<1x1x16xf32>,
        %get3A_1582 = vector.shape_cast %get3A_1581 : vector<1x1x16xf32> to vector<16xf32>
        %add3A_1583 = arith.addf %get3A_1576, %get3A_1582 : vector<16xf32>
        %mul3A_1584 = arith.constant 5.000000e-01 : f32
        %mul3A_1585 = vector.broadcast %mul3A_1584 : f32 to vector<16xf32>
        %mul3A_1586 = arith.mulf %add3A_1583, %mul3A_1585 : vector<16xf32>
        %swap3A_1587 = arith.constant 1 : i32
        %swap3A_1588 = arith.index_cast %swap3A_1587 : i32 to index
        %swap3A_1589 = arith.index_cast %scan3A_1524 : i32 to index
        %swap3A_1590 = arith.constant 32 : index
        %swap3A_1591 = tpu.vector_load %arg8[%swap3A_1588, %swap3A_1589, %swap3A_1590] {strides = array<i32>} : memref<2x384x64xf32, #tpu.memory_space<vmem>>, vector<1x1x16xf32>,
        %swap3A_1592 = vector.shape_cast %swap3A_1591 : vector<1x1x16xf32> to vector<16xf32>
        %swap3A_1593 = vector.shape_cast %mul3A_1586 : vector<16xf32> to vector<1x1x16xf32>
        tpu.vector_store %arg8[%swap3A_1588, %swap3A_1589, %swap3A_1590], %swap3A_1593 {strides = array<i32>} : memref<2x384x64xf32, #tpu.memory_space<vmem>>, vector<1x1x16xf32>,
        %get3A_1594 = arith.constant 1 : i32
        %get3A_1595 = arith.index_cast %get3A_1594 : i32 to index
        %get3A_1596 = arith.index_cast %scan3A_1524 : i32 to index
        %get3A_1597 = arith.constant 48 : index
        %get3A_1598 = tpu.vector_load %arg8[%get3A_1595, %get3A_1596, %get3A_1597] {strides = array<i32>} : memref<2x384x64xf32, #tpu.memory_space<vmem>>, vector<1x1x16xf32>,
        %get3A_1599 = vector.shape_cast %get3A_1598 : vector<1x1x16xf32> to vector<16xf32>
        %get3A_1600 = arith.constant 1 : i32
        %get3A_1601 = arith.index_cast %get3A_1600 : i32 to index
        %get3A_1602 = arith.index_cast %scan3A_1524 : i32 to index
        %get3A_1603 = arith.constant 48 : index
        %get3A_1604 = tpu.vector_load %arg9[%get3A_1601, %get3A_1602, %get3A_1603] {strides = array<i32>} : memref<2x384x64xf32, #tpu.memory_space<vmem>>, vector<1x1x16xf32>,
        %get3A_1605 = vector.shape_cast %get3A_1604 : vector<1x1x16xf32> to vector<16xf32>
        %add3A_1606 = arith.addf %get3A_1599, %get3A_1605 : vector<16xf32>
        %mul3A_1607 = arith.constant 5.000000e-01 : f32
        %mul3A_1608 = vector.broadcast %mul3A_1607 : f32 to vector<16xf32>
        %mul3A_1609 = arith.mulf %add3A_1606, %mul3A_1608 : vector<16xf32>
        %swap3A_1610 = arith.constant 1 : i32
        %swap3A_1611 = arith.index_cast %swap3A_1610 : i32 to index
        %swap3A_1612 = arith.index_cast %scan3A_1524 : i32 to index
        %swap3A_1613 = arith.constant 48 : index
        %swap3A_1614 = tpu.vector_load %arg8[%swap3A_1611, %swap3A_1612, %swap3A_1613] {strides = array<i32>} : memref<2x384x64xf32, #tpu.memory_space<vmem>>, vector<1x1x16xf32>,
        %swap3A_1615 = vector.shape_cast %swap3A_1614 : vector<1x1x16xf32> to vector<16xf32>
        %swap3A_1616 = vector.shape_cast %mul3A_1609 : vector<16xf32> to vector<1x1x16xf32>
        tpu.vector_store %arg8[%swap3A_1611, %swap3A_1612, %swap3A_1613], %swap3A_1616 {strides = array<i32>} : memref<2x384x64xf32, #tpu.memory_space<vmem>>, vector<1x1x16xf32>,
      }
      %scan3A_1123 = arith.constant 384 : i32
      %mul3A_1124 = arith.constant 384 : i32
      %mul3A_1125 = arith.muli %add3A_850, %mul3A_1124 : i32
      %add3A_1126 = arith.addi %mul3A_2, %mul3A_1125 : i32
      %dma_start3A_1127 = arith.constant 1 : i32
      %dma_start3A_1128 = arith.constant 0 : i32
      %dma_start3A_1129 = arith.constant 0 : i32
      %dma_start3A_1130 = tpu.memref_slice %arg8[%dma_start3A_1127, %dma_start3A_1128, %dma_start3A_1129] : memref<2x384x64xf32, #tpu.memory_space<vmem>> -> memref<1x384x64xf32, #tpu.memory_space<vmem>>
      %dma_start3A_1131 = tpu.memref_squeeze %dma_start3A_1130 : memref<1x384x64xf32, #tpu.memory_space<vmem>> -> memref<384x64xf32, #tpu.memory_space<vmem>>
      %dma_start3A_1132 = arith.constant 0 : i32
      %dma_start3A_1133 = tpu.memref_slice %arg5[%add3A_1126, %dma_start3A_1132] : memref<995328x64xf32, #tpu.memory_space<hbm>> -> memref<384x64xf32, #tpu.memory_space<hbm>>
      %dma_start3A_1134 = arith.constant 0 : i32
      %dma_start3A_1135 = tpu.memref_slice %arg5[%add3A_1126, %dma_start3A_1134] : memref<995328x64xf32, #tpu.memory_space<hbm>> -> memref<384x64xf32, #tpu.memory_space<hbm>>
      %dma_start3A_1136 = arith.constant 0 : i32
      %dma_start3A_1137 = arith.constant 0 : i32
      %dma_start3A_1138 = tpu.memref_slice %arg8[%dma_start3A_1127, %dma_start3A_1136, %dma_start3A_1137] : memref<2x384x64xf32, #tpu.memory_space<vmem>> -> memref<1x384x64xf32, #tpu.memory_space<vmem>>
      %dma_start3A_1139 = tpu.memref_squeeze %dma_start3A_1138 : memref<1x384x64xf32, #tpu.memory_space<vmem>> -> memref<384x64xf32, #tpu.memory_space<vmem>>
      tpu.enqueue_dma source(%dma_start3A_1139 : memref<384x64xf32, #tpu.memory_space<vmem>>) target(%dma_start3A_1135 : memref<384x64xf32, #tpu.memory_space<hbm>>) target_semaphore(%arg15 : memref<!tpu.dma_semaphore, #tpu.memory_space<semaphore_mem>>)
      %add3A_1140 = arith.constant 1 : i32
      %add3A_1141 = arith.addi %add3A_850, %add3A_1140 : i32
      %sub3A_1142 = arith.constant 1 : i32
      %sub3A_1143 = arith.subi %add3A_1141, %sub3A_1142 : i32
      %mul3A_1144 = arith.constant 384 : i32
      %mul3A_1145 = arith.muli %sub3A_1143, %mul3A_1144 : i32
      %add3A_1146 = arith.addi %mul3A_2, %mul3A_1145 : i32
      %dma_wait3A_1147 = arith.constant 1 : i32
      %dma_wait3A_1148 = arith.constant 0 : i32
      %dma_wait3A_1149 = arith.constant 0 : i32
      %dma_wait3A_1150 = tpu.memref_slice %arg8[%dma_wait3A_1147, %dma_wait3A_1148, %dma_wait3A_1149] : memref<2x384x64xf32, #tpu.memory_space<vmem>> -> memref<1x384x64xf32, #tpu.memory_space<vmem>>
      %dma_wait3A_1151 = tpu.memref_squeeze %dma_wait3A_1150 : memref<1x384x64xf32, #tpu.memory_space<vmem>> -> memref<384x64xf32, #tpu.memory_space<vmem>>
      %dma_wait3A_1152 = arith.constant 0 : i32
      %dma_wait3A_1153 = tpu.memref_slice %arg5[%add3A_1146, %dma_wait3A_1152] : memref<995328x64xf32, #tpu.memory_space<hbm>> -> memref<384x64xf32, #tpu.memory_space<hbm>>
      %dma_wait3A_1154 = arith.constant 0 : i32
      %dma_wait3A_1155 = tpu.memref_slice %arg5[%add3A_1146, %dma_wait3A_1154] : memref<995328x64xf32, #tpu.memory_space<hbm>> -> memref<384x64xf32, #tpu.memory_space<hbm>>
      %dma_wait3A_1156 = arith.constant 0 : i32
      %dma_wait3A_1157 = arith.constant 0 : i32
      %dma_wait3A_1158 = tpu.memref_slice %arg8[%dma_wait3A_1147, %dma_wait3A_1156, %dma_wait3A_1157] : memref<2x384x64xf32, #tpu.memory_space<vmem>> -> memref<1x384x64xf32, #tpu.memory_space<vmem>>
      %dma_wait3A_1159 = tpu.memref_squeeze %dma_wait3A_1158 : memref<1x384x64xf32, #tpu.memory_space<vmem>> -> memref<384x64xf32, #tpu.memory_space<vmem>>
      tpu.wait_dma2 semaphore(%arg15 : memref<!tpu.dma_semaphore, #tpu.memory_space<semaphore_mem>>) src(%dma_wait3A_1159 : memref<384x64xf32, #tpu.memory_space<vmem>>) dst(%dma_wait3A_1155 : memref<384x64xf32, #tpu.memory_space<hbm>>)
      %add3A_1160 = arith.constant 1 : i32
      %add3A_1161 = arith.addi %add3A_1141, %add3A_1160 : i32
      %mul3A_1162 = arith.constant 384 : i32
      %mul3A_1163 = arith.muli %add3A_1161, %mul3A_1162 : i32
      %add3A_1164 = arith.addi %mul3A_2, %mul3A_1163 : i32
      %dma_wait3A_1165 = arith.constant 1 : i32
      %dma_wait3A_1166 = arith.constant 0 : i32
      %dma_wait3A_1167 = tpu.memref_slice %arg6[%dma_wait3A_1165, %dma_wait3A_1166] : memref<2x384xi32, #tpu.memory_space<vmem>> -> memref<1x384xi32, #tpu.memory_space<vmem>>
      %dma_wait3A_1168 = tpu.memref_squeeze %dma_wait3A_1167 : memref<1x384xi32, #tpu.memory_space<vmem>> -> memref<384xi32, #tpu.memory_space<vmem>>
      %dma_wait3A_1169 = tpu.memref_slice %arg2[%add3A_1164] : memref<995328xi32, #tpu.memory_space<hbm>> -> memref<384xi32, #tpu.memory_space<hbm>>
      %dma_wait3A_1170 = arith.constant 0 : i32
      %dma_wait3A_1171 = tpu.memref_slice %arg6[%dma_wait3A_1165, %dma_wait3A_1170] : memref<2x384xi32, #tpu.memory_space<vmem>> -> memref<1x384xi32, #tpu.memory_space<vmem>>
      %dma_wait3A_1172 = tpu.memref_squeeze %dma_wait3A_1171 : memref<1x384xi32, #tpu.memory_space<vmem>> -> memref<384xi32, #tpu.memory_space<vmem>>
      %dma_wait3A_1173 = tpu.memref_slice %arg2[%add3A_1164] : memref<995328xi32, #tpu.memory_space<hbm>> -> memref<384xi32, #tpu.memory_space<hbm>>
      tpu.wait_dma2 semaphore(%arg11 : memref<!tpu.dma_semaphore, #tpu.memory_space<semaphore_mem>>) src(%dma_wait3A_1173 : memref<384xi32, #tpu.memory_space<hbm>>) dst(%dma_wait3A_1172 : memref<384xi32, #tpu.memory_space<vmem>>)
      %dma_wait3A_1174 = arith.constant 1 : i32
      %dma_wait3A_1175 = arith.constant 0 : i32
      %dma_wait3A_1176 = tpu.memref_slice %arg7[%dma_wait3A_1174, %dma_wait3A_1175] : memref<2x384xi32, #tpu.memory_space<vmem>> -> memref<1x384xi32, #tpu.memory_space<vmem>>
      %dma_wait3A_1177 = tpu.memref_squeeze %dma_wait3A_1176 : memref<1x384xi32, #tpu.memory_space<vmem>> -> memref<384xi32, #tpu.memory_space<vmem>>
      %dma_wait3A_1178 = tpu.memref_slice %arg3[%add3A_1164] : memref<995328xi32, #tpu.memory_space<hbm>> -> memref<384xi32, #tpu.memory_space<hbm>>
      %dma_wait3A_1179 = arith.constant 0 : i32
      %dma_wait3A_1180 = tpu.memref_slice %arg7[%dma_wait3A_1174, %dma_wait3A_1179] : memref<2x384xi32, #tpu.memory_space<vmem>> -> memref<1x384xi32, #tpu.memory_space<vmem>>
      %dma_wait3A_1181 = tpu.memref_squeeze %dma_wait3A_1180 : memref<1x384xi32, #tpu.memory_space<vmem>> -> memref<384xi32, #tpu.memory_space<vmem>>
      %dma_wait3A_1182 = tpu.memref_slice %arg3[%add3A_1164] : memref<995328xi32, #tpu.memory_space<hbm>> -> memref<384xi32, #tpu.memory_space<hbm>>
      tpu.wait_dma2 semaphore(%arg11 : memref<!tpu.dma_semaphore, #tpu.memory_space<semaphore_mem>>) src(%dma_wait3A_1182 : memref<384xi32, #tpu.memory_space<hbm>>) dst(%dma_wait3A_1181 : memref<384xi32, #tpu.memory_space<vmem>>)
      %dma_start3A_1183 = arith.constant 1 : i32
      %dma_start3A_1184 = arith.constant 1 : i32
      %dma_start3A_1185 = arith.constant 0 : i32
      %dma_start3A_1186 = arith.constant 0 : i32
      %dma_start3A_1187 = tpu.memref_slice %arg8[%dma_start3A_1184, %dma_start3A_1185, %dma_start3A_1186] : memref<2x384x64xf32, #tpu.memory_space<vmem>> -> memref<1x384x64xf32, #tpu.memory_space<vmem>>
      %dma_start3A_1188 = tpu.memref_squeeze %dma_start3A_1187 : memref<1x384x64xf32, #tpu.memory_space<vmem>> -> memref<384x64xf32, #tpu.memory_space<vmem>>
      %dma_start3A_1189 = arith.constant 0 : i32
      %dma_start3A_1190 = arith.constant 0 : i32
      %dma_start3A_1191 = tpu.memref_slice %dma_start3A_1188[%dma_start3A_1189, %dma_start3A_1190] : memref<384x64xf32, #tpu.memory_space<vmem>> -> memref<128x64xf32, #tpu.memory_space<vmem>>
      %dma_start3A_1192 = arith.constant 0 : i32
      %dma_start3A_1193 = tpu.memref_slice %arg6[%dma_start3A_1183, %dma_start3A_1192] : memref<2x384xi32, #tpu.memory_space<vmem>> -> memref<1x384xi32, #tpu.memory_space<vmem>>
      %dma_start3A_1194 = tpu.memref_squeeze %dma_start3A_1193 : memref<1x384xi32, #tpu.memory_space<vmem>> -> memref<384xi32, #tpu.memory_space<vmem>>
      %dma_start3A_1195 = arith.constant 0 : i32
      %dma_start3A_1196 = tpu.memref_slice %dma_start3A_1194[%dma_start3A_1195] : memref<384xi32, #tpu.memory_space<vmem>> -> memref<128xi32, #tpu.memory_space<vmem>>
      %dma_start3A_1197 = arith.constant 0 : i32
      %dma_start3A_1198 = arith.constant 0 : i32
      %dma_start3A_1199 = tpu.memref_slice %arg4[%dma_start3A_1197, %dma_start3A_1198] : memref<100000x64xf32, #tpu.memory_space<hbm>> -> memref<100000x64xf32, #tpu.memory_space<hbm>>
      tpu.enqueue_indirect_dma source(%dma_start3A_1199 : memref<100000x64xf32, #tpu.memory_space<hbm>>) target(%dma_start3A_1191 : memref<128x64xf32, #tpu.memory_space<vmem>>) offsets(%dma_start3A_1196 : memref<128xi32, #tpu.memory_space<vmem>>) semaphore(%arg13 : memref<!tpu.dma_semaphore, #tpu.memory_space<semaphore_mem>>)
      %dma_start3A_1200 = arith.constant 1 : i32
      %dma_start3A_1201 = arith.constant 1 : i32
      %dma_start3A_1202 = arith.constant 0 : i32
      %dma_start3A_1203 = arith.constant 0 : i32
      %dma_start3A_1204 = tpu.memref_slice %arg9[%dma_start3A_1201, %dma_start3A_1202, %dma_start3A_1203] : memref<2x384x64xf32, #tpu.memory_space<vmem>> -> memref<1x384x64xf32, #tpu.memory_space<vmem>>
      %dma_start3A_1205 = tpu.memref_squeeze %dma_start3A_1204 : memref<1x384x64xf32, #tpu.memory_space<vmem>> -> memref<384x64xf32, #tpu.memory_space<vmem>>
      %dma_start3A_1206 = arith.constant 0 : i32
      %dma_start3A_1207 = arith.constant 0 : i32
      %dma_start3A_1208 = tpu.memref_slice %dma_start3A_1205[%dma_start3A_1206, %dma_start3A_1207] : memref<384x64xf32, #tpu.memory_space<vmem>> -> memref<128x64xf32, #tpu.memory_space<vmem>>
      %dma_start3A_1209 = arith.constant 0 : i32
      %dma_start3A_1210 = tpu.memref_slice %arg7[%dma_start3A_1200, %dma_start3A_1209] : memref<2x384xi32, #tpu.memory_space<vmem>> -> memref<1x384xi32, #tpu.memory_space<vmem>>
      %dma_start3A_1211 = tpu.memref_squeeze %dma_start3A_1210 : memref<1x384xi32, #tpu.memory_space<vmem>> -> memref<384xi32, #tpu.memory_space<vmem>>
      %dma_start3A_1212 = arith.constant 0 : i32
      %dma_start3A_1213 = tpu.memref_slice %dma_start3A_1211[%dma_start3A_1212] : memref<384xi32, #tpu.memory_space<vmem>> -> memref<128xi32, #tpu.memory_space<vmem>>
      %dma_start3A_1214 = arith.constant 0 : i32
      %dma_start3A_1215 = arith.constant 0 : i32
      %dma_start3A_1216 = tpu.memref_slice %arg4[%dma_start3A_1214, %dma_start3A_1215] : memref<100000x64xf32, #tpu.memory_space<hbm>> -> memref<100000x64xf32, #tpu.memory_space<hbm>>
      tpu.enqueue_indirect_dma source(%dma_start3A_1216 : memref<100000x64xf32, #tpu.memory_space<hbm>>) target(%dma_start3A_1208 : memref<128x64xf32, #tpu.memory_space<vmem>>) offsets(%dma_start3A_1213 : memref<128xi32, #tpu.memory_space<vmem>>) semaphore(%arg13 : memref<!tpu.dma_semaphore, #tpu.memory_space<semaphore_mem>>)
      %dma_start3A_1217 = arith.constant 1 : i32
      %dma_start3A_1218 = arith.constant 1 : i32
      %dma_start3A_1219 = arith.constant 0 : i32
      %dma_start3A_1220 = arith.constant 0 : i32
      %dma_start3A_1221 = tpu.memref_slice %arg8[%dma_start3A_1218, %dma_start3A_1219, %dma_start3A_1220] : memref<2x384x64xf32, #tpu.memory_space<vmem>> -> memref<1x384x64xf32, #tpu.memory_space<vmem>>
      %dma_start3A_1222 = tpu.memref_squeeze %dma_start3A_1221 : memref<1x384x64xf32, #tpu.memory_space<vmem>> -> memref<384x64xf32, #tpu.memory_space<vmem>>
      %dma_start3A_1223 = arith.constant 128 : i32
      %dma_start3A_1224 = arith.constant 0 : i32
      %dma_start3A_1225 = tpu.memref_slice %dma_start3A_1222[%dma_start3A_1223, %dma_start3A_1224] : memref<384x64xf32, #tpu.memory_space<vmem>> -> memref<128x64xf32, #tpu.memory_space<vmem>>
      %dma_start3A_1226 = arith.constant 0 : i32
      %dma_start3A_1227 = tpu.memref_slice %arg6[%dma_start3A_1217, %dma_start3A_1226] : memref<2x384xi32, #tpu.memory_space<vmem>> -> memref<1x384xi32, #tpu.memory_space<vmem>>
      %dma_start3A_1228 = tpu.memref_squeeze %dma_start3A_1227 : memref<1x384xi32, #tpu.memory_space<vmem>> -> memref<384xi32, #tpu.memory_space<vmem>>
      %dma_start3A_1229 = arith.constant 128 : i32
      %dma_start3A_1230 = tpu.memref_slice %dma_start3A_1228[%dma_start3A_1229] : memref<384xi32, #tpu.memory_space<vmem>> -> memref<128xi32, #tpu.memory_space<vmem>>
      %dma_start3A_1231 = arith.constant 0 : i32
      %dma_start3A_1232 = arith.constant 0 : i32
      %dma_start3A_1233 = tpu.memref_slice %arg4[%dma_start3A_1231, %dma_start3A_1232] : memref<100000x64xf32, #tpu.memory_space<hbm>> -> memref<100000x64xf32, #tpu.memory_space<hbm>>
      tpu.enqueue_indirect_dma source(%dma_start3A_1233 : memref<100000x64xf32, #tpu.memory_space<hbm>>) target(%dma_start3A_1225 : memref<128x64xf32, #tpu.memory_space<vmem>>) offsets(%dma_start3A_1230 : memref<128xi32, #tpu.memory_space<vmem>>) semaphore(%arg13 : memref<!tpu.dma_semaphore, #tpu.memory_space<semaphore_mem>>)
      %dma_start3A_1234 = arith.constant 1 : i32
      %dma_start3A_1235 = arith.constant 1 : i32
      %dma_start3A_1236 = arith.constant 0 : i32
      %dma_start3A_1237 = arith.constant 0 : i32
      %dma_start3A_1238 = tpu.memref_slice %arg9[%dma_start3A_1235, %dma_start3A_1236, %dma_start3A_1237] : memref<2x384x64xf32, #tpu.memory_space<vmem>> -> memref<1x384x64xf32, #tpu.memory_space<vmem>>
      %dma_start3A_1239 = tpu.memref_squeeze %dma_start3A_1238 : memref<1x384x64xf32, #tpu.memory_space<vmem>> -> memref<384x64xf32, #tpu.memory_space<vmem>>
      %dma_start3A_1240 = arith.constant 128 : i32
      %dma_start3A_1241 = arith.constant 0 : i32
      %dma_start3A_1242 = tpu.memref_slice %dma_start3A_1239[%dma_start3A_1240, %dma_start3A_1241] : memref<384x64xf32, #tpu.memory_space<vmem>> -> memref<128x64xf32, #tpu.memory_space<vmem>>
      %dma_start3A_1243 = arith.constant 0 : i32
      %dma_start3A_1244 = tpu.memref_slice %arg7[%dma_start3A_1234, %dma_start3A_1243] : memref<2x384xi32, #tpu.memory_space<vmem>> -> memref<1x384xi32, #tpu.memory_space<vmem>>
      %dma_start3A_1245 = tpu.memref_squeeze %dma_start3A_1244 : memref<1x384xi32, #tpu.memory_space<vmem>> -> memref<384xi32, #tpu.memory_space<vmem>>
      %dma_start3A_1246 = arith.constant 128 : i32
      %dma_start3A_1247 = tpu.memref_slice %dma_start3A_1245[%dma_start3A_1246] : memref<384xi32, #tpu.memory_space<vmem>> -> memref<128xi32, #tpu.memory_space<vmem>>
      %dma_start3A_1248 = arith.constant 0 : i32
      %dma_start3A_1249 = arith.constant 0 : i32
      %dma_start3A_1250 = tpu.memref_slice %arg4[%dma_start3A_1248, %dma_start3A_1249] : memref<100000x64xf32, #tpu.memory_space<hbm>> -> memref<100000x64xf32, #tpu.memory_space<hbm>>
      tpu.enqueue_indirect_dma source(%dma_start3A_1250 : memref<100000x64xf32, #tpu.memory_space<hbm>>) target(%dma_start3A_1242 : memref<128x64xf32, #tpu.memory_space<vmem>>) offsets(%dma_start3A_1247 : memref<128xi32, #tpu.memory_space<vmem>>) semaphore(%arg13 : memref<!tpu.dma_semaphore, #tpu.memory_space<semaphore_mem>>)
      %dma_start3A_1251 = arith.constant 1 : i32
      %dma_start3A_1252 = arith.constant 1 : i32
      %dma_start3A_1253 = arith.constant 0 : i32
      %dma_start3A_1254 = arith.constant 0 : i32
      %dma_start3A_1255 = tpu.memref_slice %arg8[%dma_start3A_1252, %dma_start3A_1253, %dma_start3A_1254] : memref<2x384x64xf32, #tpu.memory_space<vmem>> -> memref<1x384x64xf32, #tpu.memory_space<vmem>>
      %dma_start3A_1256 = tpu.memref_squeeze %dma_start3A_1255 : memref<1x384x64xf32, #tpu.memory_space<vmem>> -> memref<384x64xf32, #tpu.memory_space<vmem>>
      %dma_start3A_1257 = arith.constant 256 : i32
      %dma_start3A_1258 = arith.constant 0 : i32
      %dma_start3A_1259 = tpu.memref_slice %dma_start3A_1256[%dma_start3A_1257, %dma_start3A_1258] : memref<384x64xf32, #tpu.memory_space<vmem>> -> memref<128x64xf32, #tpu.memory_space<vmem>>
      %dma_start3A_1260 = arith.constant 0 : i32
      %dma_start3A_1261 = tpu.memref_slice %arg6[%dma_start3A_1251, %dma_start3A_1260] : memref<2x384xi32, #tpu.memory_space<vmem>> -> memref<1x384xi32, #tpu.memory_space<vmem>>
      %dma_start3A_1262 = tpu.memref_squeeze %dma_start3A_1261 : memref<1x384xi32, #tpu.memory_space<vmem>> -> memref<384xi32, #tpu.memory_space<vmem>>
      %dma_start3A_1263 = arith.constant 256 : i32
      %dma_start3A_1264 = tpu.memref_slice %dma_start3A_1262[%dma_start3A_1263] : memref<384xi32, #tpu.memory_space<vmem>> -> memref<128xi32, #tpu.memory_space<vmem>>
      %dma_start3A_1265 = arith.constant 0 : i32
      %dma_start3A_1266 = arith.constant 0 : i32
      %dma_start3A_1267 = tpu.memref_slice %arg4[%dma_start3A_1265, %dma_start3A_1266] : memref<100000x64xf32, #tpu.memory_space<hbm>> -> memref<100000x64xf32, #tpu.memory_space<hbm>>
      tpu.enqueue_indirect_dma source(%dma_start3A_1267 : memref<100000x64xf32, #tpu.memory_space<hbm>>) target(%dma_start3A_1259 : memref<128x64xf32, #tpu.memory_space<vmem>>) offsets(%dma_start3A_1264 : memref<128xi32, #tpu.memory_space<vmem>>) semaphore(%arg13 : memref<!tpu.dma_semaphore, #tpu.memory_space<semaphore_mem>>)
      %dma_start3A_1268 = arith.constant 1 : i32
      %dma_start3A_1269 = arith.constant 1 : i32
      %dma_start3A_1270 = arith.constant 0 : i32
      %dma_start3A_1271 = arith.constant 0 : i32
      %dma_start3A_1272 = tpu.memref_slice %arg9[%dma_start3A_1269, %dma_start3A_1270, %dma_start3A_1271] : memref<2x384x64xf32, #tpu.memory_space<vmem>> -> memref<1x384x64xf32, #tpu.memory_space<vmem>>
      %dma_start3A_1273 = tpu.memref_squeeze %dma_start3A_1272 : memref<1x384x64xf32, #tpu.memory_space<vmem>> -> memref<384x64xf32, #tpu.memory_space<vmem>>
      %dma_start3A_1274 = arith.constant 256 : i32
      %dma_start3A_1275 = arith.constant 0 : i32
      %dma_start3A_1276 = tpu.memref_slice %dma_start3A_1273[%dma_start3A_1274, %dma_start3A_1275] : memref<384x64xf32, #tpu.memory_space<vmem>> -> memref<128x64xf32, #tpu.memory_space<vmem>>
      %dma_start3A_1277 = arith.constant 0 : i32
      %dma_start3A_1278 = tpu.memref_slice %arg7[%dma_start3A_1268, %dma_start3A_1277] : memref<2x384xi32, #tpu.memory_space<vmem>> -> memref<1x384xi32, #tpu.memory_space<vmem>>
      %dma_start3A_1279 = tpu.memref_squeeze %dma_start3A_1278 : memref<1x384xi32, #tpu.memory_space<vmem>> -> memref<384xi32, #tpu.memory_space<vmem>>
      %dma_start3A_1280 = arith.constant 256 : i32
      %dma_start3A_1281 = tpu.memref_slice %dma_start3A_1279[%dma_start3A_1280] : memref<384xi32, #tpu.memory_space<vmem>> -> memref<128xi32, #tpu.memory_space<vmem>>
      %dma_start3A_1282 = arith.constant 0 : i32
      %dma_start3A_1283 = arith.constant 0 : i32
      %dma_start3A_1284 = tpu.memref_slice %arg4[%dma_start3A_1282, %dma_start3A_1283] : memref<100000x64xf32, #tpu.memory_space<hbm>> -> memref<100000x64xf32, #tpu.memory_space<hbm>>
      tpu.enqueue_indirect_dma source(%dma_start3A_1284 : memref<100000x64xf32, #tpu.memory_space<hbm>>) target(%dma_start3A_1276 : memref<128x64xf32, #tpu.memory_space<vmem>>) offsets(%dma_start3A_1281 : memref<128xi32, #tpu.memory_space<vmem>>) semaphore(%arg13 : memref<!tpu.dma_semaphore, #tpu.memory_space<semaphore_mem>>)
      %dma_wait3A_1285 = arith.constant 0 : i32
      %dma_wait3A_1286 = arith.constant 0 : i32
      %dma_wait3A_1287 = arith.constant 0 : i32
      %dma_wait3A_1288 = arith.constant 0 : i32
      %dma_wait3A_1289 = tpu.memref_slice %arg8[%dma_wait3A_1286, %dma_wait3A_1287, %dma_wait3A_1288] : memref<2x384x64xf32, #tpu.memory_space<vmem>> -> memref<1x384x64xf32, #tpu.memory_space<vmem>>
      %dma_wait3A_1290 = tpu.memref_squeeze %dma_wait3A_1289 : memref<1x384x64xf32, #tpu.memory_space<vmem>> -> memref<384x64xf32, #tpu.memory_space<vmem>>
      %dma_wait3A_1291 = arith.constant 0 : i32
      %dma_wait3A_1292 = arith.constant 0 : i32
      %dma_wait3A_1293 = tpu.memref_slice %dma_wait3A_1290[%dma_wait3A_1291, %dma_wait3A_1292] : memref<384x64xf32, #tpu.memory_space<vmem>> -> memref<128x64xf32, #tpu.memory_space<vmem>>
      %dma_wait3A_1294 = arith.constant 0 : i32
      %dma_wait3A_1295 = tpu.memref_slice %arg6[%dma_wait3A_1285, %dma_wait3A_1294] : memref<2x384xi32, #tpu.memory_space<vmem>> -> memref<1x384xi32, #tpu.memory_space<vmem>>
      %dma_wait3A_1296 = tpu.memref_squeeze %dma_wait3A_1295 : memref<1x384xi32, #tpu.memory_space<vmem>> -> memref<384xi32, #tpu.memory_space<vmem>>
      %dma_wait3A_1297 = arith.constant 0 : i32
      %dma_wait3A_1298 = tpu.memref_slice %dma_wait3A_1296[%dma_wait3A_1297] : memref<384xi32, #tpu.memory_space<vmem>> -> memref<128xi32, #tpu.memory_space<vmem>>
      %dma_wait3A_1299 = arith.constant 0 : i32
      %dma_wait3A_1300 = arith.constant 0 : i32
      %dma_wait3A_1301 = tpu.memref_slice %arg4[%dma_wait3A_1299, %dma_wait3A_1300] : memref<100000x64xf32, #tpu.memory_space<hbm>> -> memref<100000x64xf32, #tpu.memory_space<hbm>>
      tpu.wait_indirect_dma semaphore(%arg12 : memref<!tpu.dma_semaphore, #tpu.memory_space<semaphore_mem>>) src(%dma_wait3A_1301 : memref<100000x64xf32, #tpu.memory_space<hbm>>) dst(%dma_wait3A_1293 : memref<128x64xf32, #tpu.memory_space<vmem>>)
      %dma_wait3A_1302 = arith.constant 0 : i32
      %dma_wait3A_1303 = arith.constant 0 : i32
      %dma_wait3A_1304 = arith.constant 0 : i32
      %dma_wait3A_1305 = arith.constant 0 : i32
      %dma_wait3A_1306 = tpu.memref_slice %arg9[%dma_wait3A_1303, %dma_wait3A_1304, %dma_wait3A_1305] : memref<2x384x64xf32, #tpu.memory_space<vmem>> -> memref<1x384x64xf32, #tpu.memory_space<vmem>>
      %dma_wait3A_1307 = tpu.memref_squeeze %dma_wait3A_1306 : memref<1x384x64xf32, #tpu.memory_space<vmem>> -> memref<384x64xf32, #tpu.memory_space<vmem>>
      %dma_wait3A_1308 = arith.constant 0 : i32
      %dma_wait3A_1309 = arith.constant 0 : i32
      %dma_wait3A_1310 = tpu.memref_slice %dma_wait3A_1307[%dma_wait3A_1308, %dma_wait3A_1309] : memref<384x64xf32, #tpu.memory_space<vmem>> -> memref<128x64xf32, #tpu.memory_space<vmem>>
      %dma_wait3A_1311 = arith.constant 0 : i32
      %dma_wait3A_1312 = tpu.memref_slice %arg7[%dma_wait3A_1302, %dma_wait3A_1311] : memref<2x384xi32, #tpu.memory_space<vmem>> -> memref<1x384xi32, #tpu.memory_space<vmem>>
      %dma_wait3A_1313 = tpu.memref_squeeze %dma_wait3A_1312 : memref<1x384xi32, #tpu.memory_space<vmem>> -> memref<384xi32, #tpu.memory_space<vmem>>
      %dma_wait3A_1314 = arith.constant 0 : i32
      %dma_wait3A_1315 = tpu.memref_slice %dma_wait3A_1313[%dma_wait3A_1314] : memref<384xi32, #tpu.memory_space<vmem>> -> memref<128xi32, #tpu.memory_space<vmem>>
      %dma_wait3A_1316 = arith.constant 0 : i32
      %dma_wait3A_1317 = arith.constant 0 : i32
      %dma_wait3A_1318 = tpu.memref_slice %arg4[%dma_wait3A_1316, %dma_wait3A_1317] : memref<100000x64xf32, #tpu.memory_space<hbm>> -> memref<100000x64xf32, #tpu.memory_space<hbm>>
      tpu.wait_indirect_dma semaphore(%arg12 : memref<!tpu.dma_semaphore, #tpu.memory_space<semaphore_mem>>) src(%dma_wait3A_1318 : memref<100000x64xf32, #tpu.memory_space<hbm>>) dst(%dma_wait3A_1310 : memref<128x64xf32, #tpu.memory_space<vmem>>)
      %dma_wait3A_1319 = arith.constant 0 : i32
      %dma_wait3A_1320 = arith.constant 0 : i32
      %dma_wait3A_1321 = arith.constant 0 : i32
      %dma_wait3A_1322 = arith.constant 0 : i32
      %dma_wait3A_1323 = tpu.memref_slice %arg8[%dma_wait3A_1320, %dma_wait3A_1321, %dma_wait3A_1322] : memref<2x384x64xf32, #tpu.memory_space<vmem>> -> memref<1x384x64xf32, #tpu.memory_space<vmem>>
      %dma_wait3A_1324 = tpu.memref_squeeze %dma_wait3A_1323 : memref<1x384x64xf32, #tpu.memory_space<vmem>> -> memref<384x64xf32, #tpu.memory_space<vmem>>
      %dma_wait3A_1325 = arith.constant 128 : i32
      %dma_wait3A_1326 = arith.constant 0 : i32
      %dma_wait3A_1327 = tpu.memref_slice %dma_wait3A_1324[%dma_wait3A_1325, %dma_wait3A_1326] : memref<384x64xf32, #tpu.memory_space<vmem>> -> memref<128x64xf32, #tpu.memory_space<vmem>>
      %dma_wait3A_1328 = arith.constant 0 : i32
      %dma_wait3A_1329 = tpu.memref_slice %arg6[%dma_wait3A_1319, %dma_wait3A_1328] : memref<2x384xi32, #tpu.memory_space<vmem>> -> memref<1x384xi32, #tpu.memory_space<vmem>>
      %dma_wait3A_1330 = tpu.memref_squeeze %dma_wait3A_1329 : memref<1x384xi32, #tpu.memory_space<vmem>> -> memref<384xi32, #tpu.memory_space<vmem>>
      %dma_wait3A_1331 = arith.constant 128 : i32
      %dma_wait3A_1332 = tpu.memref_slice %dma_wait3A_1330[%dma_wait3A_1331] : memref<384xi32, #tpu.memory_space<vmem>> -> memref<128xi32, #tpu.memory_space<vmem>>
      %dma_wait3A_1333 = arith.constant 0 : i32
      %dma_wait3A_1334 = arith.constant 0 : i32
      %dma_wait3A_1335 = tpu.memref_slice %arg4[%dma_wait3A_1333, %dma_wait3A_1334] : memref<100000x64xf32, #tpu.memory_space<hbm>> -> memref<100000x64xf32, #tpu.memory_space<hbm>>
      tpu.wait_indirect_dma semaphore(%arg12 : memref<!tpu.dma_semaphore, #tpu.memory_space<semaphore_mem>>) src(%dma_wait3A_1335 : memref<100000x64xf32, #tpu.memory_space<hbm>>) dst(%dma_wait3A_1327 : memref<128x64xf32, #tpu.memory_space<vmem>>)
      %dma_wait3A_1336 = arith.constant 0 : i32
      %dma_wait3A_1337 = arith.constant 0 : i32
      %dma_wait3A_1338 = arith.constant 0 : i32
      %dma_wait3A_1339 = arith.constant 0 : i32
      %dma_wait3A_1340 = tpu.memref_slice %arg9[%dma_wait3A_1337, %dma_wait3A_1338, %dma_wait3A_1339] : memref<2x384x64xf32, #tpu.memory_space<vmem>> -> memref<1x384x64xf32, #tpu.memory_space<vmem>>
      %dma_wait3A_1341 = tpu.memref_squeeze %dma_wait3A_1340 : memref<1x384x64xf32, #tpu.memory_space<vmem>> -> memref<384x64xf32, #tpu.memory_space<vmem>>
      %dma_wait3A_1342 = arith.constant 128 : i32
      %dma_wait3A_1343 = arith.constant 0 : i32
      %dma_wait3A_1344 = tpu.memref_slice %dma_wait3A_1341[%dma_wait3A_1342, %dma_wait3A_1343] : memref<384x64xf32, #tpu.memory_space<vmem>> -> memref<128x64xf32, #tpu.memory_space<vmem>>
      %dma_wait3A_1345 = arith.constant 0 : i32
      %dma_wait3A_1346 = tpu.memref_slice %arg7[%dma_wait3A_1336, %dma_wait3A_1345] : memref<2x384xi32, #tpu.memory_space<vmem>> -> memref<1x384xi32, #tpu.memory_space<vmem>>
      %dma_wait3A_1347 = tpu.memref_squeeze %dma_wait3A_1346 : memref<1x384xi32, #tpu.memory_space<vmem>> -> memref<384xi32, #tpu.memory_space<vmem>>
      %dma_wait3A_1348 = arith.constant 128 : i32
      %dma_wait3A_1349 = tpu.memref_slice %dma_wait3A_1347[%dma_wait3A_1348] : memref<384xi32, #tpu.memory_space<vmem>> -> memref<128xi32, #tpu.memory_space<vmem>>
      %dma_wait3A_1350 = arith.constant 0 : i32
      %dma_wait3A_1351 = arith.constant 0 : i32
      %dma_wait3A_1352 = tpu.memref_slice %arg4[%dma_wait3A_1350, %dma_wait3A_1351] : memref<100000x64xf32, #tpu.memory_space<hbm>> -> memref<100000x64xf32, #tpu.memory_space<hbm>>
      tpu.wait_indirect_dma semaphore(%arg12 : memref<!tpu.dma_semaphore, #tpu.memory_space<semaphore_mem>>) src(%dma_wait3A_1352 : memref<100000x64xf32, #tpu.memory_space<hbm>>) dst(%dma_wait3A_1344 : memref<128x64xf32, #tpu.memory_space<vmem>>)
      %dma_wait3A_1353 = arith.constant 0 : i32
      %dma_wait3A_1354 = arith.constant 0 : i32
      %dma_wait3A_1355 = arith.constant 0 : i32
      %dma_wait3A_1356 = arith.constant 0 : i32
      %dma_wait3A_1357 = tpu.memref_slice %arg8[%dma_wait3A_1354, %dma_wait3A_1355, %dma_wait3A_1356] : memref<2x384x64xf32, #tpu.memory_space<vmem>> -> memref<1x384x64xf32, #tpu.memory_space<vmem>>
      %dma_wait3A_1358 = tpu.memref_squeeze %dma_wait3A_1357 : memref<1x384x64xf32, #tpu.memory_space<vmem>> -> memref<384x64xf32, #tpu.memory_space<vmem>>
      %dma_wait3A_1359 = arith.constant 256 : i32
      %dma_wait3A_1360 = arith.constant 0 : i32
      %dma_wait3A_1361 = tpu.memref_slice %dma_wait3A_1358[%dma_wait3A_1359, %dma_wait3A_1360] : memref<384x64xf32, #tpu.memory_space<vmem>> -> memref<128x64xf32, #tpu.memory_space<vmem>>
      %dma_wait3A_1362 = arith.constant 0 : i32
      %dma_wait3A_1363 = tpu.memref_slice %arg6[%dma_wait3A_1353, %dma_wait3A_1362] : memref<2x384xi32, #tpu.memory_space<vmem>> -> memref<1x384xi32, #tpu.memory_space<vmem>>
      %dma_wait3A_1364 = tpu.memref_squeeze %dma_wait3A_1363 : memref<1x384xi32, #tpu.memory_space<vmem>> -> memref<384xi32, #tpu.memory_space<vmem>>
      %dma_wait3A_1365 = arith.constant 256 : i32
      %dma_wait3A_1366 = tpu.memref_slice %dma_wait3A_1364[%dma_wait3A_1365] : memref<384xi32, #tpu.memory_space<vmem>> -> memref<128xi32, #tpu.memory_space<vmem>>
      %dma_wait3A_1367 = arith.constant 0 : i32
      %dma_wait3A_1368 = arith.constant 0 : i32
      %dma_wait3A_1369 = tpu.memref_slice %arg4[%dma_wait3A_1367, %dma_wait3A_1368] : memref<100000x64xf32, #tpu.memory_space<hbm>> -> memref<100000x64xf32, #tpu.memory_space<hbm>>
      tpu.wait_indirect_dma semaphore(%arg12 : memref<!tpu.dma_semaphore, #tpu.memory_space<semaphore_mem>>) src(%dma_wait3A_1369 : memref<100000x64xf32, #tpu.memory_space<hbm>>) dst(%dma_wait3A_1361 : memref<128x64xf32, #tpu.memory_space<vmem>>)
      %dma_wait3A_1370 = arith.constant 0 : i32
      %dma_wait3A_1371 = arith.constant 0 : i32
      %dma_wait3A_1372 = arith.constant 0 : i32
      %dma_wait3A_1373 = arith.constant 0 : i32
      %dma_wait3A_1374 = tpu.memref_slice %arg9[%dma_wait3A_1371, %dma_wait3A_1372, %dma_wait3A_1373] : memref<2x384x64xf32, #tpu.memory_space<vmem>> -> memref<1x384x64xf32, #tpu.memory_space<vmem>>
      %dma_wait3A_1375 = tpu.memref_squeeze %dma_wait3A_1374 : memref<1x384x64xf32, #tpu.memory_space<vmem>> -> memref<384x64xf32, #tpu.memory_space<vmem>>
      %dma_wait3A_1376 = arith.constant 256 : i32
      %dma_wait3A_1377 = arith.constant 0 : i32
      %dma_wait3A_1378 = tpu.memref_slice %dma_wait3A_1375[%dma_wait3A_1376, %dma_wait3A_1377] : memref<384x64xf32, #tpu.memory_space<vmem>> -> memref<128x64xf32, #tpu.memory_space<vmem>>
      %dma_wait3A_1379 = arith.constant 0 : i32
      %dma_wait3A_1380 = tpu.memref_slice %arg7[%dma_wait3A_1370, %dma_wait3A_1379] : memref<2x384xi32, #tpu.memory_space<vmem>> -> memref<1x384xi32, #tpu.memory_space<vmem>>
      %dma_wait3A_1381 = tpu.memref_squeeze %dma_wait3A_1380 : memref<1x384xi32, #tpu.memory_space<vmem>> -> memref<384xi32, #tpu.memory_space<vmem>>
      %dma_wait3A_1382 = arith.constant 256 : i32
      %dma_wait3A_1383 = tpu.memref_slice %dma_wait3A_1381[%dma_wait3A_1382] : memref<384xi32, #tpu.memory_space<vmem>> -> memref<128xi32, #tpu.memory_space<vmem>>
      %dma_wait3A_1384 = arith.constant 0 : i32
      %dma_wait3A_1385 = arith.constant 0 : i32
      %dma_wait3A_1386 = tpu.memref_slice %arg4[%dma_wait3A_1384, %dma_wait3A_1385] : memref<100000x64xf32, #tpu.memory_space<hbm>> -> memref<100000x64xf32, #tpu.memory_space<hbm>>
      tpu.wait_indirect_dma semaphore(%arg12 : memref<!tpu.dma_semaphore, #tpu.memory_space<semaphore_mem>>) src(%dma_wait3A_1386 : memref<100000x64xf32, #tpu.memory_space<hbm>>) dst(%dma_wait3A_1378 : memref<128x64xf32, #tpu.memory_space<vmem>>)
      %add3A_1387 = arith.constant 2 : i32
      %add3A_1388 = arith.addi %add3A_1141, %add3A_1387 : i32
      %mul3A_1389 = arith.constant 384 : i32
      %mul3A_1390 = arith.muli %add3A_1388, %mul3A_1389 : i32
      %add3A_1391 = arith.addi %mul3A_2, %mul3A_1390 : i32
      %dma_start3A_1392 = arith.constant 0 : i32
      %dma_start3A_1393 = arith.constant 0 : i32
      %dma_start3A_1394 = tpu.memref_slice %arg6[%dma_start3A_1392, %dma_start3A_1393] : memref<2x384xi32, #tpu.memory_space<vmem>> -> memref<1x384xi32, #tpu.memory_space<vmem>>
      %dma_start3A_1395 = tpu.memref_squeeze %dma_start3A_1394 : memref<1x384xi32, #tpu.memory_space<vmem>> -> memref<384xi32, #tpu.memory_space<vmem>>
      %dma_start3A_1396 = tpu.memref_slice %arg2[%add3A_1391] : memref<995328xi32, #tpu.memory_space<hbm>> -> memref<384xi32, #tpu.memory_space<hbm>>
      %dma_start3A_1397 = arith.constant 0 : i32
      %dma_start3A_1398 = tpu.memref_slice %arg6[%dma_start3A_1392, %dma_start3A_1397] : memref<2x384xi32, #tpu.memory_space<vmem>> -> memref<1x384xi32, #tpu.memory_space<vmem>>
      %dma_start3A_1399 = tpu.memref_squeeze %dma_start3A_1398 : memref<1x384xi32, #tpu.memory_space<vmem>> -> memref<384xi32, #tpu.memory_space<vmem>>
      %dma_start3A_1400 = tpu.memref_slice %arg2[%add3A_1391] : memref<995328xi32, #tpu.memory_space<hbm>> -> memref<384xi32, #tpu.memory_space<hbm>>
      tpu.enqueue_dma source(%dma_start3A_1400 : memref<384xi32, #tpu.memory_space<hbm>>) target(%dma_start3A_1399 : memref<384xi32, #tpu.memory_space<vmem>>) target_semaphore(%arg10 : memref<!tpu.dma_semaphore, #tpu.memory_space<semaphore_mem>>)
      %dma_start3A_1401 = arith.constant 0 : i32
      %dma_start3A_1402 = arith.constant 0 : i32
      %dma_start3A_1403 = tpu.memref_slice %arg7[%dma_start3A_1401, %dma_start3A_1402] : memref<2x384xi32, #tpu.memory_space<vmem>> -> memref<1x384xi32, #tpu.memory_space<vmem>>
      %dma_start3A_1404 = tpu.memref_squeeze %dma_start3A_1403 : memref<1x384xi32, #tpu.memory_space<vmem>> -> memref<384xi32, #tpu.memory_space<vmem>>
      %dma_start3A_1405 = tpu.memref_slice %arg3[%add3A_1391] : memref<995328xi32, #tpu.memory_space<hbm>> -> memref<384xi32, #tpu.memory_space<hbm>>
      %dma_start3A_1406 = arith.constant 0 : i32
      %dma_start3A_1407 = tpu.memref_slice %arg7[%dma_start3A_1401, %dma_start3A_1406] : memref<2x384xi32, #tpu.memory_space<vmem>> -> memref<1x384xi32, #tpu.memory_space<vmem>>
      %dma_start3A_1408 = tpu.memref_squeeze %dma_start3A_1407 : memref<1x384xi32, #tpu.memory_space<vmem>> -> memref<384xi32, #tpu.memory_space<vmem>>
      %dma_start3A_1409 = tpu.memref_slice %arg3[%add3A_1391] : memref<995328xi32, #tpu.memory_space<hbm>> -> memref<384xi32, #tpu.memory_space<hbm>>
      tpu.enqueue_dma source(%dma_start3A_1409 : memref<384xi32, #tpu.memory_space<hbm>>) target(%dma_start3A_1408 : memref<384xi32, #tpu.memory_space<vmem>>) target_semaphore(%arg10 : memref<!tpu.dma_semaphore, #tpu.memory_space<semaphore_mem>>)
      %scan3A_1410 = arith.constant 0 : i32
      %scan3A_1411 = arith.constant 0 : i32
      %scan3A_1412 = arith.constant 384 : i32
      %scan3A_1413 = arith.addi %scan3A_1411, %scan3A_1412 : i32
      %scan3A_1414 = arith.constant 2 : i32
      scf.for %scan3A_1432 = %scan3A_1411 to %scan3A_1413 step %scan3A_1414  : i32 {
        %get3A = arith.constant 0 : i32
        %get3A_1433 = arith.index_cast %get3A : i32 to index
        %get3A_1434 = arith.index_cast %scan3A_1432 : i32 to index
        %get3A_1435 = arith.constant 0 : index
        %get3A_1436 = tpu.vector_load %arg8[%get3A_1433, %get3A_1434, %get3A_1435] {strides = array<i32>} : memref<2x384x64xf32, #tpu.memory_space<vmem>>, vector<1x1x16xf32>,
        %get3A_1437 = vector.shape_cast %get3A_1436 : vector<1x1x16xf32> to vector<16xf32>
        %get3A_1438 = arith.constant 0 : i32
        %get3A_1439 = arith.index_cast %get3A_1438 : i32 to index
        %get3A_1440 = arith.index_cast %scan3A_1432 : i32 to index
        %get3A_1441 = arith.constant 0 : index
        %get3A_1442 = tpu.vector_load %arg9[%get3A_1439, %get3A_1440, %get3A_1441] {strides = array<i32>} : memref<2x384x64xf32, #tpu.memory_space<vmem>>, vector<1x1x16xf32>,
        %get3A_1443 = vector.shape_cast %get3A_1442 : vector<1x1x16xf32> to vector<16xf32>
        %add3A_1444 = arith.addf %get3A_1437, %get3A_1443 : vector<16xf32>
        %mul3A_1445 = arith.constant 5.000000e-01 : f32
        %mul3A_1446 = vector.broadcast %mul3A_1445 : f32 to vector<16xf32>
        %mul3A_1447 = arith.mulf %add3A_1444, %mul3A_1446 : vector<16xf32>
        %swap3A = arith.constant 0 : i32
        %swap3A_1448 = arith.index_cast %swap3A : i32 to index
        %swap3A_1449 = arith.index_cast %scan3A_1432 : i32 to index
        %swap3A_1450 = arith.constant 0 : index
        %swap3A_1451 = tpu.vector_load %arg8[%swap3A_1448, %swap3A_1449, %swap3A_1450] {strides = array<i32>} : memref<2x384x64xf32, #tpu.memory_space<vmem>>, vector<1x1x16xf32>,
        %swap3A_1452 = vector.shape_cast %swap3A_1451 : vector<1x1x16xf32> to vector<16xf32>
        %swap3A_1453 = vector.shape_cast %mul3A_1447 : vector<16xf32> to vector<1x1x16xf32>
        tpu.vector_store %arg8[%swap3A_1448, %swap3A_1449, %swap3A_1450], %swap3A_1453 {strides = array<i32>} : memref<2x384x64xf32, #tpu.memory_space<vmem>>, vector<1x1x16xf32>,
        %get3A_1454 = arith.constant 0 : i32
        %get3A_1455 = arith.index_cast %get3A_1454 : i32 to index
        %get3A_1456 = arith.index_cast %scan3A_1432 : i32 to index
        %get3A_1457 = arith.constant 16 : index
        %get3A_1458 = tpu.vector_load %arg8[%get3A_1455, %get3A_1456, %get3A_1457] {strides = array<i32>} : memref<2x384x64xf32, #tpu.memory_space<vmem>>, vector<1x1x16xf32>,
        %get3A_1459 = vector.shape_cast %get3A_1458 : vector<1x1x16xf32> to vector<16xf32>
        %get3A_1460 = arith.constant 0 : i32
        %get3A_1461 = arith.index_cast %get3A_1460 : i32 to index
        %get3A_1462 = arith.index_cast %scan3A_1432 : i32 to index
        %get3A_1463 = arith.constant 16 : index
        %get3A_1464 = tpu.vector_load %arg9[%get3A_1461, %get3A_1462, %get3A_1463] {strides = array<i32>} : memref<2x384x64xf32, #tpu.memory_space<vmem>>, vector<1x1x16xf32>,
        %get3A_1465 = vector.shape_cast %get3A_1464 : vector<1x1x16xf32> to vector<16xf32>
        %add3A_1466 = arith.addf %get3A_1459, %get3A_1465 : vector<16xf32>
        %mul3A_1467 = arith.constant 5.000000e-01 : f32
        %mul3A_1468 = vector.broadcast %mul3A_1467 : f32 to vector<16xf32>
        %mul3A_1469 = arith.mulf %add3A_1466, %mul3A_1468 : vector<16xf32>
        %swap3A_1470 = arith.constant 0 : i32
        %swap3A_1471 = arith.index_cast %swap3A_1470 : i32 to index
        %swap3A_1472 = arith.index_cast %scan3A_1432 : i32 to index
        %swap3A_1473 = arith.constant 16 : index
        %swap3A_1474 = tpu.vector_load %arg8[%swap3A_1471, %swap3A_1472, %swap3A_1473] {strides = array<i32>} : memref<2x384x64xf32, #tpu.memory_space<vmem>>, vector<1x1x16xf32>,
        %swap3A_1475 = vector.shape_cast %swap3A_1474 : vector<1x1x16xf32> to vector<16xf32>
        %swap3A_1476 = vector.shape_cast %mul3A_1469 : vector<16xf32> to vector<1x1x16xf32>
        tpu.vector_store %arg8[%swap3A_1471, %swap3A_1472, %swap3A_1473], %swap3A_1476 {strides = array<i32>} : memref<2x384x64xf32, #tpu.memory_space<vmem>>, vector<1x1x16xf32>,
        %get3A_1477 = arith.constant 0 : i32
        %get3A_1478 = arith.index_cast %get3A_1477 : i32 to index
        %get3A_1479 = arith.index_cast %scan3A_1432 : i32 to index
        %get3A_1480 = arith.constant 32 : index
        %get3A_1481 = tpu.vector_load %arg8[%get3A_1478, %get3A_1479, %get3A_1480] {strides = array<i32>} : memref<2x384x64xf32, #tpu.memory_space<vmem>>, vector<1x1x16xf32>,
        %get3A_1482 = vector.shape_cast %get3A_1481 : vector<1x1x16xf32> to vector<16xf32>
        %get3A_1483 = arith.constant 0 : i32
        %get3A_1484 = arith.index_cast %get3A_1483 : i32 to index
        %get3A_1485 = arith.index_cast %scan3A_1432 : i32 to index
        %get3A_1486 = arith.constant 32 : index
        %get3A_1487 = tpu.vector_load %arg9[%get3A_1484, %get3A_1485, %get3A_1486] {strides = array<i32>} : memref<2x384x64xf32, #tpu.memory_space<vmem>>, vector<1x1x16xf32>,
        %get3A_1488 = vector.shape_cast %get3A_1487 : vector<1x1x16xf32> to vector<16xf32>
        %add3A_1489 = arith.addf %get3A_1482, %get3A_1488 : vector<16xf32>
        %mul3A_1490 = arith.constant 5.000000e-01 : f32
        %mul3A_1491 = vector.broadcast %mul3A_1490 : f32 to vector<16xf32>
        %mul3A_1492 = arith.mulf %add3A_1489, %mul3A_1491 : vector<16xf32>
        %swap3A_1493 = arith.constant 0 : i32
        %swap3A_1494 = arith.index_cast %swap3A_1493 : i32 to index
        %swap3A_1495 = arith.index_cast %scan3A_1432 : i32 to index
        %swap3A_1496 = arith.constant 32 : index
        %swap3A_1497 = tpu.vector_load %arg8[%swap3A_1494, %swap3A_1495, %swap3A_1496] {strides = array<i32>} : memref<2x384x64xf32, #tpu.memory_space<vmem>>, vector<1x1x16xf32>,
        %swap3A_1498 = vector.shape_cast %swap3A_1497 : vector<1x1x16xf32> to vector<16xf32>
        %swap3A_1499 = vector.shape_cast %mul3A_1492 : vector<16xf32> to vector<1x1x16xf32>
        tpu.vector_store %arg8[%swap3A_1494, %swap3A_1495, %swap3A_1496], %swap3A_1499 {strides = array<i32>} : memref<2x384x64xf32, #tpu.memory_space<vmem>>, vector<1x1x16xf32>,
        %get3A_1500 = arith.constant 0 : i32
        %get3A_1501 = arith.index_cast %get3A_1500 : i32 to index
        %get3A_1502 = arith.index_cast %scan3A_1432 : i32 to index
        %get3A_1503 = arith.constant 48 : index
        %get3A_1504 = tpu.vector_load %arg8[%get3A_1501, %get3A_1502, %get3A_1503] {strides = array<i32>} : memref<2x384x64xf32, #tpu.memory_space<vmem>>, vector<1x1x16xf32>,
        %get3A_1505 = vector.shape_cast %get3A_1504 : vector<1x1x16xf32> to vector<16xf32>
        %get3A_1506 = arith.constant 0 : i32
        %get3A_1507 = arith.index_cast %get3A_1506 : i32 to index
        %get3A_1508 = arith.index_cast %scan3A_1432 : i32 to index
        %get3A_1509 = arith.constant 48 : index
        %get3A_1510 = tpu.vector_load %arg9[%get3A_1507, %get3A_1508, %get3A_1509] {strides = array<i32>} : memref<2x384x64xf32, #tpu.memory_space<vmem>>, vector<1x1x16xf32>,
        %get3A_1511 = vector.shape_cast %get3A_1510 : vector<1x1x16xf32> to vector<16xf32>
        %add3A_1512 = arith.addf %get3A_1505, %get3A_1511 : vector<16xf32>
        %mul3A_1513 = arith.constant 5.000000e-01 : f32
        %mul3A_1514 = vector.broadcast %mul3A_1513 : f32 to vector<16xf32>
        %mul3A_1515 = arith.mulf %add3A_1512, %mul3A_1514 : vector<16xf32>
        %swap3A_1516 = arith.constant 0 : i32
        %swap3A_1517 = arith.index_cast %swap3A_1516 : i32 to index
        %swap3A_1518 = arith.index_cast %scan3A_1432 : i32 to index
        %swap3A_1519 = arith.constant 48 : index
        %swap3A_1520 = tpu.vector_load %arg8[%swap3A_1517, %swap3A_1518, %swap3A_1519] {strides = array<i32>} : memref<2x384x64xf32, #tpu.memory_space<vmem>>, vector<1x1x16xf32>,
        %swap3A_1521 = vector.shape_cast %swap3A_1520 : vector<1x1x16xf32> to vector<16xf32>
        %swap3A_1522 = vector.shape_cast %mul3A_1515 : vector<16xf32> to vector<1x1x16xf32>
        tpu.vector_store %arg8[%swap3A_1517, %swap3A_1518, %swap3A_1519], %swap3A_1522 {strides = array<i32>} : memref<2x384x64xf32, #tpu.memory_space<vmem>>, vector<1x1x16xf32>,
        %scan3A_1523 = arith.constant 1 : i32
        %scan3A_1524 = arith.addi %scan3A_1432, %scan3A_1523 : i32
        %get3A_1525 = arith.constant 0 : i32
        %get3A_1526 = arith.index_cast %get3A_1525 : i32 to index
        %get3A_1527 = arith.index_cast %scan3A_1524 : i32 to index
        %get3A_1528 = arith.constant 0 : index
        %get3A_1529 = tpu.vector_load %arg8[%get3A_1526, %get3A_1527, %get3A_1528] {strides = array<i32>} : memref<2x384x64xf32, #tpu.memory_space<vmem>>, vector<1x1x16xf32>,
        %get3A_1530 = vector.shape_cast %get3A_1529 : vector<1x1x16xf32> to vector<16xf32>
        %get3A_1531 = arith.constant 0 : i32
        %get3A_1532 = arith.index_cast %get3A_1531 : i32 to index
        %get3A_1533 = arith.index_cast %scan3A_1524 : i32 to index
        %get3A_1534 = arith.constant 0 : index
        %get3A_1535 = tpu.vector_load %arg9[%get3A_1532, %get3A_1533, %get3A_1534] {strides = array<i32>} : memref<2x384x64xf32, #tpu.memory_space<vmem>>, vector<1x1x16xf32>,
        %get3A_1536 = vector.shape_cast %get3A_1535 : vector<1x1x16xf32> to vector<16xf32>
        %add3A_1537 = arith.addf %get3A_1530, %get3A_1536 : vector<16xf32>
        %mul3A_1538 = arith.constant 5.000000e-01 : f32
        %mul3A_1539 = vector.broadcast %mul3A_1538 : f32 to vector<16xf32>
        %mul3A_1540 = arith.mulf %add3A_1537, %mul3A_1539 : vector<16xf32>
        %swap3A_1541 = arith.constant 0 : i32
        %swap3A_1542 = arith.index_cast %swap3A_1541 : i32 to index
        %swap3A_1543 = arith.index_cast %scan3A_1524 : i32 to index
        %swap3A_1544 = arith.constant 0 : index
        %swap3A_1545 = tpu.vector_load %arg8[%swap3A_1542, %swap3A_1543, %swap3A_1544] {strides = array<i32>} : memref<2x384x64xf32, #tpu.memory_space<vmem>>, vector<1x1x16xf32>,
        %swap3A_1546 = vector.shape_cast %swap3A_1545 : vector<1x1x16xf32> to vector<16xf32>
        %swap3A_1547 = vector.shape_cast %mul3A_1540 : vector<16xf32> to vector<1x1x16xf32>
        tpu.vector_store %arg8[%swap3A_1542, %swap3A_1543, %swap3A_1544], %swap3A_1547 {strides = array<i32>} : memref<2x384x64xf32, #tpu.memory_space<vmem>>, vector<1x1x16xf32>,
        %get3A_1548 = arith.constant 0 : i32
        %get3A_1549 = arith.index_cast %get3A_1548 : i32 to index
        %get3A_1550 = arith.index_cast %scan3A_1524 : i32 to index
        %get3A_1551 = arith.constant 16 : index
        %get3A_1552 = tpu.vector_load %arg8[%get3A_1549, %get3A_1550, %get3A_1551] {strides = array<i32>} : memref<2x384x64xf32, #tpu.memory_space<vmem>>, vector<1x1x16xf32>,
        %get3A_1553 = vector.shape_cast %get3A_1552 : vector<1x1x16xf32> to vector<16xf32>
        %get3A_1554 = arith.constant 0 : i32
        %get3A_1555 = arith.index_cast %get3A_1554 : i32 to index
        %get3A_1556 = arith.index_cast %scan3A_1524 : i32 to index
        %get3A_1557 = arith.constant 16 : index
        %get3A_1558 = tpu.vector_load %arg9[%get3A_1555, %get3A_1556, %get3A_1557] {strides = array<i32>} : memref<2x384x64xf32, #tpu.memory_space<vmem>>, vector<1x1x16xf32>,
        %get3A_1559 = vector.shape_cast %get3A_1558 : vector<1x1x16xf32> to vector<16xf32>
        %add3A_1560 = arith.addf %get3A_1553, %get3A_1559 : vector<16xf32>
        %mul3A_1561 = arith.constant 5.000000e-01 : f32
        %mul3A_1562 = vector.broadcast %mul3A_1561 : f32 to vector<16xf32>
        %mul3A_1563 = arith.mulf %add3A_1560, %mul3A_1562 : vector<16xf32>
        %swap3A_1564 = arith.constant 0 : i32
        %swap3A_1565 = arith.index_cast %swap3A_1564 : i32 to index
        %swap3A_1566 = arith.index_cast %scan3A_1524 : i32 to index
        %swap3A_1567 = arith.constant 16 : index
        %swap3A_1568 = tpu.vector_load %arg8[%swap3A_1565, %swap3A_1566, %swap3A_1567] {strides = array<i32>} : memref<2x384x64xf32, #tpu.memory_space<vmem>>, vector<1x1x16xf32>,
        %swap3A_1569 = vector.shape_cast %swap3A_1568 : vector<1x1x16xf32> to vector<16xf32>
        %swap3A_1570 = vector.shape_cast %mul3A_1563 : vector<16xf32> to vector<1x1x16xf32>
        tpu.vector_store %arg8[%swap3A_1565, %swap3A_1566, %swap3A_1567], %swap3A_1570 {strides = array<i32>} : memref<2x384x64xf32, #tpu.memory_space<vmem>>, vector<1x1x16xf32>,
        %get3A_1571 = arith.constant 0 : i32
        %get3A_1572 = arith.index_cast %get3A_1571 : i32 to index
        %get3A_1573 = arith.index_cast %scan3A_1524 : i32 to index
        %get3A_1574 = arith.constant 32 : index
        %get3A_1575 = tpu.vector_load %arg8[%get3A_1572, %get3A_1573, %get3A_1574] {strides = array<i32>} : memref<2x384x64xf32, #tpu.memory_space<vmem>>, vector<1x1x16xf32>,
        %get3A_1576 = vector.shape_cast %get3A_1575 : vector<1x1x16xf32> to vector<16xf32>
        %get3A_1577 = arith.constant 0 : i32
        %get3A_1578 = arith.index_cast %get3A_1577 : i32 to index
        %get3A_1579 = arith.index_cast %scan3A_1524 : i32 to index
        %get3A_1580 = arith.constant 32 : index
        %get3A_1581 = tpu.vector_load %arg9[%get3A_1578, %get3A_1579, %get3A_1580] {strides = array<i32>} : memref<2x384x64xf32, #tpu.memory_space<vmem>>, vector<1x1x16xf32>,
        %get3A_1582 = vector.shape_cast %get3A_1581 : vector<1x1x16xf32> to vector<16xf32>
        %add3A_1583 = arith.addf %get3A_1576, %get3A_1582 : vector<16xf32>
        %mul3A_1584 = arith.constant 5.000000e-01 : f32
        %mul3A_1585 = vector.broadcast %mul3A_1584 : f32 to vector<16xf32>
        %mul3A_1586 = arith.mulf %add3A_1583, %mul3A_1585 : vector<16xf32>
        %swap3A_1587 = arith.constant 0 : i32
        %swap3A_1588 = arith.index_cast %swap3A_1587 : i32 to index
        %swap3A_1589 = arith.index_cast %scan3A_1524 : i32 to index
        %swap3A_1590 = arith.constant 32 : index
        %swap3A_1591 = tpu.vector_load %arg8[%swap3A_1588, %swap3A_1589, %swap3A_1590] {strides = array<i32>} : memref<2x384x64xf32, #tpu.memory_space<vmem>>, vector<1x1x16xf32>,
        %swap3A_1592 = vector.shape_cast %swap3A_1591 : vector<1x1x16xf32> to vector<16xf32>
        %swap3A_1593 = vector.shape_cast %mul3A_1586 : vector<16xf32> to vector<1x1x16xf32>
        tpu.vector_store %arg8[%swap3A_1588, %swap3A_1589, %swap3A_1590], %swap3A_1593 {strides = array<i32>} : memref<2x384x64xf32, #tpu.memory_space<vmem>>, vector<1x1x16xf32>,
        %get3A_1594 = arith.constant 0 : i32
        %get3A_1595 = arith.index_cast %get3A_1594 : i32 to index
        %get3A_1596 = arith.index_cast %scan3A_1524 : i32 to index
        %get3A_1597 = arith.constant 48 : index
        %get3A_1598 = tpu.vector_load %arg8[%get3A_1595, %get3A_1596, %get3A_1597] {strides = array<i32>} : memref<2x384x64xf32, #tpu.memory_space<vmem>>, vector<1x1x16xf32>,
        %get3A_1599 = vector.shape_cast %get3A_1598 : vector<1x1x16xf32> to vector<16xf32>
        %get3A_1600 = arith.constant 0 : i32
        %get3A_1601 = arith.index_cast %get3A_1600 : i32 to index
        %get3A_1602 = arith.index_cast %scan3A_1524 : i32 to index
        %get3A_1603 = arith.constant 48 : index
        %get3A_1604 = tpu.vector_load %arg9[%get3A_1601, %get3A_1602, %get3A_1603] {strides = array<i32>} : memref<2x384x64xf32, #tpu.memory_space<vmem>>, vector<1x1x16xf32>,
        %get3A_1605 = vector.shape_cast %get3A_1604 : vector<1x1x16xf32> to vector<16xf32>
        %add3A_1606 = arith.addf %get3A_1599, %get3A_1605 : vector<16xf32>
        %mul3A_1607 = arith.constant 5.000000e-01 : f32
        %mul3A_1608 = vector.broadcast %mul3A_1607 : f32 to vector<16xf32>
        %mul3A_1609 = arith.mulf %add3A_1606, %mul3A_1608 : vector<16xf32>
        %swap3A_1610 = arith.constant 0 : i32
        %swap3A_1611 = arith.index_cast %swap3A_1610 : i32 to index
        %swap3A_1612 = arith.index_cast %scan3A_1524 : i32 to index
        %swap3A_1613 = arith.constant 48 : index
        %swap3A_1614 = tpu.vector_load %arg8[%swap3A_1611, %swap3A_1612, %swap3A_1613] {strides = array<i32>} : memref<2x384x64xf32, #tpu.memory_space<vmem>>, vector<1x1x16xf32>,
        %swap3A_1615 = vector.shape_cast %swap3A_1614 : vector<1x1x16xf32> to vector<16xf32>
        %swap3A_1616 = vector.shape_cast %mul3A_1609 : vector<16xf32> to vector<1x1x16xf32>
        tpu.vector_store %arg8[%swap3A_1611, %swap3A_1612, %swap3A_1613], %swap3A_1616 {strides = array<i32>} : memref<2x384x64xf32, #tpu.memory_space<vmem>>, vector<1x1x16xf32>,
      }
      %scan3A_1415 = arith.constant 384 : i32
      %mul3A_1416 = arith.constant 384 : i32
      %mul3A_1417 = arith.muli %add3A_1141, %mul3A_1416 : i32
      %add3A_1418 = arith.addi %mul3A_2, %mul3A_1417 : i32
      %dma_start3A_1419 = arith.constant 0 : i32
      %dma_start3A_1420 = arith.constant 0 : i32
      %dma_start3A_1421 = arith.constant 0 : i32
      %dma_start3A_1422 = tpu.memref_slice %arg8[%dma_start3A_1419, %dma_start3A_1420, %dma_start3A_1421] : memref<2x384x64xf32, #tpu.memory_space<vmem>> -> memref<1x384x64xf32, #tpu.memory_space<vmem>>
      %dma_start3A_1423 = tpu.memref_squeeze %dma_start3A_1422 : memref<1x384x64xf32, #tpu.memory_space<vmem>> -> memref<384x64xf32, #tpu.memory_space<vmem>>
      %dma_start3A_1424 = arith.constant 0 : i32
      %dma_start3A_1425 = tpu.memref_slice %arg5[%add3A_1418, %dma_start3A_1424] : memref<995328x64xf32, #tpu.memory_space<hbm>> -> memref<384x64xf32, #tpu.memory_space<hbm>>
      %dma_start3A_1426 = arith.constant 0 : i32
      %dma_start3A_1427 = tpu.memref_slice %arg5[%add3A_1418, %dma_start3A_1426] : memref<995328x64xf32, #tpu.memory_space<hbm>> -> memref<384x64xf32, #tpu.memory_space<hbm>>
      %dma_start3A_1428 = arith.constant 0 : i32
      %dma_start3A_1429 = arith.constant 0 : i32
      %dma_start3A_1430 = tpu.memref_slice %arg8[%dma_start3A_1419, %dma_start3A_1428, %dma_start3A_1429] : memref<2x384x64xf32, #tpu.memory_space<vmem>> -> memref<1x384x64xf32, #tpu.memory_space<vmem>>
      %dma_start3A_1431 = tpu.memref_squeeze %dma_start3A_1430 : memref<1x384x64xf32, #tpu.memory_space<vmem>> -> memref<384x64xf32, #tpu.memory_space<vmem>>
      tpu.enqueue_dma source(%dma_start3A_1431 : memref<384x64xf32, #tpu.memory_space<vmem>>) target(%dma_start3A_1427 : memref<384x64xf32, #tpu.memory_space<hbm>>) target_semaphore(%arg14 : memref<!tpu.dma_semaphore, #tpu.memory_space<semaphore_mem>>)
    }
    %scan3A_432 = arith.constant 39 : i32
    %add3A_433 = arith.constant 29952 : i32
    %add3A_434 = arith.addi %mul3A_2, %add3A_433 : i32
    %dma_wait3A_435 = arith.constant 0 : i32
    %dma_wait3A_436 = arith.constant 0 : i32
    %dma_wait3A_437 = arith.constant 0 : i32
    %dma_wait3A_438 = tpu.memref_slice %arg8[%dma_wait3A_435, %dma_wait3A_436, %dma_wait3A_437] : memref<2x384x64xf32, #tpu.memory_space<vmem>> -> memref<1x384x64xf32, #tpu.memory_space<vmem>>
    %dma_wait3A_439 = tpu.memref_squeeze %dma_wait3A_438 : memref<1x384x64xf32, #tpu.memory_space<vmem>> -> memref<384x64xf32, #tpu.memory_space<vmem>>
    %dma_wait3A_440 = arith.constant 0 : i32
    %dma_wait3A_441 = tpu.memref_slice %arg5[%add3A_434, %dma_wait3A_440] : memref<995328x64xf32, #tpu.memory_space<hbm>> -> memref<384x64xf32, #tpu.memory_space<hbm>>
    %dma_wait3A_442 = arith.constant 0 : i32
    %dma_wait3A_443 = tpu.memref_slice %arg5[%add3A_434, %dma_wait3A_442] : memref<995328x64xf32, #tpu.memory_space<hbm>> -> memref<384x64xf32, #tpu.memory_space<hbm>>
    %dma_wait3A_444 = arith.constant 0 : i32
    %dma_wait3A_445 = arith.constant 0 : i32
    %dma_wait3A_446 = tpu.memref_slice %arg8[%dma_wait3A_435, %dma_wait3A_444, %dma_wait3A_445] : memref<2x384x64xf32, #tpu.memory_space<vmem>> -> memref<1x384x64xf32, #tpu.memory_space<vmem>>
    %dma_wait3A_447 = tpu.memref_squeeze %dma_wait3A_446 : memref<1x384x64xf32, #tpu.memory_space<vmem>> -> memref<384x64xf32, #tpu.memory_space<vmem>>
    tpu.wait_dma2 semaphore(%arg14 : memref<!tpu.dma_semaphore, #tpu.memory_space<semaphore_mem>>) src(%dma_wait3A_447 : memref<384x64xf32, #tpu.memory_space<vmem>>) dst(%dma_wait3A_443 : memref<384x64xf32, #tpu.memory_space<hbm>>)
    %add3A_448 = arith.constant 30720 : i32
    %add3A_449 = arith.addi %mul3A_2, %add3A_448 : i32
    %dma_wait3A_450 = arith.constant 0 : i32
    %dma_wait3A_451 = arith.constant 0 : i32
    %dma_wait3A_452 = tpu.memref_slice %arg6[%dma_wait3A_450, %dma_wait3A_451] : memref<2x384xi32, #tpu.memory_space<vmem>> -> memref<1x384xi32, #tpu.memory_space<vmem>>
    %dma_wait3A_453 = tpu.memref_squeeze %dma_wait3A_452 : memref<1x384xi32, #tpu.memory_space<vmem>> -> memref<384xi32, #tpu.memory_space<vmem>>
    %dma_wait3A_454 = tpu.memref_slice %arg2[%add3A_449] : memref<995328xi32, #tpu.memory_space<hbm>> -> memref<384xi32, #tpu.memory_space<hbm>>
    %dma_wait3A_455 = arith.constant 0 : i32
    %dma_wait3A_456 = tpu.memref_slice %arg6[%dma_wait3A_450, %dma_wait3A_455] : memref<2x384xi32, #tpu.memory_space<vmem>> -> memref<1x384xi32, #tpu.memory_space<vmem>>
    %dma_wait3A_457 = tpu.memref_squeeze %dma_wait3A_456 : memref<1x384xi32, #tpu.memory_space<vmem>> -> memref<384xi32, #tpu.memory_space<vmem>>
    %dma_wait3A_458 = tpu.memref_slice %arg2[%add3A_449] : memref<995328xi32, #tpu.memory_space<hbm>> -> memref<384xi32, #tpu.memory_space<hbm>>
    tpu.wait_dma2 semaphore(%arg10 : memref<!tpu.dma_semaphore, #tpu.memory_space<semaphore_mem>>) src(%dma_wait3A_458 : memref<384xi32, #tpu.memory_space<hbm>>) dst(%dma_wait3A_457 : memref<384xi32, #tpu.memory_space<vmem>>)
    %dma_wait3A_459 = arith.constant 0 : i32
    %dma_wait3A_460 = arith.constant 0 : i32
    %dma_wait3A_461 = tpu.memref_slice %arg7[%dma_wait3A_459, %dma_wait3A_460] : memref<2x384xi32, #tpu.memory_space<vmem>> -> memref<1x384xi32, #tpu.memory_space<vmem>>
    %dma_wait3A_462 = tpu.memref_squeeze %dma_wait3A_461 : memref<1x384xi32, #tpu.memory_space<vmem>> -> memref<384xi32, #tpu.memory_space<vmem>>
    %dma_wait3A_463 = tpu.memref_slice %arg3[%add3A_449] : memref<995328xi32, #tpu.memory_space<hbm>> -> memref<384xi32, #tpu.memory_space<hbm>>
    %dma_wait3A_464 = arith.constant 0 : i32
    %dma_wait3A_465 = tpu.memref_slice %arg7[%dma_wait3A_459, %dma_wait3A_464] : memref<2x384xi32, #tpu.memory_space<vmem>> -> memref<1x384xi32, #tpu.memory_space<vmem>>
    %dma_wait3A_466 = tpu.memref_squeeze %dma_wait3A_465 : memref<1x384xi32, #tpu.memory_space<vmem>> -> memref<384xi32, #tpu.memory_space<vmem>>
    %dma_wait3A_467 = tpu.memref_slice %arg3[%add3A_449] : memref<995328xi32, #tpu.memory_space<hbm>> -> memref<384xi32, #tpu.memory_space<hbm>>
    tpu.wait_dma2 semaphore(%arg10 : memref<!tpu.dma_semaphore, #tpu.memory_space<semaphore_mem>>) src(%dma_wait3A_467 : memref<384xi32, #tpu.memory_space<hbm>>) dst(%dma_wait3A_466 : memref<384xi32, #tpu.memory_space<vmem>>)
    %dma_start3A_468 = arith.constant 0 : i32
    %dma_start3A_469 = arith.constant 0 : i32
    %dma_start3A_470 = arith.constant 0 : i32
    %dma_start3A_471 = arith.constant 0 : i32
    %dma_start3A_472 = tpu.memref_slice %arg8[%dma_start3A_469, %dma_start3A_470, %dma_start3A_471] : memref<2x384x64xf32, #tpu.memory_space<vmem>> -> memref<1x384x64xf32, #tpu.memory_space<vmem>>
    %dma_start3A_473 = tpu.memref_squeeze %dma_start3A_472 : memref<1x384x64xf32, #tpu.memory_space<vmem>> -> memref<384x64xf32, #tpu.memory_space<vmem>>
    %dma_start3A_474 = arith.constant 0 : i32
    %dma_start3A_475 = arith.constant 0 : i32
    %dma_start3A_476 = tpu.memref_slice %dma_start3A_473[%dma_start3A_474, %dma_start3A_475] : memref<384x64xf32, #tpu.memory_space<vmem>> -> memref<128x64xf32, #tpu.memory_space<vmem>>
    %dma_start3A_477 = arith.constant 0 : i32
    %dma_start3A_478 = tpu.memref_slice %arg6[%dma_start3A_468, %dma_start3A_477] : memref<2x384xi32, #tpu.memory_space<vmem>> -> memref<1x384xi32, #tpu.memory_space<vmem>>
    %dma_start3A_479 = tpu.memref_squeeze %dma_start3A_478 : memref<1x384xi32, #tpu.memory_space<vmem>> -> memref<384xi32, #tpu.memory_space<vmem>>
    %dma_start3A_480 = arith.constant 0 : i32
    %dma_start3A_481 = tpu.memref_slice %dma_start3A_479[%dma_start3A_480] : memref<384xi32, #tpu.memory_space<vmem>> -> memref<128xi32, #tpu.memory_space<vmem>>
    %dma_start3A_482 = arith.constant 0 : i32
    %dma_start3A_483 = arith.constant 0 : i32
    %dma_start3A_484 = tpu.memref_slice %arg4[%dma_start3A_482, %dma_start3A_483] : memref<100000x64xf32, #tpu.memory_space<hbm>> -> memref<100000x64xf32, #tpu.memory_space<hbm>>
    tpu.enqueue_indirect_dma source(%dma_start3A_484 : memref<100000x64xf32, #tpu.memory_space<hbm>>) target(%dma_start3A_476 : memref<128x64xf32, #tpu.memory_space<vmem>>) offsets(%dma_start3A_481 : memref<128xi32, #tpu.memory_space<vmem>>) semaphore(%arg12 : memref<!tpu.dma_semaphore, #tpu.memory_space<semaphore_mem>>)
    %dma_start3A_485 = arith.constant 0 : i32
    %dma_start3A_486 = arith.constant 0 : i32
    %dma_start3A_487 = arith.constant 0 : i32
    %dma_start3A_488 = arith.constant 0 : i32
    %dma_start3A_489 = tpu.memref_slice %arg9[%dma_start3A_486, %dma_start3A_487, %dma_start3A_488] : memref<2x384x64xf32, #tpu.memory_space<vmem>> -> memref<1x384x64xf32, #tpu.memory_space<vmem>>
    %dma_start3A_490 = tpu.memref_squeeze %dma_start3A_489 : memref<1x384x64xf32, #tpu.memory_space<vmem>> -> memref<384x64xf32, #tpu.memory_space<vmem>>
    %dma_start3A_491 = arith.constant 0 : i32
    %dma_start3A_492 = arith.constant 0 : i32
    %dma_start3A_493 = tpu.memref_slice %dma_start3A_490[%dma_start3A_491, %dma_start3A_492] : memref<384x64xf32, #tpu.memory_space<vmem>> -> memref<128x64xf32, #tpu.memory_space<vmem>>
    %dma_start3A_494 = arith.constant 0 : i32
    %dma_start3A_495 = tpu.memref_slice %arg7[%dma_start3A_485, %dma_start3A_494] : memref<2x384xi32, #tpu.memory_space<vmem>> -> memref<1x384xi32, #tpu.memory_space<vmem>>
    %dma_start3A_496 = tpu.memref_squeeze %dma_start3A_495 : memref<1x384xi32, #tpu.memory_space<vmem>> -> memref<384xi32, #tpu.memory_space<vmem>>
    %dma_start3A_497 = arith.constant 0 : i32
    %dma_start3A_498 = tpu.memref_slice %dma_start3A_496[%dma_start3A_497] : memref<384xi32, #tpu.memory_space<vmem>> -> memref<128xi32, #tpu.memory_space<vmem>>
    %dma_start3A_499 = arith.constant 0 : i32
    %dma_start3A_500 = arith.constant 0 : i32
    %dma_start3A_501 = tpu.memref_slice %arg4[%dma_start3A_499, %dma_start3A_500] : memref<100000x64xf32, #tpu.memory_space<hbm>> -> memref<100000x64xf32, #tpu.memory_space<hbm>>
    tpu.enqueue_indirect_dma source(%dma_start3A_501 : memref<100000x64xf32, #tpu.memory_space<hbm>>) target(%dma_start3A_493 : memref<128x64xf32, #tpu.memory_space<vmem>>) offsets(%dma_start3A_498 : memref<128xi32, #tpu.memory_space<vmem>>) semaphore(%arg12 : memref<!tpu.dma_semaphore, #tpu.memory_space<semaphore_mem>>)
    %dma_start3A_502 = arith.constant 0 : i32
    %dma_start3A_503 = arith.constant 0 : i32
    %dma_start3A_504 = arith.constant 0 : i32
    %dma_start3A_505 = arith.constant 0 : i32
    %dma_start3A_506 = tpu.memref_slice %arg8[%dma_start3A_503, %dma_start3A_504, %dma_start3A_505] : memref<2x384x64xf32, #tpu.memory_space<vmem>> -> memref<1x384x64xf32, #tpu.memory_space<vmem>>
    %dma_start3A_507 = tpu.memref_squeeze %dma_start3A_506 : memref<1x384x64xf32, #tpu.memory_space<vmem>> -> memref<384x64xf32, #tpu.memory_space<vmem>>
    %dma_start3A_508 = arith.constant 128 : i32
    %dma_start3A_509 = arith.constant 0 : i32
    %dma_start3A_510 = tpu.memref_slice %dma_start3A_507[%dma_start3A_508, %dma_start3A_509] : memref<384x64xf32, #tpu.memory_space<vmem>> -> memref<128x64xf32, #tpu.memory_space<vmem>>
    %dma_start3A_511 = arith.constant 0 : i32
    %dma_start3A_512 = tpu.memref_slice %arg6[%dma_start3A_502, %dma_start3A_511] : memref<2x384xi32, #tpu.memory_space<vmem>> -> memref<1x384xi32, #tpu.memory_space<vmem>>
    %dma_start3A_513 = tpu.memref_squeeze %dma_start3A_512 : memref<1x384xi32, #tpu.memory_space<vmem>> -> memref<384xi32, #tpu.memory_space<vmem>>
    %dma_start3A_514 = arith.constant 128 : i32
    %dma_start3A_515 = tpu.memref_slice %dma_start3A_513[%dma_start3A_514] : memref<384xi32, #tpu.memory_space<vmem>> -> memref<128xi32, #tpu.memory_space<vmem>>
    %dma_start3A_516 = arith.constant 0 : i32
    %dma_start3A_517 = arith.constant 0 : i32
    %dma_start3A_518 = tpu.memref_slice %arg4[%dma_start3A_516, %dma_start3A_517] : memref<100000x64xf32, #tpu.memory_space<hbm>> -> memref<100000x64xf32, #tpu.memory_space<hbm>>
    tpu.enqueue_indirect_dma source(%dma_start3A_518 : memref<100000x64xf32, #tpu.memory_space<hbm>>) target(%dma_start3A_510 : memref<128x64xf32, #tpu.memory_space<vmem>>) offsets(%dma_start3A_515 : memref<128xi32, #tpu.memory_space<vmem>>) semaphore(%arg12 : memref<!tpu.dma_semaphore, #tpu.memory_space<semaphore_mem>>)
    %dma_start3A_519 = arith.constant 0 : i32
    %dma_start3A_520 = arith.constant 0 : i32
    %dma_start3A_521 = arith.constant 0 : i32
    %dma_start3A_522 = arith.constant 0 : i32
    %dma_start3A_523 = tpu.memref_slice %arg9[%dma_start3A_520, %dma_start3A_521, %dma_start3A_522] : memref<2x384x64xf32, #tpu.memory_space<vmem>> -> memref<1x384x64xf32, #tpu.memory_space<vmem>>
    %dma_start3A_524 = tpu.memref_squeeze %dma_start3A_523 : memref<1x384x64xf32, #tpu.memory_space<vmem>> -> memref<384x64xf32, #tpu.memory_space<vmem>>
    %dma_start3A_525 = arith.constant 128 : i32
    %dma_start3A_526 = arith.constant 0 : i32
    %dma_start3A_527 = tpu.memref_slice %dma_start3A_524[%dma_start3A_525, %dma_start3A_526] : memref<384x64xf32, #tpu.memory_space<vmem>> -> memref<128x64xf32, #tpu.memory_space<vmem>>
    %dma_start3A_528 = arith.constant 0 : i32
    %dma_start3A_529 = tpu.memref_slice %arg7[%dma_start3A_519, %dma_start3A_528] : memref<2x384xi32, #tpu.memory_space<vmem>> -> memref<1x384xi32, #tpu.memory_space<vmem>>
    %dma_start3A_530 = tpu.memref_squeeze %dma_start3A_529 : memref<1x384xi32, #tpu.memory_space<vmem>> -> memref<384xi32, #tpu.memory_space<vmem>>
    %dma_start3A_531 = arith.constant 128 : i32
    %dma_start3A_532 = tpu.memref_slice %dma_start3A_530[%dma_start3A_531] : memref<384xi32, #tpu.memory_space<vmem>> -> memref<128xi32, #tpu.memory_space<vmem>>
    %dma_start3A_533 = arith.constant 0 : i32
    %dma_start3A_534 = arith.constant 0 : i32
    %dma_start3A_535 = tpu.memref_slice %arg4[%dma_start3A_533, %dma_start3A_534] : memref<100000x64xf32, #tpu.memory_space<hbm>> -> memref<100000x64xf32, #tpu.memory_space<hbm>>
    tpu.enqueue_indirect_dma source(%dma_start3A_535 : memref<100000x64xf32, #tpu.memory_space<hbm>>) target(%dma_start3A_527 : memref<128x64xf32, #tpu.memory_space<vmem>>) offsets(%dma_start3A_532 : memref<128xi32, #tpu.memory_space<vmem>>) semaphore(%arg12 : memref<!tpu.dma_semaphore, #tpu.memory_space<semaphore_mem>>)
    %dma_start3A_536 = arith.constant 0 : i32
    %dma_start3A_537 = arith.constant 0 : i32
    %dma_start3A_538 = arith.constant 0 : i32
    %dma_start3A_539 = arith.constant 0 : i32
    %dma_start3A_540 = tpu.memref_slice %arg8[%dma_start3A_537, %dma_start3A_538, %dma_start3A_539] : memref<2x384x64xf32, #tpu.memory_space<vmem>> -> memref<1x384x64xf32, #tpu.memory_space<vmem>>
    %dma_start3A_541 = tpu.memref_squeeze %dma_start3A_540 : memref<1x384x64xf32, #tpu.memory_space<vmem>> -> memref<384x64xf32, #tpu.memory_space<vmem>>
    %dma_start3A_542 = arith.constant 256 : i32
    %dma_start3A_543 = arith.constant 0 : i32
    %dma_start3A_544 = tpu.memref_slice %dma_start3A_541[%dma_start3A_542, %dma_start3A_543] : memref<384x64xf32, #tpu.memory_space<vmem>> -> memref<128x64xf32, #tpu.memory_space<vmem>>
    %dma_start3A_545 = arith.constant 0 : i32
    %dma_start3A_546 = tpu.memref_slice %arg6[%dma_start3A_536, %dma_start3A_545] : memref<2x384xi32, #tpu.memory_space<vmem>> -> memref<1x384xi32, #tpu.memory_space<vmem>>
    %dma_start3A_547 = tpu.memref_squeeze %dma_start3A_546 : memref<1x384xi32, #tpu.memory_space<vmem>> -> memref<384xi32, #tpu.memory_space<vmem>>
    %dma_start3A_548 = arith.constant 256 : i32
    %dma_start3A_549 = tpu.memref_slice %dma_start3A_547[%dma_start3A_548] : memref<384xi32, #tpu.memory_space<vmem>> -> memref<128xi32, #tpu.memory_space<vmem>>
    %dma_start3A_550 = arith.constant 0 : i32
    %dma_start3A_551 = arith.constant 0 : i32
    %dma_start3A_552 = tpu.memref_slice %arg4[%dma_start3A_550, %dma_start3A_551] : memref<100000x64xf32, #tpu.memory_space<hbm>> -> memref<100000x64xf32, #tpu.memory_space<hbm>>
    tpu.enqueue_indirect_dma source(%dma_start3A_552 : memref<100000x64xf32, #tpu.memory_space<hbm>>) target(%dma_start3A_544 : memref<128x64xf32, #tpu.memory_space<vmem>>) offsets(%dma_start3A_549 : memref<128xi32, #tpu.memory_space<vmem>>) semaphore(%arg12 : memref<!tpu.dma_semaphore, #tpu.memory_space<semaphore_mem>>)
    %dma_start3A_553 = arith.constant 0 : i32
    %dma_start3A_554 = arith.constant 0 : i32
    %dma_start3A_555 = arith.constant 0 : i32
    %dma_start3A_556 = arith.constant 0 : i32
    %dma_start3A_557 = tpu.memref_slice %arg9[%dma_start3A_554, %dma_start3A_555, %dma_start3A_556] : memref<2x384x64xf32, #tpu.memory_space<vmem>> -> memref<1x384x64xf32, #tpu.memory_space<vmem>>
    %dma_start3A_558 = tpu.memref_squeeze %dma_start3A_557 : memref<1x384x64xf32, #tpu.memory_space<vmem>> -> memref<384x64xf32, #tpu.memory_space<vmem>>
    %dma_start3A_559 = arith.constant 256 : i32
    %dma_start3A_560 = arith.constant 0 : i32
    %dma_start3A_561 = tpu.memref_slice %dma_start3A_558[%dma_start3A_559, %dma_start3A_560] : memref<384x64xf32, #tpu.memory_space<vmem>> -> memref<128x64xf32, #tpu.memory_space<vmem>>
    %dma_start3A_562 = arith.constant 0 : i32
    %dma_start3A_563 = tpu.memref_slice %arg7[%dma_start3A_553, %dma_start3A_562] : memref<2x384xi32, #tpu.memory_space<vmem>> -> memref<1x384xi32, #tpu.memory_space<vmem>>
    %dma_start3A_564 = tpu.memref_squeeze %dma_start3A_563 : memref<1x384xi32, #tpu.memory_space<vmem>> -> memref<384xi32, #tpu.memory_space<vmem>>
    %dma_start3A_565 = arith.constant 256 : i32
    %dma_start3A_566 = tpu.memref_slice %dma_start3A_564[%dma_start3A_565] : memref<384xi32, #tpu.memory_space<vmem>> -> memref<128xi32, #tpu.memory_space<vmem>>
    %dma_start3A_567 = arith.constant 0 : i32
    %dma_start3A_568 = arith.constant 0 : i32
    %dma_start3A_569 = tpu.memref_slice %arg4[%dma_start3A_567, %dma_start3A_568] : memref<100000x64xf32, #tpu.memory_space<hbm>> -> memref<100000x64xf32, #tpu.memory_space<hbm>>
    tpu.enqueue_indirect_dma source(%dma_start3A_569 : memref<100000x64xf32, #tpu.memory_space<hbm>>) target(%dma_start3A_561 : memref<128x64xf32, #tpu.memory_space<vmem>>) offsets(%dma_start3A_566 : memref<128xi32, #tpu.memory_space<vmem>>) semaphore(%arg12 : memref<!tpu.dma_semaphore, #tpu.memory_space<semaphore_mem>>)
    %dma_wait3A_570 = arith.constant 1 : i32
    %dma_wait3A_571 = arith.constant 1 : i32
    %dma_wait3A_572 = arith.constant 0 : i32
    %dma_wait3A_573 = arith.constant 0 : i32
    %dma_wait3A_574 = tpu.memref_slice %arg8[%dma_wait3A_571, %dma_wait3A_572, %dma_wait3A_573] : memref<2x384x64xf32, #tpu.memory_space<vmem>> -> memref<1x384x64xf32, #tpu.memory_space<vmem>>
    %dma_wait3A_575 = tpu.memref_squeeze %dma_wait3A_574 : memref<1x384x64xf32, #tpu.memory_space<vmem>> -> memref<384x64xf32, #tpu.memory_space<vmem>>
    %dma_wait3A_576 = arith.constant 0 : i32
    %dma_wait3A_577 = arith.constant 0 : i32
    %dma_wait3A_578 = tpu.memref_slice %dma_wait3A_575[%dma_wait3A_576, %dma_wait3A_577] : memref<384x64xf32, #tpu.memory_space<vmem>> -> memref<128x64xf32, #tpu.memory_space<vmem>>
    %dma_wait3A_579 = arith.constant 0 : i32
    %dma_wait3A_580 = tpu.memref_slice %arg6[%dma_wait3A_570, %dma_wait3A_579] : memref<2x384xi32, #tpu.memory_space<vmem>> -> memref<1x384xi32, #tpu.memory_space<vmem>>
    %dma_wait3A_581 = tpu.memref_squeeze %dma_wait3A_580 : memref<1x384xi32, #tpu.memory_space<vmem>> -> memref<384xi32, #tpu.memory_space<vmem>>
    %dma_wait3A_582 = arith.constant 0 : i32
    %dma_wait3A_583 = tpu.memref_slice %dma_wait3A_581[%dma_wait3A_582] : memref<384xi32, #tpu.memory_space<vmem>> -> memref<128xi32, #tpu.memory_space<vmem>>
    %dma_wait3A_584 = arith.constant 0 : i32
    %dma_wait3A_585 = arith.constant 0 : i32
    %dma_wait3A_586 = tpu.memref_slice %arg4[%dma_wait3A_584, %dma_wait3A_585] : memref<100000x64xf32, #tpu.memory_space<hbm>> -> memref<100000x64xf32, #tpu.memory_space<hbm>>
    tpu.wait_indirect_dma semaphore(%arg13 : memref<!tpu.dma_semaphore, #tpu.memory_space<semaphore_mem>>) src(%dma_wait3A_586 : memref<100000x64xf32, #tpu.memory_space<hbm>>) dst(%dma_wait3A_578 : memref<128x64xf32, #tpu.memory_space<vmem>>)
    %dma_wait3A_587 = arith.constant 1 : i32
    %dma_wait3A_588 = arith.constant 1 : i32
    %dma_wait3A_589 = arith.constant 0 : i32
    %dma_wait3A_590 = arith.constant 0 : i32
    %dma_wait3A_591 = tpu.memref_slice %arg9[%dma_wait3A_588, %dma_wait3A_589, %dma_wait3A_590] : memref<2x384x64xf32, #tpu.memory_space<vmem>> -> memref<1x384x64xf32, #tpu.memory_space<vmem>>
    %dma_wait3A_592 = tpu.memref_squeeze %dma_wait3A_591 : memref<1x384x64xf32, #tpu.memory_space<vmem>> -> memref<384x64xf32, #tpu.memory_space<vmem>>
    %dma_wait3A_593 = arith.constant 0 : i32
    %dma_wait3A_594 = arith.constant 0 : i32
    %dma_wait3A_595 = tpu.memref_slice %dma_wait3A_592[%dma_wait3A_593, %dma_wait3A_594] : memref<384x64xf32, #tpu.memory_space<vmem>> -> memref<128x64xf32, #tpu.memory_space<vmem>>
    %dma_wait3A_596 = arith.constant 0 : i32
    %dma_wait3A_597 = tpu.memref_slice %arg7[%dma_wait3A_587, %dma_wait3A_596] : memref<2x384xi32, #tpu.memory_space<vmem>> -> memref<1x384xi32, #tpu.memory_space<vmem>>
    %dma_wait3A_598 = tpu.memref_squeeze %dma_wait3A_597 : memref<1x384xi32, #tpu.memory_space<vmem>> -> memref<384xi32, #tpu.memory_space<vmem>>
    %dma_wait3A_599 = arith.constant 0 : i32
    %dma_wait3A_600 = tpu.memref_slice %dma_wait3A_598[%dma_wait3A_599] : memref<384xi32, #tpu.memory_space<vmem>> -> memref<128xi32, #tpu.memory_space<vmem>>
    %dma_wait3A_601 = arith.constant 0 : i32
    %dma_wait3A_602 = arith.constant 0 : i32
    %dma_wait3A_603 = tpu.memref_slice %arg4[%dma_wait3A_601, %dma_wait3A_602] : memref<100000x64xf32, #tpu.memory_space<hbm>> -> memref<100000x64xf32, #tpu.memory_space<hbm>>
    tpu.wait_indirect_dma semaphore(%arg13 : memref<!tpu.dma_semaphore, #tpu.memory_space<semaphore_mem>>) src(%dma_wait3A_603 : memref<100000x64xf32, #tpu.memory_space<hbm>>) dst(%dma_wait3A_595 : memref<128x64xf32, #tpu.memory_space<vmem>>)
    %dma_wait3A_604 = arith.constant 1 : i32
    %dma_wait3A_605 = arith.constant 1 : i32
    %dma_wait3A_606 = arith.constant 0 : i32
    %dma_wait3A_607 = arith.constant 0 : i32
    %dma_wait3A_608 = tpu.memref_slice %arg8[%dma_wait3A_605, %dma_wait3A_606, %dma_wait3A_607] : memref<2x384x64xf32, #tpu.memory_space<vmem>> -> memref<1x384x64xf32, #tpu.memory_space<vmem>>
    %dma_wait3A_609 = tpu.memref_squeeze %dma_wait3A_608 : memref<1x384x64xf32, #tpu.memory_space<vmem>> -> memref<384x64xf32, #tpu.memory_space<vmem>>
    %dma_wait3A_610 = arith.constant 128 : i32
    %dma_wait3A_611 = arith.constant 0 : i32
    %dma_wait3A_612 = tpu.memref_slice %dma_wait3A_609[%dma_wait3A_610, %dma_wait3A_611] : memref<384x64xf32, #tpu.memory_space<vmem>> -> memref<128x64xf32, #tpu.memory_space<vmem>>
    %dma_wait3A_613 = arith.constant 0 : i32
    %dma_wait3A_614 = tpu.memref_slice %arg6[%dma_wait3A_604, %dma_wait3A_613] : memref<2x384xi32, #tpu.memory_space<vmem>> -> memref<1x384xi32, #tpu.memory_space<vmem>>
    %dma_wait3A_615 = tpu.memref_squeeze %dma_wait3A_614 : memref<1x384xi32, #tpu.memory_space<vmem>> -> memref<384xi32, #tpu.memory_space<vmem>>
    %dma_wait3A_616 = arith.constant 128 : i32
    %dma_wait3A_617 = tpu.memref_slice %dma_wait3A_615[%dma_wait3A_616] : memref<384xi32, #tpu.memory_space<vmem>> -> memref<128xi32, #tpu.memory_space<vmem>>
    %dma_wait3A_618 = arith.constant 0 : i32
    %dma_wait3A_619 = arith.constant 0 : i32
    %dma_wait3A_620 = tpu.memref_slice %arg4[%dma_wait3A_618, %dma_wait3A_619] : memref<100000x64xf32, #tpu.memory_space<hbm>> -> memref<100000x64xf32, #tpu.memory_space<hbm>>
    tpu.wait_indirect_dma semaphore(%arg13 : memref<!tpu.dma_semaphore, #tpu.memory_space<semaphore_mem>>) src(%dma_wait3A_620 : memref<100000x64xf32, #tpu.memory_space<hbm>>) dst(%dma_wait3A_612 : memref<128x64xf32, #tpu.memory_space<vmem>>)
    %dma_wait3A_621 = arith.constant 1 : i32
    %dma_wait3A_622 = arith.constant 1 : i32
    %dma_wait3A_623 = arith.constant 0 : i32
    %dma_wait3A_624 = arith.constant 0 : i32
    %dma_wait3A_625 = tpu.memref_slice %arg9[%dma_wait3A_622, %dma_wait3A_623, %dma_wait3A_624] : memref<2x384x64xf32, #tpu.memory_space<vmem>> -> memref<1x384x64xf32, #tpu.memory_space<vmem>>
    %dma_wait3A_626 = tpu.memref_squeeze %dma_wait3A_625 : memref<1x384x64xf32, #tpu.memory_space<vmem>> -> memref<384x64xf32, #tpu.memory_space<vmem>>
    %dma_wait3A_627 = arith.constant 128 : i32
    %dma_wait3A_628 = arith.constant 0 : i32
    %dma_wait3A_629 = tpu.memref_slice %dma_wait3A_626[%dma_wait3A_627, %dma_wait3A_628] : memref<384x64xf32, #tpu.memory_space<vmem>> -> memref<128x64xf32, #tpu.memory_space<vmem>>
    %dma_wait3A_630 = arith.constant 0 : i32
    %dma_wait3A_631 = tpu.memref_slice %arg7[%dma_wait3A_621, %dma_wait3A_630] : memref<2x384xi32, #tpu.memory_space<vmem>> -> memref<1x384xi32, #tpu.memory_space<vmem>>
    %dma_wait3A_632 = tpu.memref_squeeze %dma_wait3A_631 : memref<1x384xi32, #tpu.memory_space<vmem>> -> memref<384xi32, #tpu.memory_space<vmem>>
    %dma_wait3A_633 = arith.constant 128 : i32
    %dma_wait3A_634 = tpu.memref_slice %dma_wait3A_632[%dma_wait3A_633] : memref<384xi32, #tpu.memory_space<vmem>> -> memref<128xi32, #tpu.memory_space<vmem>>
    %dma_wait3A_635 = arith.constant 0 : i32
    %dma_wait3A_636 = arith.constant 0 : i32
    %dma_wait3A_637 = tpu.memref_slice %arg4[%dma_wait3A_635, %dma_wait3A_636] : memref<100000x64xf32, #tpu.memory_space<hbm>> -> memref<100000x64xf32, #tpu.memory_space<hbm>>
    tpu.wait_indirect_dma semaphore(%arg13 : memref<!tpu.dma_semaphore, #tpu.memory_space<semaphore_mem>>) src(%dma_wait3A_637 : memref<100000x64xf32, #tpu.memory_space<hbm>>) dst(%dma_wait3A_629 : memref<128x64xf32, #tpu.memory_space<vmem>>)
    %dma_wait3A_638 = arith.constant 1 : i32
    %dma_wait3A_639 = arith.constant 1 : i32
    %dma_wait3A_640 = arith.constant 0 : i32
    %dma_wait3A_641 = arith.constant 0 : i32
    %dma_wait3A_642 = tpu.memref_slice %arg8[%dma_wait3A_639, %dma_wait3A_640, %dma_wait3A_641] : memref<2x384x64xf32, #tpu.memory_space<vmem>> -> memref<1x384x64xf32, #tpu.memory_space<vmem>>
    %dma_wait3A_643 = tpu.memref_squeeze %dma_wait3A_642 : memref<1x384x64xf32, #tpu.memory_space<vmem>> -> memref<384x64xf32, #tpu.memory_space<vmem>>
    %dma_wait3A_644 = arith.constant 256 : i32
    %dma_wait3A_645 = arith.constant 0 : i32
    %dma_wait3A_646 = tpu.memref_slice %dma_wait3A_643[%dma_wait3A_644, %dma_wait3A_645] : memref<384x64xf32, #tpu.memory_space<vmem>> -> memref<128x64xf32, #tpu.memory_space<vmem>>
    %dma_wait3A_647 = arith.constant 0 : i32
    %dma_wait3A_648 = tpu.memref_slice %arg6[%dma_wait3A_638, %dma_wait3A_647] : memref<2x384xi32, #tpu.memory_space<vmem>> -> memref<1x384xi32, #tpu.memory_space<vmem>>
    %dma_wait3A_649 = tpu.memref_squeeze %dma_wait3A_648 : memref<1x384xi32, #tpu.memory_space<vmem>> -> memref<384xi32, #tpu.memory_space<vmem>>
    %dma_wait3A_650 = arith.constant 256 : i32
    %dma_wait3A_651 = tpu.memref_slice %dma_wait3A_649[%dma_wait3A_650] : memref<384xi32, #tpu.memory_space<vmem>> -> memref<128xi32, #tpu.memory_space<vmem>>
    %dma_wait3A_652 = arith.constant 0 : i32
    %dma_wait3A_653 = arith.constant 0 : i32
    %dma_wait3A_654 = tpu.memref_slice %arg4[%dma_wait3A_652, %dma_wait3A_653] : memref<100000x64xf32, #tpu.memory_space<hbm>> -> memref<100000x64xf32, #tpu.memory_space<hbm>>
    tpu.wait_indirect_dma semaphore(%arg13 : memref<!tpu.dma_semaphore, #tpu.memory_space<semaphore_mem>>) src(%dma_wait3A_654 : memref<100000x64xf32, #tpu.memory_space<hbm>>) dst(%dma_wait3A_646 : memref<128x64xf32, #tpu.memory_space<vmem>>)
    %dma_wait3A_655 = arith.constant 1 : i32
    %dma_wait3A_656 = arith.constant 1 : i32
    %dma_wait3A_657 = arith.constant 0 : i32
    %dma_wait3A_658 = arith.constant 0 : i32
    %dma_wait3A_659 = tpu.memref_slice %arg9[%dma_wait3A_656, %dma_wait3A_657, %dma_wait3A_658] : memref<2x384x64xf32, #tpu.memory_space<vmem>> -> memref<1x384x64xf32, #tpu.memory_space<vmem>>
    %dma_wait3A_660 = tpu.memref_squeeze %dma_wait3A_659 : memref<1x384x64xf32, #tpu.memory_space<vmem>> -> memref<384x64xf32, #tpu.memory_space<vmem>>
    %dma_wait3A_661 = arith.constant 256 : i32
    %dma_wait3A_662 = arith.constant 0 : i32
    %dma_wait3A_663 = tpu.memref_slice %dma_wait3A_660[%dma_wait3A_661, %dma_wait3A_662] : memref<384x64xf32, #tpu.memory_space<vmem>> -> memref<128x64xf32, #tpu.memory_space<vmem>>
    %dma_wait3A_664 = arith.constant 0 : i32
    %dma_wait3A_665 = tpu.memref_slice %arg7[%dma_wait3A_655, %dma_wait3A_664] : memref<2x384xi32, #tpu.memory_space<vmem>> -> memref<1x384xi32, #tpu.memory_space<vmem>>
    %dma_wait3A_666 = tpu.memref_squeeze %dma_wait3A_665 : memref<1x384xi32, #tpu.memory_space<vmem>> -> memref<384xi32, #tpu.memory_space<vmem>>
    %dma_wait3A_667 = arith.constant 256 : i32
    %dma_wait3A_668 = tpu.memref_slice %dma_wait3A_666[%dma_wait3A_667] : memref<384xi32, #tpu.memory_space<vmem>> -> memref<128xi32, #tpu.memory_space<vmem>>
    %dma_wait3A_669 = arith.constant 0 : i32
    %dma_wait3A_670 = arith.constant 0 : i32
    %dma_wait3A_671 = tpu.memref_slice %arg4[%dma_wait3A_669, %dma_wait3A_670] : memref<100000x64xf32, #tpu.memory_space<hbm>> -> memref<100000x64xf32, #tpu.memory_space<hbm>>
    tpu.wait_indirect_dma semaphore(%arg13 : memref<!tpu.dma_semaphore, #tpu.memory_space<semaphore_mem>>) src(%dma_wait3A_671 : memref<100000x64xf32, #tpu.memory_space<hbm>>) dst(%dma_wait3A_663 : memref<128x64xf32, #tpu.memory_space<vmem>>)
    %scan3A_672 = arith.constant 0 : i32
    %scan3A_673 = arith.constant 0 : i32
    %scan3A_674 = arith.constant 384 : i32
    %scan3A_675 = arith.addi %scan3A_673, %scan3A_674 : i32
    %scan3A_676 = arith.constant 2 : i32
    scf.for %scan3A_846 = %scan3A_673 to %scan3A_675 step %scan3A_676  : i32 {
      %get3A = arith.constant 1 : i32
      %get3A_847 = arith.index_cast %get3A : i32 to index
      %get3A_848 = arith.index_cast %scan3A_846 : i32 to index
      %get3A_849 = arith.constant 0 : index
      %get3A_850 = tpu.vector_load %arg8[%get3A_847, %get3A_848, %get3A_849] {strides = array<i32>} : memref<2x384x64xf32, #tpu.memory_space<vmem>>, vector<1x1x16xf32>,
      %get3A_851 = vector.shape_cast %get3A_850 : vector<1x1x16xf32> to vector<16xf32>
      %get3A_852 = arith.constant 1 : i32
      %get3A_853 = arith.index_cast %get3A_852 : i32 to index
      %get3A_854 = arith.index_cast %scan3A_846 : i32 to index
      %get3A_855 = arith.constant 0 : index
      %get3A_856 = tpu.vector_load %arg9[%get3A_853, %get3A_854, %get3A_855] {strides = array<i32>} : memref<2x384x64xf32, #tpu.memory_space<vmem>>, vector<1x1x16xf32>,
      %get3A_857 = vector.shape_cast %get3A_856 : vector<1x1x16xf32> to vector<16xf32>
      %add3A_858 = arith.addf %get3A_851, %get3A_857 : vector<16xf32>
      %mul3A_859 = arith.constant 5.000000e-01 : f32
      %mul3A_860 = vector.broadcast %mul3A_859 : f32 to vector<16xf32>
      %mul3A_861 = arith.mulf %add3A_858, %mul3A_860 : vector<16xf32>
      %swap3A = arith.constant 1 : i32
      %swap3A_862 = arith.index_cast %swap3A : i32 to index
      %swap3A_863 = arith.index_cast %scan3A_846 : i32 to index
      %swap3A_864 = arith.constant 0 : index
      %swap3A_865 = tpu.vector_load %arg8[%swap3A_862, %swap3A_863, %swap3A_864] {strides = array<i32>} : memref<2x384x64xf32, #tpu.memory_space<vmem>>, vector<1x1x16xf32>,
      %swap3A_866 = vector.shape_cast %swap3A_865 : vector<1x1x16xf32> to vector<16xf32>
      %swap3A_867 = vector.shape_cast %mul3A_861 : vector<16xf32> to vector<1x1x16xf32>
      tpu.vector_store %arg8[%swap3A_862, %swap3A_863, %swap3A_864], %swap3A_867 {strides = array<i32>} : memref<2x384x64xf32, #tpu.memory_space<vmem>>, vector<1x1x16xf32>,
      %get3A_868 = arith.constant 1 : i32
      %get3A_869 = arith.index_cast %get3A_868 : i32 to index
      %get3A_870 = arith.index_cast %scan3A_846 : i32 to index
      %get3A_871 = arith.constant 16 : index
      %get3A_872 = tpu.vector_load %arg8[%get3A_869, %get3A_870, %get3A_871] {strides = array<i32>} : memref<2x384x64xf32, #tpu.memory_space<vmem>>, vector<1x1x16xf32>,
      %get3A_873 = vector.shape_cast %get3A_872 : vector<1x1x16xf32> to vector<16xf32>
      %get3A_874 = arith.constant 1 : i32
      %get3A_875 = arith.index_cast %get3A_874 : i32 to index
      %get3A_876 = arith.index_cast %scan3A_846 : i32 to index
      %get3A_877 = arith.constant 16 : index
      %get3A_878 = tpu.vector_load %arg9[%get3A_875, %get3A_876, %get3A_877] {strides = array<i32>} : memref<2x384x64xf32, #tpu.memory_space<vmem>>, vector<1x1x16xf32>,
      %get3A_879 = vector.shape_cast %get3A_878 : vector<1x1x16xf32> to vector<16xf32>
      %add3A_880 = arith.addf %get3A_873, %get3A_879 : vector<16xf32>
      %mul3A_881 = arith.constant 5.000000e-01 : f32
      %mul3A_882 = vector.broadcast %mul3A_881 : f32 to vector<16xf32>
      %mul3A_883 = arith.mulf %add3A_880, %mul3A_882 : vector<16xf32>
      %swap3A_884 = arith.constant 1 : i32
      %swap3A_885 = arith.index_cast %swap3A_884 : i32 to index
      %swap3A_886 = arith.index_cast %scan3A_846 : i32 to index
      %swap3A_887 = arith.constant 16 : index
      %swap3A_888 = tpu.vector_load %arg8[%swap3A_885, %swap3A_886, %swap3A_887] {strides = array<i32>} : memref<2x384x64xf32, #tpu.memory_space<vmem>>, vector<1x1x16xf32>,
      %swap3A_889 = vector.shape_cast %swap3A_888 : vector<1x1x16xf32> to vector<16xf32>
      %swap3A_890 = vector.shape_cast %mul3A_883 : vector<16xf32> to vector<1x1x16xf32>
      tpu.vector_store %arg8[%swap3A_885, %swap3A_886, %swap3A_887], %swap3A_890 {strides = array<i32>} : memref<2x384x64xf32, #tpu.memory_space<vmem>>, vector<1x1x16xf32>,
      %get3A_891 = arith.constant 1 : i32
      %get3A_892 = arith.index_cast %get3A_891 : i32 to index
      %get3A_893 = arith.index_cast %scan3A_846 : i32 to index
      %get3A_894 = arith.constant 32 : index
      %get3A_895 = tpu.vector_load %arg8[%get3A_892, %get3A_893, %get3A_894] {strides = array<i32>} : memref<2x384x64xf32, #tpu.memory_space<vmem>>, vector<1x1x16xf32>,
      %get3A_896 = vector.shape_cast %get3A_895 : vector<1x1x16xf32> to vector<16xf32>
      %get3A_897 = arith.constant 1 : i32
      %get3A_898 = arith.index_cast %get3A_897 : i32 to index
      %get3A_899 = arith.index_cast %scan3A_846 : i32 to index
      %get3A_900 = arith.constant 32 : index
      %get3A_901 = tpu.vector_load %arg9[%get3A_898, %get3A_899, %get3A_900] {strides = array<i32>} : memref<2x384x64xf32, #tpu.memory_space<vmem>>, vector<1x1x16xf32>,
      %get3A_902 = vector.shape_cast %get3A_901 : vector<1x1x16xf32> to vector<16xf32>
      %add3A_903 = arith.addf %get3A_896, %get3A_902 : vector<16xf32>
      %mul3A_904 = arith.constant 5.000000e-01 : f32
      %mul3A_905 = vector.broadcast %mul3A_904 : f32 to vector<16xf32>
      %mul3A_906 = arith.mulf %add3A_903, %mul3A_905 : vector<16xf32>
      %swap3A_907 = arith.constant 1 : i32
      %swap3A_908 = arith.index_cast %swap3A_907 : i32 to index
      %swap3A_909 = arith.index_cast %scan3A_846 : i32 to index
      %swap3A_910 = arith.constant 32 : index
      %swap3A_911 = tpu.vector_load %arg8[%swap3A_908, %swap3A_909, %swap3A_910] {strides = array<i32>} : memref<2x384x64xf32, #tpu.memory_space<vmem>>, vector<1x1x16xf32>,
      %swap3A_912 = vector.shape_cast %swap3A_911 : vector<1x1x16xf32> to vector<16xf32>
      %swap3A_913 = vector.shape_cast %mul3A_906 : vector<16xf32> to vector<1x1x16xf32>
      tpu.vector_store %arg8[%swap3A_908, %swap3A_909, %swap3A_910], %swap3A_913 {strides = array<i32>} : memref<2x384x64xf32, #tpu.memory_space<vmem>>, vector<1x1x16xf32>,
      %get3A_914 = arith.constant 1 : i32
      %get3A_915 = arith.index_cast %get3A_914 : i32 to index
      %get3A_916 = arith.index_cast %scan3A_846 : i32 to index
      %get3A_917 = arith.constant 48 : index
      %get3A_918 = tpu.vector_load %arg8[%get3A_915, %get3A_916, %get3A_917] {strides = array<i32>} : memref<2x384x64xf32, #tpu.memory_space<vmem>>, vector<1x1x16xf32>,
      %get3A_919 = vector.shape_cast %get3A_918 : vector<1x1x16xf32> to vector<16xf32>
      %get3A_920 = arith.constant 1 : i32
      %get3A_921 = arith.index_cast %get3A_920 : i32 to index
      %get3A_922 = arith.index_cast %scan3A_846 : i32 to index
      %get3A_923 = arith.constant 48 : index
      %get3A_924 = tpu.vector_load %arg9[%get3A_921, %get3A_922, %get3A_923] {strides = array<i32>} : memref<2x384x64xf32, #tpu.memory_space<vmem>>, vector<1x1x16xf32>,
      %get3A_925 = vector.shape_cast %get3A_924 : vector<1x1x16xf32> to vector<16xf32>
      %add3A_926 = arith.addf %get3A_919, %get3A_925 : vector<16xf32>
      %mul3A_927 = arith.constant 5.000000e-01 : f32
      %mul3A_928 = vector.broadcast %mul3A_927 : f32 to vector<16xf32>
      %mul3A_929 = arith.mulf %add3A_926, %mul3A_928 : vector<16xf32>
      %swap3A_930 = arith.constant 1 : i32
      %swap3A_931 = arith.index_cast %swap3A_930 : i32 to index
      %swap3A_932 = arith.index_cast %scan3A_846 : i32 to index
      %swap3A_933 = arith.constant 48 : index
      %swap3A_934 = tpu.vector_load %arg8[%swap3A_931, %swap3A_932, %swap3A_933] {strides = array<i32>} : memref<2x384x64xf32, #tpu.memory_space<vmem>>, vector<1x1x16xf32>,
      %swap3A_935 = vector.shape_cast %swap3A_934 : vector<1x1x16xf32> to vector<16xf32>
      %swap3A_936 = vector.shape_cast %mul3A_929 : vector<16xf32> to vector<1x1x16xf32>
      tpu.vector_store %arg8[%swap3A_931, %swap3A_932, %swap3A_933], %swap3A_936 {strides = array<i32>} : memref<2x384x64xf32, #tpu.memory_space<vmem>>, vector<1x1x16xf32>,
      %scan3A_937 = arith.constant 1 : i32
      %scan3A_938 = arith.addi %scan3A_846, %scan3A_937 : i32
      %get3A_939 = arith.constant 1 : i32
      %get3A_940 = arith.index_cast %get3A_939 : i32 to index
      %get3A_941 = arith.index_cast %scan3A_938 : i32 to index
      %get3A_942 = arith.constant 0 : index
      %get3A_943 = tpu.vector_load %arg8[%get3A_940, %get3A_941, %get3A_942] {strides = array<i32>} : memref<2x384x64xf32, #tpu.memory_space<vmem>>, vector<1x1x16xf32>,
      %get3A_944 = vector.shape_cast %get3A_943 : vector<1x1x16xf32> to vector<16xf32>
      %get3A_945 = arith.constant 1 : i32
      %get3A_946 = arith.index_cast %get3A_945 : i32 to index
      %get3A_947 = arith.index_cast %scan3A_938 : i32 to index
      %get3A_948 = arith.constant 0 : index
      %get3A_949 = tpu.vector_load %arg9[%get3A_946, %get3A_947, %get3A_948] {strides = array<i32>} : memref<2x384x64xf32, #tpu.memory_space<vmem>>, vector<1x1x16xf32>,
      %get3A_950 = vector.shape_cast %get3A_949 : vector<1x1x16xf32> to vector<16xf32>
      %add3A_951 = arith.addf %get3A_944, %get3A_950 : vector<16xf32>
      %mul3A_952 = arith.constant 5.000000e-01 : f32
      %mul3A_953 = vector.broadcast %mul3A_952 : f32 to vector<16xf32>
      %mul3A_954 = arith.mulf %add3A_951, %mul3A_953 : vector<16xf32>
      %swap3A_955 = arith.constant 1 : i32
      %swap3A_956 = arith.index_cast %swap3A_955 : i32 to index
      %swap3A_957 = arith.index_cast %scan3A_938 : i32 to index
      %swap3A_958 = arith.constant 0 : index
      %swap3A_959 = tpu.vector_load %arg8[%swap3A_956, %swap3A_957, %swap3A_958] {strides = array<i32>} : memref<2x384x64xf32, #tpu.memory_space<vmem>>, vector<1x1x16xf32>,
      %swap3A_960 = vector.shape_cast %swap3A_959 : vector<1x1x16xf32> to vector<16xf32>
      %swap3A_961 = vector.shape_cast %mul3A_954 : vector<16xf32> to vector<1x1x16xf32>
      tpu.vector_store %arg8[%swap3A_956, %swap3A_957, %swap3A_958], %swap3A_961 {strides = array<i32>} : memref<2x384x64xf32, #tpu.memory_space<vmem>>, vector<1x1x16xf32>,
      %get3A_962 = arith.constant 1 : i32
      %get3A_963 = arith.index_cast %get3A_962 : i32 to index
      %get3A_964 = arith.index_cast %scan3A_938 : i32 to index
      %get3A_965 = arith.constant 16 : index
      %get3A_966 = tpu.vector_load %arg8[%get3A_963, %get3A_964, %get3A_965] {strides = array<i32>} : memref<2x384x64xf32, #tpu.memory_space<vmem>>, vector<1x1x16xf32>,
      %get3A_967 = vector.shape_cast %get3A_966 : vector<1x1x16xf32> to vector<16xf32>
      %get3A_968 = arith.constant 1 : i32
      %get3A_969 = arith.index_cast %get3A_968 : i32 to index
      %get3A_970 = arith.index_cast %scan3A_938 : i32 to index
      %get3A_971 = arith.constant 16 : index
      %get3A_972 = tpu.vector_load %arg9[%get3A_969, %get3A_970, %get3A_971] {strides = array<i32>} : memref<2x384x64xf32, #tpu.memory_space<vmem>>, vector<1x1x16xf32>,
      %get3A_973 = vector.shape_cast %get3A_972 : vector<1x1x16xf32> to vector<16xf32>
      %add3A_974 = arith.addf %get3A_967, %get3A_973 : vector<16xf32>
      %mul3A_975 = arith.constant 5.000000e-01 : f32
      %mul3A_976 = vector.broadcast %mul3A_975 : f32 to vector<16xf32>
      %mul3A_977 = arith.mulf %add3A_974, %mul3A_976 : vector<16xf32>
      %swap3A_978 = arith.constant 1 : i32
      %swap3A_979 = arith.index_cast %swap3A_978 : i32 to index
      %swap3A_980 = arith.index_cast %scan3A_938 : i32 to index
      %swap3A_981 = arith.constant 16 : index
      %swap3A_982 = tpu.vector_load %arg8[%swap3A_979, %swap3A_980, %swap3A_981] {strides = array<i32>} : memref<2x384x64xf32, #tpu.memory_space<vmem>>, vector<1x1x16xf32>,
      %swap3A_983 = vector.shape_cast %swap3A_982 : vector<1x1x16xf32> to vector<16xf32>
      %swap3A_984 = vector.shape_cast %mul3A_977 : vector<16xf32> to vector<1x1x16xf32>
      tpu.vector_store %arg8[%swap3A_979, %swap3A_980, %swap3A_981], %swap3A_984 {strides = array<i32>} : memref<2x384x64xf32, #tpu.memory_space<vmem>>, vector<1x1x16xf32>,
      %get3A_985 = arith.constant 1 : i32
      %get3A_986 = arith.index_cast %get3A_985 : i32 to index
      %get3A_987 = arith.index_cast %scan3A_938 : i32 to index
      %get3A_988 = arith.constant 32 : index
      %get3A_989 = tpu.vector_load %arg8[%get3A_986, %get3A_987, %get3A_988] {strides = array<i32>} : memref<2x384x64xf32, #tpu.memory_space<vmem>>, vector<1x1x16xf32>,
      %get3A_990 = vector.shape_cast %get3A_989 : vector<1x1x16xf32> to vector<16xf32>
      %get3A_991 = arith.constant 1 : i32
      %get3A_992 = arith.index_cast %get3A_991 : i32 to index
      %get3A_993 = arith.index_cast %scan3A_938 : i32 to index
      %get3A_994 = arith.constant 32 : index
      %get3A_995 = tpu.vector_load %arg9[%get3A_992, %get3A_993, %get3A_994] {strides = array<i32>} : memref<2x384x64xf32, #tpu.memory_space<vmem>>, vector<1x1x16xf32>,
      %get3A_996 = vector.shape_cast %get3A_995 : vector<1x1x16xf32> to vector<16xf32>
      %add3A_997 = arith.addf %get3A_990, %get3A_996 : vector<16xf32>
      %mul3A_998 = arith.constant 5.000000e-01 : f32
      %mul3A_999 = vector.broadcast %mul3A_998 : f32 to vector<16xf32>
      %mul3A_1000 = arith.mulf %add3A_997, %mul3A_999 : vector<16xf32>
      %swap3A_1001 = arith.constant 1 : i32
      %swap3A_1002 = arith.index_cast %swap3A_1001 : i32 to index
      %swap3A_1003 = arith.index_cast %scan3A_938 : i32 to index
      %swap3A_1004 = arith.constant 32 : index
      %swap3A_1005 = tpu.vector_load %arg8[%swap3A_1002, %swap3A_1003, %swap3A_1004] {strides = array<i32>} : memref<2x384x64xf32, #tpu.memory_space<vmem>>, vector<1x1x16xf32>,
      %swap3A_1006 = vector.shape_cast %swap3A_1005 : vector<1x1x16xf32> to vector<16xf32>
      %swap3A_1007 = vector.shape_cast %mul3A_1000 : vector<16xf32> to vector<1x1x16xf32>
      tpu.vector_store %arg8[%swap3A_1002, %swap3A_1003, %swap3A_1004], %swap3A_1007 {strides = array<i32>} : memref<2x384x64xf32, #tpu.memory_space<vmem>>, vector<1x1x16xf32>,
      %get3A_1008 = arith.constant 1 : i32
      %get3A_1009 = arith.index_cast %get3A_1008 : i32 to index
      %get3A_1010 = arith.index_cast %scan3A_938 : i32 to index
      %get3A_1011 = arith.constant 48 : index
      %get3A_1012 = tpu.vector_load %arg8[%get3A_1009, %get3A_1010, %get3A_1011] {strides = array<i32>} : memref<2x384x64xf32, #tpu.memory_space<vmem>>, vector<1x1x16xf32>,
      %get3A_1013 = vector.shape_cast %get3A_1012 : vector<1x1x16xf32> to vector<16xf32>
      %get3A_1014 = arith.constant 1 : i32
      %get3A_1015 = arith.index_cast %get3A_1014 : i32 to index
      %get3A_1016 = arith.index_cast %scan3A_938 : i32 to index
      %get3A_1017 = arith.constant 48 : index
      %get3A_1018 = tpu.vector_load %arg9[%get3A_1015, %get3A_1016, %get3A_1017] {strides = array<i32>} : memref<2x384x64xf32, #tpu.memory_space<vmem>>, vector<1x1x16xf32>,
      %get3A_1019 = vector.shape_cast %get3A_1018 : vector<1x1x16xf32> to vector<16xf32>
      %add3A_1020 = arith.addf %get3A_1013, %get3A_1019 : vector<16xf32>
      %mul3A_1021 = arith.constant 5.000000e-01 : f32
      %mul3A_1022 = vector.broadcast %mul3A_1021 : f32 to vector<16xf32>
      %mul3A_1023 = arith.mulf %add3A_1020, %mul3A_1022 : vector<16xf32>
      %swap3A_1024 = arith.constant 1 : i32
      %swap3A_1025 = arith.index_cast %swap3A_1024 : i32 to index
      %swap3A_1026 = arith.index_cast %scan3A_938 : i32 to index
      %swap3A_1027 = arith.constant 48 : index
      %swap3A_1028 = tpu.vector_load %arg8[%swap3A_1025, %swap3A_1026, %swap3A_1027] {strides = array<i32>} : memref<2x384x64xf32, #tpu.memory_space<vmem>>, vector<1x1x16xf32>,
      %swap3A_1029 = vector.shape_cast %swap3A_1028 : vector<1x1x16xf32> to vector<16xf32>
      %swap3A_1030 = vector.shape_cast %mul3A_1023 : vector<16xf32> to vector<1x1x16xf32>
      tpu.vector_store %arg8[%swap3A_1025, %swap3A_1026, %swap3A_1027], %swap3A_1030 {strides = array<i32>} : memref<2x384x64xf32, #tpu.memory_space<vmem>>, vector<1x1x16xf32>,
    }
    %scan3A_677 = arith.constant 384 : i32
    %add3A_678 = arith.constant 30336 : i32
    %add3A_679 = arith.addi %mul3A_2, %add3A_678 : i32
    %dma_start3A_680 = arith.constant 1 : i32
    %dma_start3A_681 = arith.constant 0 : i32
    %dma_start3A_682 = arith.constant 0 : i32
    %dma_start3A_683 = tpu.memref_slice %arg8[%dma_start3A_680, %dma_start3A_681, %dma_start3A_682] : memref<2x384x64xf32, #tpu.memory_space<vmem>> -> memref<1x384x64xf32, #tpu.memory_space<vmem>>
    %dma_start3A_684 = tpu.memref_squeeze %dma_start3A_683 : memref<1x384x64xf32, #tpu.memory_space<vmem>> -> memref<384x64xf32, #tpu.memory_space<vmem>>
    %dma_start3A_685 = arith.constant 0 : i32
    %dma_start3A_686 = tpu.memref_slice %arg5[%add3A_679, %dma_start3A_685] : memref<995328x64xf32, #tpu.memory_space<hbm>> -> memref<384x64xf32, #tpu.memory_space<hbm>>
    %dma_start3A_687 = arith.constant 0 : i32
    %dma_start3A_688 = tpu.memref_slice %arg5[%add3A_679, %dma_start3A_687] : memref<995328x64xf32, #tpu.memory_space<hbm>> -> memref<384x64xf32, #tpu.memory_space<hbm>>
    %dma_start3A_689 = arith.constant 0 : i32
    %dma_start3A_690 = arith.constant 0 : i32
    %dma_start3A_691 = tpu.memref_slice %arg8[%dma_start3A_680, %dma_start3A_689, %dma_start3A_690] : memref<2x384x64xf32, #tpu.memory_space<vmem>> -> memref<1x384x64xf32, #tpu.memory_space<vmem>>
    %dma_start3A_692 = tpu.memref_squeeze %dma_start3A_691 : memref<1x384x64xf32, #tpu.memory_space<vmem>> -> memref<384x64xf32, #tpu.memory_space<vmem>>
    tpu.enqueue_dma source(%dma_start3A_692 : memref<384x64xf32, #tpu.memory_space<vmem>>) target(%dma_start3A_688 : memref<384x64xf32, #tpu.memory_space<hbm>>) target_semaphore(%arg15 : memref<!tpu.dma_semaphore, #tpu.memory_space<semaphore_mem>>)
    %dma_wait3A_693 = arith.constant 0 : i32
    %dma_wait3A_694 = arith.constant 0 : i32
    %dma_wait3A_695 = arith.constant 0 : i32
    %dma_wait3A_696 = arith.constant 0 : i32
    %dma_wait3A_697 = tpu.memref_slice %arg8[%dma_wait3A_694, %dma_wait3A_695, %dma_wait3A_696] : memref<2x384x64xf32, #tpu.memory_space<vmem>> -> memref<1x384x64xf32, #tpu.memory_space<vmem>>
    %dma_wait3A_698 = tpu.memref_squeeze %dma_wait3A_697 : memref<1x384x64xf32, #tpu.memory_space<vmem>> -> memref<384x64xf32, #tpu.memory_space<vmem>>
    %dma_wait3A_699 = arith.constant 0 : i32
    %dma_wait3A_700 = arith.constant 0 : i32
    %dma_wait3A_701 = tpu.memref_slice %dma_wait3A_698[%dma_wait3A_699, %dma_wait3A_700] : memref<384x64xf32, #tpu.memory_space<vmem>> -> memref<128x64xf32, #tpu.memory_space<vmem>>
    %dma_wait3A_702 = arith.constant 0 : i32
    %dma_wait3A_703 = tpu.memref_slice %arg6[%dma_wait3A_693, %dma_wait3A_702] : memref<2x384xi32, #tpu.memory_space<vmem>> -> memref<1x384xi32, #tpu.memory_space<vmem>>
    %dma_wait3A_704 = tpu.memref_squeeze %dma_wait3A_703 : memref<1x384xi32, #tpu.memory_space<vmem>> -> memref<384xi32, #tpu.memory_space<vmem>>
    %dma_wait3A_705 = arith.constant 0 : i32
    %dma_wait3A_706 = tpu.memref_slice %dma_wait3A_704[%dma_wait3A_705] : memref<384xi32, #tpu.memory_space<vmem>> -> memref<128xi32, #tpu.memory_space<vmem>>
    %dma_wait3A_707 = arith.constant 0 : i32
    %dma_wait3A_708 = arith.constant 0 : i32
    %dma_wait3A_709 = tpu.memref_slice %arg4[%dma_wait3A_707, %dma_wait3A_708] : memref<100000x64xf32, #tpu.memory_space<hbm>> -> memref<100000x64xf32, #tpu.memory_space<hbm>>
    tpu.wait_indirect_dma semaphore(%arg12 : memref<!tpu.dma_semaphore, #tpu.memory_space<semaphore_mem>>) src(%dma_wait3A_709 : memref<100000x64xf32, #tpu.memory_space<hbm>>) dst(%dma_wait3A_701 : memref<128x64xf32, #tpu.memory_space<vmem>>)
    %dma_wait3A_710 = arith.constant 0 : i32
    %dma_wait3A_711 = arith.constant 0 : i32
    %dma_wait3A_712 = arith.constant 0 : i32
    %dma_wait3A_713 = arith.constant 0 : i32
    %dma_wait3A_714 = tpu.memref_slice %arg9[%dma_wait3A_711, %dma_wait3A_712, %dma_wait3A_713] : memref<2x384x64xf32, #tpu.memory_space<vmem>> -> memref<1x384x64xf32, #tpu.memory_space<vmem>>
    %dma_wait3A_715 = tpu.memref_squeeze %dma_wait3A_714 : memref<1x384x64xf32, #tpu.memory_space<vmem>> -> memref<384x64xf32, #tpu.memory_space<vmem>>
    %dma_wait3A_716 = arith.constant 0 : i32
    %dma_wait3A_717 = arith.constant 0 : i32
    %dma_wait3A_718 = tpu.memref_slice %dma_wait3A_715[%dma_wait3A_716, %dma_wait3A_717] : memref<384x64xf32, #tpu.memory_space<vmem>> -> memref<128x64xf32, #tpu.memory_space<vmem>>
    %dma_wait3A_719 = arith.constant 0 : i32
    %dma_wait3A_720 = tpu.memref_slice %arg7[%dma_wait3A_710, %dma_wait3A_719] : memref<2x384xi32, #tpu.memory_space<vmem>> -> memref<1x384xi32, #tpu.memory_space<vmem>>
    %dma_wait3A_721 = tpu.memref_squeeze %dma_wait3A_720 : memref<1x384xi32, #tpu.memory_space<vmem>> -> memref<384xi32, #tpu.memory_space<vmem>>
    %dma_wait3A_722 = arith.constant 0 : i32
    %dma_wait3A_723 = tpu.memref_slice %dma_wait3A_721[%dma_wait3A_722] : memref<384xi32, #tpu.memory_space<vmem>> -> memref<128xi32, #tpu.memory_space<vmem>>
    %dma_wait3A_724 = arith.constant 0 : i32
    %dma_wait3A_725 = arith.constant 0 : i32
    %dma_wait3A_726 = tpu.memref_slice %arg4[%dma_wait3A_724, %dma_wait3A_725] : memref<100000x64xf32, #tpu.memory_space<hbm>> -> memref<100000x64xf32, #tpu.memory_space<hbm>>
    tpu.wait_indirect_dma semaphore(%arg12 : memref<!tpu.dma_semaphore, #tpu.memory_space<semaphore_mem>>) src(%dma_wait3A_726 : memref<100000x64xf32, #tpu.memory_space<hbm>>) dst(%dma_wait3A_718 : memref<128x64xf32, #tpu.memory_space<vmem>>)
    %dma_wait3A_727 = arith.constant 0 : i32
    %dma_wait3A_728 = arith.constant 0 : i32
    %dma_wait3A_729 = arith.constant 0 : i32
    %dma_wait3A_730 = arith.constant 0 : i32
    %dma_wait3A_731 = tpu.memref_slice %arg8[%dma_wait3A_728, %dma_wait3A_729, %dma_wait3A_730] : memref<2x384x64xf32, #tpu.memory_space<vmem>> -> memref<1x384x64xf32, #tpu.memory_space<vmem>>
    %dma_wait3A_732 = tpu.memref_squeeze %dma_wait3A_731 : memref<1x384x64xf32, #tpu.memory_space<vmem>> -> memref<384x64xf32, #tpu.memory_space<vmem>>
    %dma_wait3A_733 = arith.constant 128 : i32
    %dma_wait3A_734 = arith.constant 0 : i32
    %dma_wait3A_735 = tpu.memref_slice %dma_wait3A_732[%dma_wait3A_733, %dma_wait3A_734] : memref<384x64xf32, #tpu.memory_space<vmem>> -> memref<128x64xf32, #tpu.memory_space<vmem>>
    %dma_wait3A_736 = arith.constant 0 : i32
    %dma_wait3A_737 = tpu.memref_slice %arg6[%dma_wait3A_727, %dma_wait3A_736] : memref<2x384xi32, #tpu.memory_space<vmem>> -> memref<1x384xi32, #tpu.memory_space<vmem>>
    %dma_wait3A_738 = tpu.memref_squeeze %dma_wait3A_737 : memref<1x384xi32, #tpu.memory_space<vmem>> -> memref<384xi32, #tpu.memory_space<vmem>>
    %dma_wait3A_739 = arith.constant 128 : i32
    %dma_wait3A_740 = tpu.memref_slice %dma_wait3A_738[%dma_wait3A_739] : memref<384xi32, #tpu.memory_space<vmem>> -> memref<128xi32, #tpu.memory_space<vmem>>
    %dma_wait3A_741 = arith.constant 0 : i32
    %dma_wait3A_742 = arith.constant 0 : i32
    %dma_wait3A_743 = tpu.memref_slice %arg4[%dma_wait3A_741, %dma_wait3A_742] : memref<100000x64xf32, #tpu.memory_space<hbm>> -> memref<100000x64xf32, #tpu.memory_space<hbm>>
    tpu.wait_indirect_dma semaphore(%arg12 : memref<!tpu.dma_semaphore, #tpu.memory_space<semaphore_mem>>) src(%dma_wait3A_743 : memref<100000x64xf32, #tpu.memory_space<hbm>>) dst(%dma_wait3A_735 : memref<128x64xf32, #tpu.memory_space<vmem>>)
    %dma_wait3A_744 = arith.constant 0 : i32
    %dma_wait3A_745 = arith.constant 0 : i32
    %dma_wait3A_746 = arith.constant 0 : i32
    %dma_wait3A_747 = arith.constant 0 : i32
    %dma_wait3A_748 = tpu.memref_slice %arg9[%dma_wait3A_745, %dma_wait3A_746, %dma_wait3A_747] : memref<2x384x64xf32, #tpu.memory_space<vmem>> -> memref<1x384x64xf32, #tpu.memory_space<vmem>>
    %dma_wait3A_749 = tpu.memref_squeeze %dma_wait3A_748 : memref<1x384x64xf32, #tpu.memory_space<vmem>> -> memref<384x64xf32, #tpu.memory_space<vmem>>
    %dma_wait3A_750 = arith.constant 128 : i32
    %dma_wait3A_751 = arith.constant 0 : i32
    %dma_wait3A_752 = tpu.memref_slice %dma_wait3A_749[%dma_wait3A_750, %dma_wait3A_751] : memref<384x64xf32, #tpu.memory_space<vmem>> -> memref<128x64xf32, #tpu.memory_space<vmem>>
    %dma_wait3A_753 = arith.constant 0 : i32
    %dma_wait3A_754 = tpu.memref_slice %arg7[%dma_wait3A_744, %dma_wait3A_753] : memref<2x384xi32, #tpu.memory_space<vmem>> -> memref<1x384xi32, #tpu.memory_space<vmem>>
    %dma_wait3A_755 = tpu.memref_squeeze %dma_wait3A_754 : memref<1x384xi32, #tpu.memory_space<vmem>> -> memref<384xi32, #tpu.memory_space<vmem>>
    %dma_wait3A_756 = arith.constant 128 : i32
    %dma_wait3A_757 = tpu.memref_slice %dma_wait3A_755[%dma_wait3A_756] : memref<384xi32, #tpu.memory_space<vmem>> -> memref<128xi32, #tpu.memory_space<vmem>>
    %dma_wait3A_758 = arith.constant 0 : i32
    %dma_wait3A_759 = arith.constant 0 : i32
    %dma_wait3A_760 = tpu.memref_slice %arg4[%dma_wait3A_758, %dma_wait3A_759] : memref<100000x64xf32, #tpu.memory_space<hbm>> -> memref<100000x64xf32, #tpu.memory_space<hbm>>
    tpu.wait_indirect_dma semaphore(%arg12 : memref<!tpu.dma_semaphore, #tpu.memory_space<semaphore_mem>>) src(%dma_wait3A_760 : memref<100000x64xf32, #tpu.memory_space<hbm>>) dst(%dma_wait3A_752 : memref<128x64xf32, #tpu.memory_space<vmem>>)
    %dma_wait3A_761 = arith.constant 0 : i32
    %dma_wait3A_762 = arith.constant 0 : i32
    %dma_wait3A_763 = arith.constant 0 : i32
    %dma_wait3A_764 = arith.constant 0 : i32
    %dma_wait3A_765 = tpu.memref_slice %arg8[%dma_wait3A_762, %dma_wait3A_763, %dma_wait3A_764] : memref<2x384x64xf32, #tpu.memory_space<vmem>> -> memref<1x384x64xf32, #tpu.memory_space<vmem>>
    %dma_wait3A_766 = tpu.memref_squeeze %dma_wait3A_765 : memref<1x384x64xf32, #tpu.memory_space<vmem>> -> memref<384x64xf32, #tpu.memory_space<vmem>>
    %dma_wait3A_767 = arith.constant 256 : i32
    %dma_wait3A_768 = arith.constant 0 : i32
    %dma_wait3A_769 = tpu.memref_slice %dma_wait3A_766[%dma_wait3A_767, %dma_wait3A_768] : memref<384x64xf32, #tpu.memory_space<vmem>> -> memref<128x64xf32, #tpu.memory_space<vmem>>
    %dma_wait3A_770 = arith.constant 0 : i32
    %dma_wait3A_771 = tpu.memref_slice %arg6[%dma_wait3A_761, %dma_wait3A_770] : memref<2x384xi32, #tpu.memory_space<vmem>> -> memref<1x384xi32, #tpu.memory_space<vmem>>
    %dma_wait3A_772 = tpu.memref_squeeze %dma_wait3A_771 : memref<1x384xi32, #tpu.memory_space<vmem>> -> memref<384xi32, #tpu.memory_space<vmem>>
    %dma_wait3A_773 = arith.constant 256 : i32
    %dma_wait3A_774 = tpu.memref_slice %dma_wait3A_772[%dma_wait3A_773] : memref<384xi32, #tpu.memory_space<vmem>> -> memref<128xi32, #tpu.memory_space<vmem>>
    %dma_wait3A_775 = arith.constant 0 : i32
    %dma_wait3A_776 = arith.constant 0 : i32
    %dma_wait3A_777 = tpu.memref_slice %arg4[%dma_wait3A_775, %dma_wait3A_776] : memref<100000x64xf32, #tpu.memory_space<hbm>> -> memref<100000x64xf32, #tpu.memory_space<hbm>>
    tpu.wait_indirect_dma semaphore(%arg12 : memref<!tpu.dma_semaphore, #tpu.memory_space<semaphore_mem>>) src(%dma_wait3A_777 : memref<100000x64xf32, #tpu.memory_space<hbm>>) dst(%dma_wait3A_769 : memref<128x64xf32, #tpu.memory_space<vmem>>)
    %dma_wait3A_778 = arith.constant 0 : i32
    %dma_wait3A_779 = arith.constant 0 : i32
    %dma_wait3A_780 = arith.constant 0 : i32
    %dma_wait3A_781 = arith.constant 0 : i32
    %dma_wait3A_782 = tpu.memref_slice %arg9[%dma_wait3A_779, %dma_wait3A_780, %dma_wait3A_781] : memref<2x384x64xf32, #tpu.memory_space<vmem>> -> memref<1x384x64xf32, #tpu.memory_space<vmem>>
    %dma_wait3A_783 = tpu.memref_squeeze %dma_wait3A_782 : memref<1x384x64xf32, #tpu.memory_space<vmem>> -> memref<384x64xf32, #tpu.memory_space<vmem>>
    %dma_wait3A_784 = arith.constant 256 : i32
    %dma_wait3A_785 = arith.constant 0 : i32
    %dma_wait3A_786 = tpu.memref_slice %dma_wait3A_783[%dma_wait3A_784, %dma_wait3A_785] : memref<384x64xf32, #tpu.memory_space<vmem>> -> memref<128x64xf32, #tpu.memory_space<vmem>>
    %dma_wait3A_787 = arith.constant 0 : i32
    %dma_wait3A_788 = tpu.memref_slice %arg7[%dma_wait3A_778, %dma_wait3A_787] : memref<2x384xi32, #tpu.memory_space<vmem>> -> memref<1x384xi32, #tpu.memory_space<vmem>>
    %dma_wait3A_789 = tpu.memref_squeeze %dma_wait3A_788 : memref<1x384xi32, #tpu.memory_space<vmem>> -> memref<384xi32, #tpu.memory_space<vmem>>
    %dma_wait3A_790 = arith.constant 256 : i32
    %dma_wait3A_791 = tpu.memref_slice %dma_wait3A_789[%dma_wait3A_790] : memref<384xi32, #tpu.memory_space<vmem>> -> memref<128xi32, #tpu.memory_space<vmem>>
    %dma_wait3A_792 = arith.constant 0 : i32
    %dma_wait3A_793 = arith.constant 0 : i32
    %dma_wait3A_794 = tpu.memref_slice %arg4[%dma_wait3A_792, %dma_wait3A_793] : memref<100000x64xf32, #tpu.memory_space<hbm>> -> memref<100000x64xf32, #tpu.memory_space<hbm>>
    tpu.wait_indirect_dma semaphore(%arg12 : memref<!tpu.dma_semaphore, #tpu.memory_space<semaphore_mem>>) src(%dma_wait3A_794 : memref<100000x64xf32, #tpu.memory_space<hbm>>) dst(%dma_wait3A_786 : memref<128x64xf32, #tpu.memory_space<vmem>>)
    %scan3A_795 = arith.constant 0 : i32
    %scan3A_796 = arith.constant 0 : i32
    %scan3A_797 = arith.constant 384 : i32
    %scan3A_798 = arith.addi %scan3A_796, %scan3A_797 : i32
    %scan3A_799 = arith.constant 2 : i32
    scf.for %scan3A_846 = %scan3A_796 to %scan3A_798 step %scan3A_799  : i32 {
      %get3A = arith.constant 0 : i32
      %get3A_847 = arith.index_cast %get3A : i32 to index
      %get3A_848 = arith.index_cast %scan3A_846 : i32 to index
      %get3A_849 = arith.constant 0 : index
      %get3A_850 = tpu.vector_load %arg8[%get3A_847, %get3A_848, %get3A_849] {strides = array<i32>} : memref<2x384x64xf32, #tpu.memory_space<vmem>>, vector<1x1x16xf32>,
      %get3A_851 = vector.shape_cast %get3A_850 : vector<1x1x16xf32> to vector<16xf32>
      %get3A_852 = arith.constant 0 : i32
      %get3A_853 = arith.index_cast %get3A_852 : i32 to index
      %get3A_854 = arith.index_cast %scan3A_846 : i32 to index
      %get3A_855 = arith.constant 0 : index
      %get3A_856 = tpu.vector_load %arg9[%get3A_853, %get3A_854, %get3A_855] {strides = array<i32>} : memref<2x384x64xf32, #tpu.memory_space<vmem>>, vector<1x1x16xf32>,
      %get3A_857 = vector.shape_cast %get3A_856 : vector<1x1x16xf32> to vector<16xf32>
      %add3A_858 = arith.addf %get3A_851, %get3A_857 : vector<16xf32>
      %mul3A_859 = arith.constant 5.000000e-01 : f32
      %mul3A_860 = vector.broadcast %mul3A_859 : f32 to vector<16xf32>
      %mul3A_861 = arith.mulf %add3A_858, %mul3A_860 : vector<16xf32>
      %swap3A = arith.constant 0 : i32
      %swap3A_862 = arith.index_cast %swap3A : i32 to index
      %swap3A_863 = arith.index_cast %scan3A_846 : i32 to index
      %swap3A_864 = arith.constant 0 : index
      %swap3A_865 = tpu.vector_load %arg8[%swap3A_862, %swap3A_863, %swap3A_864] {strides = array<i32>} : memref<2x384x64xf32, #tpu.memory_space<vmem>>, vector<1x1x16xf32>,
      %swap3A_866 = vector.shape_cast %swap3A_865 : vector<1x1x16xf32> to vector<16xf32>
      %swap3A_867 = vector.shape_cast %mul3A_861 : vector<16xf32> to vector<1x1x16xf32>
      tpu.vector_store %arg8[%swap3A_862, %swap3A_863, %swap3A_864], %swap3A_867 {strides = array<i32>} : memref<2x384x64xf32, #tpu.memory_space<vmem>>, vector<1x1x16xf32>,
      %get3A_868 = arith.constant 0 : i32
      %get3A_869 = arith.index_cast %get3A_868 : i32 to index
      %get3A_870 = arith.index_cast %scan3A_846 : i32 to index
      %get3A_871 = arith.constant 16 : index
      %get3A_872 = tpu.vector_load %arg8[%get3A_869, %get3A_870, %get3A_871] {strides = array<i32>} : memref<2x384x64xf32, #tpu.memory_space<vmem>>, vector<1x1x16xf32>,
      %get3A_873 = vector.shape_cast %get3A_872 : vector<1x1x16xf32> to vector<16xf32>
      %get3A_874 = arith.constant 0 : i32
      %get3A_875 = arith.index_cast %get3A_874 : i32 to index
      %get3A_876 = arith.index_cast %scan3A_846 : i32 to index
      %get3A_877 = arith.constant 16 : index
      %get3A_878 = tpu.vector_load %arg9[%get3A_875, %get3A_876, %get3A_877] {strides = array<i32>} : memref<2x384x64xf32, #tpu.memory_space<vmem>>, vector<1x1x16xf32>,
      %get3A_879 = vector.shape_cast %get3A_878 : vector<1x1x16xf32> to vector<16xf32>
      %add3A_880 = arith.addf %get3A_873, %get3A_879 : vector<16xf32>
      %mul3A_881 = arith.constant 5.000000e-01 : f32
      %mul3A_882 = vector.broadcast %mul3A_881 : f32 to vector<16xf32>
      %mul3A_883 = arith.mulf %add3A_880, %mul3A_882 : vector<16xf32>
      %swap3A_884 = arith.constant 0 : i32
      %swap3A_885 = arith.index_cast %swap3A_884 : i32 to index
      %swap3A_886 = arith.index_cast %scan3A_846 : i32 to index
      %swap3A_887 = arith.constant 16 : index
      %swap3A_888 = tpu.vector_load %arg8[%swap3A_885, %swap3A_886, %swap3A_887] {strides = array<i32>} : memref<2x384x64xf32, #tpu.memory_space<vmem>>, vector<1x1x16xf32>,
      %swap3A_889 = vector.shape_cast %swap3A_888 : vector<1x1x16xf32> to vector<16xf32>
      %swap3A_890 = vector.shape_cast %mul3A_883 : vector<16xf32> to vector<1x1x16xf32>
      tpu.vector_store %arg8[%swap3A_885, %swap3A_886, %swap3A_887], %swap3A_890 {strides = array<i32>} : memref<2x384x64xf32, #tpu.memory_space<vmem>>, vector<1x1x16xf32>,
      %get3A_891 = arith.constant 0 : i32
      %get3A_892 = arith.index_cast %get3A_891 : i32 to index
      %get3A_893 = arith.index_cast %scan3A_846 : i32 to index
      %get3A_894 = arith.constant 32 : index
      %get3A_895 = tpu.vector_load %arg8[%get3A_892, %get3A_893, %get3A_894] {strides = array<i32>} : memref<2x384x64xf32, #tpu.memory_space<vmem>>, vector<1x1x16xf32>,
      %get3A_896 = vector.shape_cast %get3A_895 : vector<1x1x16xf32> to vector<16xf32>
      %get3A_897 = arith.constant 0 : i32
      %get3A_898 = arith.index_cast %get3A_897 : i32 to index
      %get3A_899 = arith.index_cast %scan3A_846 : i32 to index
      %get3A_900 = arith.constant 32 : index
      %get3A_901 = tpu.vector_load %arg9[%get3A_898, %get3A_899, %get3A_900] {strides = array<i32>} : memref<2x384x64xf32, #tpu.memory_space<vmem>>, vector<1x1x16xf32>,
      %get3A_902 = vector.shape_cast %get3A_901 : vector<1x1x16xf32> to vector<16xf32>
      %add3A_903 = arith.addf %get3A_896, %get3A_902 : vector<16xf32>
      %mul3A_904 = arith.constant 5.000000e-01 : f32
      %mul3A_905 = vector.broadcast %mul3A_904 : f32 to vector<16xf32>
      %mul3A_906 = arith.mulf %add3A_903, %mul3A_905 : vector<16xf32>
      %swap3A_907 = arith.constant 0 : i32
      %swap3A_908 = arith.index_cast %swap3A_907 : i32 to index
      %swap3A_909 = arith.index_cast %scan3A_846 : i32 to index
      %swap3A_910 = arith.constant 32 : index
      %swap3A_911 = tpu.vector_load %arg8[%swap3A_908, %swap3A_909, %swap3A_910] {strides = array<i32>} : memref<2x384x64xf32, #tpu.memory_space<vmem>>, vector<1x1x16xf32>,
      %swap3A_912 = vector.shape_cast %swap3A_911 : vector<1x1x16xf32> to vector<16xf32>
      %swap3A_913 = vector.shape_cast %mul3A_906 : vector<16xf32> to vector<1x1x16xf32>
      tpu.vector_store %arg8[%swap3A_908, %swap3A_909, %swap3A_910], %swap3A_913 {strides = array<i32>} : memref<2x384x64xf32, #tpu.memory_space<vmem>>, vector<1x1x16xf32>,
      %get3A_914 = arith.constant 0 : i32
      %get3A_915 = arith.index_cast %get3A_914 : i32 to index
      %get3A_916 = arith.index_cast %scan3A_846 : i32 to index
      %get3A_917 = arith.constant 48 : index
      %get3A_918 = tpu.vector_load %arg8[%get3A_915, %get3A_916, %get3A_917] {strides = array<i32>} : memref<2x384x64xf32, #tpu.memory_space<vmem>>, vector<1x1x16xf32>,
      %get3A_919 = vector.shape_cast %get3A_918 : vector<1x1x16xf32> to vector<16xf32>
      %get3A_920 = arith.constant 0 : i32
      %get3A_921 = arith.index_cast %get3A_920 : i32 to index
      %get3A_922 = arith.index_cast %scan3A_846 : i32 to index
      %get3A_923 = arith.constant 48 : index
      %get3A_924 = tpu.vector_load %arg9[%get3A_921, %get3A_922, %get3A_923] {strides = array<i32>} : memref<2x384x64xf32, #tpu.memory_space<vmem>>, vector<1x1x16xf32>,
      %get3A_925 = vector.shape_cast %get3A_924 : vector<1x1x16xf32> to vector<16xf32>
      %add3A_926 = arith.addf %get3A_919, %get3A_925 : vector<16xf32>
      %mul3A_927 = arith.constant 5.000000e-01 : f32
      %mul3A_928 = vector.broadcast %mul3A_927 : f32 to vector<16xf32>
      %mul3A_929 = arith.mulf %add3A_926, %mul3A_928 : vector<16xf32>
      %swap3A_930 = arith.constant 0 : i32
      %swap3A_931 = arith.index_cast %swap3A_930 : i32 to index
      %swap3A_932 = arith.index_cast %scan3A_846 : i32 to index
      %swap3A_933 = arith.constant 48 : index
      %swap3A_934 = tpu.vector_load %arg8[%swap3A_931, %swap3A_932, %swap3A_933] {strides = array<i32>} : memref<2x384x64xf32, #tpu.memory_space<vmem>>, vector<1x1x16xf32>,
      %swap3A_935 = vector.shape_cast %swap3A_934 : vector<1x1x16xf32> to vector<16xf32>
      %swap3A_936 = vector.shape_cast %mul3A_929 : vector<16xf32> to vector<1x1x16xf32>
      tpu.vector_store %arg8[%swap3A_931, %swap3A_932, %swap3A_933], %swap3A_936 {strides = array<i32>} : memref<2x384x64xf32, #tpu.memory_space<vmem>>, vector<1x1x16xf32>,
      %scan3A_937 = arith.constant 1 : i32
      %scan3A_938 = arith.addi %scan3A_846, %scan3A_937 : i32
      %get3A_939 = arith.constant 0 : i32
      %get3A_940 = arith.index_cast %get3A_939 : i32 to index
      %get3A_941 = arith.index_cast %scan3A_938 : i32 to index
      %get3A_942 = arith.constant 0 : index
      %get3A_943 = tpu.vector_load %arg8[%get3A_940, %get3A_941, %get3A_942] {strides = array<i32>} : memref<2x384x64xf32, #tpu.memory_space<vmem>>, vector<1x1x16xf32>,
      %get3A_944 = vector.shape_cast %get3A_943 : vector<1x1x16xf32> to vector<16xf32>
      %get3A_945 = arith.constant 0 : i32
      %get3A_946 = arith.index_cast %get3A_945 : i32 to index
      %get3A_947 = arith.index_cast %scan3A_938 : i32 to index
      %get3A_948 = arith.constant 0 : index
      %get3A_949 = tpu.vector_load %arg9[%get3A_946, %get3A_947, %get3A_948] {strides = array<i32>} : memref<2x384x64xf32, #tpu.memory_space<vmem>>, vector<1x1x16xf32>,
      %get3A_950 = vector.shape_cast %get3A_949 : vector<1x1x16xf32> to vector<16xf32>
      %add3A_951 = arith.addf %get3A_944, %get3A_950 : vector<16xf32>
      %mul3A_952 = arith.constant 5.000000e-01 : f32
      %mul3A_953 = vector.broadcast %mul3A_952 : f32 to vector<16xf32>
      %mul3A_954 = arith.mulf %add3A_951, %mul3A_953 : vector<16xf32>
      %swap3A_955 = arith.constant 0 : i32
      %swap3A_956 = arith.index_cast %swap3A_955 : i32 to index
      %swap3A_957 = arith.index_cast %scan3A_938 : i32 to index
      %swap3A_958 = arith.constant 0 : index
      %swap3A_959 = tpu.vector_load %arg8[%swap3A_956, %swap3A_957, %swap3A_958] {strides = array<i32>} : memref<2x384x64xf32, #tpu.memory_space<vmem>>, vector<1x1x16xf32>,
      %swap3A_960 = vector.shape_cast %swap3A_959 : vector<1x1x16xf32> to vector<16xf32>
      %swap3A_961 = vector.shape_cast %mul3A_954 : vector<16xf32> to vector<1x1x16xf32>
      tpu.vector_store %arg8[%swap3A_956, %swap3A_957, %swap3A_958], %swap3A_961 {strides = array<i32>} : memref<2x384x64xf32, #tpu.memory_space<vmem>>, vector<1x1x16xf32>,
      %get3A_962 = arith.constant 0 : i32
      %get3A_963 = arith.index_cast %get3A_962 : i32 to index
      %get3A_964 = arith.index_cast %scan3A_938 : i32 to index
      %get3A_965 = arith.constant 16 : index
      %get3A_966 = tpu.vector_load %arg8[%get3A_963, %get3A_964, %get3A_965] {strides = array<i32>} : memref<2x384x64xf32, #tpu.memory_space<vmem>>, vector<1x1x16xf32>,
      %get3A_967 = vector.shape_cast %get3A_966 : vector<1x1x16xf32> to vector<16xf32>
      %get3A_968 = arith.constant 0 : i32
      %get3A_969 = arith.index_cast %get3A_968 : i32 to index
      %get3A_970 = arith.index_cast %scan3A_938 : i32 to index
      %get3A_971 = arith.constant 16 : index
      %get3A_972 = tpu.vector_load %arg9[%get3A_969, %get3A_970, %get3A_971] {strides = array<i32>} : memref<2x384x64xf32, #tpu.memory_space<vmem>>, vector<1x1x16xf32>,
      %get3A_973 = vector.shape_cast %get3A_972 : vector<1x1x16xf32> to vector<16xf32>
      %add3A_974 = arith.addf %get3A_967, %get3A_973 : vector<16xf32>
      %mul3A_975 = arith.constant 5.000000e-01 : f32
      %mul3A_976 = vector.broadcast %mul3A_975 : f32 to vector<16xf32>
      %mul3A_977 = arith.mulf %add3A_974, %mul3A_976 : vector<16xf32>
      %swap3A_978 = arith.constant 0 : i32
      %swap3A_979 = arith.index_cast %swap3A_978 : i32 to index
      %swap3A_980 = arith.index_cast %scan3A_938 : i32 to index
      %swap3A_981 = arith.constant 16 : index
      %swap3A_982 = tpu.vector_load %arg8[%swap3A_979, %swap3A_980, %swap3A_981] {strides = array<i32>} : memref<2x384x64xf32, #tpu.memory_space<vmem>>, vector<1x1x16xf32>,
      %swap3A_983 = vector.shape_cast %swap3A_982 : vector<1x1x16xf32> to vector<16xf32>
      %swap3A_984 = vector.shape_cast %mul3A_977 : vector<16xf32> to vector<1x1x16xf32>
      tpu.vector_store %arg8[%swap3A_979, %swap3A_980, %swap3A_981], %swap3A_984 {strides = array<i32>} : memref<2x384x64xf32, #tpu.memory_space<vmem>>, vector<1x1x16xf32>,
      %get3A_985 = arith.constant 0 : i32
      %get3A_986 = arith.index_cast %get3A_985 : i32 to index
      %get3A_987 = arith.index_cast %scan3A_938 : i32 to index
      %get3A_988 = arith.constant 32 : index
      %get3A_989 = tpu.vector_load %arg8[%get3A_986, %get3A_987, %get3A_988] {strides = array<i32>} : memref<2x384x64xf32, #tpu.memory_space<vmem>>, vector<1x1x16xf32>,
      %get3A_990 = vector.shape_cast %get3A_989 : vector<1x1x16xf32> to vector<16xf32>
      %get3A_991 = arith.constant 0 : i32
      %get3A_992 = arith.index_cast %get3A_991 : i32 to index
      %get3A_993 = arith.index_cast %scan3A_938 : i32 to index
      %get3A_994 = arith.constant 32 : index
      %get3A_995 = tpu.vector_load %arg9[%get3A_992, %get3A_993, %get3A_994] {strides = array<i32>} : memref<2x384x64xf32, #tpu.memory_space<vmem>>, vector<1x1x16xf32>,
      %get3A_996 = vector.shape_cast %get3A_995 : vector<1x1x16xf32> to vector<16xf32>
      %add3A_997 = arith.addf %get3A_990, %get3A_996 : vector<16xf32>
      %mul3A_998 = arith.constant 5.000000e-01 : f32
      %mul3A_999 = vector.broadcast %mul3A_998 : f32 to vector<16xf32>
      %mul3A_1000 = arith.mulf %add3A_997, %mul3A_999 : vector<16xf32>
      %swap3A_1001 = arith.constant 0 : i32
      %swap3A_1002 = arith.index_cast %swap3A_1001 : i32 to index
      %swap3A_1003 = arith.index_cast %scan3A_938 : i32 to index
      %swap3A_1004 = arith.constant 32 : index
      %swap3A_1005 = tpu.vector_load %arg8[%swap3A_1002, %swap3A_1003, %swap3A_1004] {strides = array<i32>} : memref<2x384x64xf32, #tpu.memory_space<vmem>>, vector<1x1x16xf32>,
      %swap3A_1006 = vector.shape_cast %swap3A_1005 : vector<1x1x16xf32> to vector<16xf32>
      %swap3A_1007 = vector.shape_cast %mul3A_1000 : vector<16xf32> to vector<1x1x16xf32>
      tpu.vector_store %arg8[%swap3A_1002, %swap3A_1003, %swap3A_1004], %swap3A_1007 {strides = array<i32>} : memref<2x384x64xf32, #tpu.memory_space<vmem>>, vector<1x1x16xf32>,
      %get3A_1008 = arith.constant 0 : i32
      %get3A_1009 = arith.index_cast %get3A_1008 : i32 to index
      %get3A_1010 = arith.index_cast %scan3A_938 : i32 to index
      %get3A_1011 = arith.constant 48 : index
      %get3A_1012 = tpu.vector_load %arg8[%get3A_1009, %get3A_1010, %get3A_1011] {strides = array<i32>} : memref<2x384x64xf32, #tpu.memory_space<vmem>>, vector<1x1x16xf32>,
      %get3A_1013 = vector.shape_cast %get3A_1012 : vector<1x1x16xf32> to vector<16xf32>
      %get3A_1014 = arith.constant 0 : i32
      %get3A_1015 = arith.index_cast %get3A_1014 : i32 to index
      %get3A_1016 = arith.index_cast %scan3A_938 : i32 to index
      %get3A_1017 = arith.constant 48 : index
      %get3A_1018 = tpu.vector_load %arg9[%get3A_1015, %get3A_1016, %get3A_1017] {strides = array<i32>} : memref<2x384x64xf32, #tpu.memory_space<vmem>>, vector<1x1x16xf32>,
      %get3A_1019 = vector.shape_cast %get3A_1018 : vector<1x1x16xf32> to vector<16xf32>
      %add3A_1020 = arith.addf %get3A_1013, %get3A_1019 : vector<16xf32>
      %mul3A_1021 = arith.constant 5.000000e-01 : f32
      %mul3A_1022 = vector.broadcast %mul3A_1021 : f32 to vector<16xf32>
      %mul3A_1023 = arith.mulf %add3A_1020, %mul3A_1022 : vector<16xf32>
      %swap3A_1024 = arith.constant 0 : i32
      %swap3A_1025 = arith.index_cast %swap3A_1024 : i32 to index
      %swap3A_1026 = arith.index_cast %scan3A_938 : i32 to index
      %swap3A_1027 = arith.constant 48 : index
      %swap3A_1028 = tpu.vector_load %arg8[%swap3A_1025, %swap3A_1026, %swap3A_1027] {strides = array<i32>} : memref<2x384x64xf32, #tpu.memory_space<vmem>>, vector<1x1x16xf32>,
      %swap3A_1029 = vector.shape_cast %swap3A_1028 : vector<1x1x16xf32> to vector<16xf32>
      %swap3A_1030 = vector.shape_cast %mul3A_1023 : vector<16xf32> to vector<1x1x16xf32>
      tpu.vector_store %arg8[%swap3A_1025, %swap3A_1026, %swap3A_1027], %swap3A_1030 {strides = array<i32>} : memref<2x384x64xf32, #tpu.memory_space<vmem>>, vector<1x1x16xf32>,
    }
    %scan3A_800 = arith.constant 384 : i32
    %add3A_801 = arith.constant 30720 : i32
    %add3A_802 = arith.addi %mul3A_2, %add3A_801 : i32
    %dma_start3A_803 = arith.constant 0 : i32
    %dma_start3A_804 = arith.constant 0 : i32
    %dma_start3A_805 = arith.constant 0 : i32
    %dma_start3A_806 = tpu.memref_slice %arg8[%dma_start3A_803, %dma_start3A_804, %dma_start3A_805] : memref<2x384x64xf32, #tpu.memory_space<vmem>> -> memref<1x384x64xf32, #tpu.memory_space<vmem>>
    %dma_start3A_807 = tpu.memref_squeeze %dma_start3A_806 : memref<1x384x64xf32, #tpu.memory_space<vmem>> -> memref<384x64xf32, #tpu.memory_space<vmem>>
    %dma_start3A_808 = arith.constant 0 : i32
    %dma_start3A_809 = tpu.memref_slice %arg5[%add3A_802, %dma_start3A_808] : memref<995328x64xf32, #tpu.memory_space<hbm>> -> memref<384x64xf32, #tpu.memory_space<hbm>>
    %dma_start3A_810 = arith.constant 0 : i32
    %dma_start3A_811 = tpu.memref_slice %arg5[%add3A_802, %dma_start3A_810] : memref<995328x64xf32, #tpu.memory_space<hbm>> -> memref<384x64xf32, #tpu.memory_space<hbm>>
    %dma_start3A_812 = arith.constant 0 : i32
    %dma_start3A_813 = arith.constant 0 : i32
    %dma_start3A_814 = tpu.memref_slice %arg8[%dma_start3A_803, %dma_start3A_812, %dma_start3A_813] : memref<2x384x64xf32, #tpu.memory_space<vmem>> -> memref<1x384x64xf32, #tpu.memory_space<vmem>>
    %dma_start3A_815 = tpu.memref_squeeze %dma_start3A_814 : memref<1x384x64xf32, #tpu.memory_space<vmem>> -> memref<384x64xf32, #tpu.memory_space<vmem>>
    tpu.enqueue_dma source(%dma_start3A_815 : memref<384x64xf32, #tpu.memory_space<vmem>>) target(%dma_start3A_811 : memref<384x64xf32, #tpu.memory_space<hbm>>) target_semaphore(%arg14 : memref<!tpu.dma_semaphore, #tpu.memory_space<semaphore_mem>>)
    %add3A_816 = arith.constant 30336 : i32
    %add3A_817 = arith.addi %mul3A_2, %add3A_816 : i32
    %dma_wait3A_818 = arith.constant 1 : i32
    %dma_wait3A_819 = arith.constant 0 : i32
    %dma_wait3A_820 = arith.constant 0 : i32
    %dma_wait3A_821 = tpu.memref_slice %arg8[%dma_wait3A_818, %dma_wait3A_819, %dma_wait3A_820] : memref<2x384x64xf32, #tpu.memory_space<vmem>> -> memref<1x384x64xf32, #tpu.memory_space<vmem>>
    %dma_wait3A_822 = tpu.memref_squeeze %dma_wait3A_821 : memref<1x384x64xf32, #tpu.memory_space<vmem>> -> memref<384x64xf32, #tpu.memory_space<vmem>>
    %dma_wait3A_823 = arith.constant 0 : i32
    %dma_wait3A_824 = tpu.memref_slice %arg5[%add3A_817, %dma_wait3A_823] : memref<995328x64xf32, #tpu.memory_space<hbm>> -> memref<384x64xf32, #tpu.memory_space<hbm>>
    %dma_wait3A_825 = arith.constant 0 : i32
    %dma_wait3A_826 = tpu.memref_slice %arg5[%add3A_817, %dma_wait3A_825] : memref<995328x64xf32, #tpu.memory_space<hbm>> -> memref<384x64xf32, #tpu.memory_space<hbm>>
    %dma_wait3A_827 = arith.constant 0 : i32
    %dma_wait3A_828 = arith.constant 0 : i32
    %dma_wait3A_829 = tpu.memref_slice %arg8[%dma_wait3A_818, %dma_wait3A_827, %dma_wait3A_828] : memref<2x384x64xf32, #tpu.memory_space<vmem>> -> memref<1x384x64xf32, #tpu.memory_space<vmem>>
    %dma_wait3A_830 = tpu.memref_squeeze %dma_wait3A_829 : memref<1x384x64xf32, #tpu.memory_space<vmem>> -> memref<384x64xf32, #tpu.memory_space<vmem>>
    tpu.wait_dma2 semaphore(%arg15 : memref<!tpu.dma_semaphore, #tpu.memory_space<semaphore_mem>>) src(%dma_wait3A_830 : memref<384x64xf32, #tpu.memory_space<vmem>>) dst(%dma_wait3A_826 : memref<384x64xf32, #tpu.memory_space<hbm>>)
    %add3A_831 = arith.constant 30720 : i32
    %add3A_832 = arith.addi %mul3A_2, %add3A_831 : i32
    %dma_wait3A_833 = arith.constant 0 : i32
    %dma_wait3A_834 = arith.constant 0 : i32
    %dma_wait3A_835 = arith.constant 0 : i32
    %dma_wait3A_836 = tpu.memref_slice %arg8[%dma_wait3A_833, %dma_wait3A_834, %dma_wait3A_835] : memref<2x384x64xf32, #tpu.memory_space<vmem>> -> memref<1x384x64xf32, #tpu.memory_space<vmem>>
    %dma_wait3A_837 = tpu.memref_squeeze %dma_wait3A_836 : memref<1x384x64xf32, #tpu.memory_space<vmem>> -> memref<384x64xf32, #tpu.memory_space<vmem>>
    %dma_wait3A_838 = arith.constant 0 : i32
    %dma_wait3A_839 = tpu.memref_slice %arg5[%add3A_832, %dma_wait3A_838] : memref<995328x64xf32, #tpu.memory_space<hbm>> -> memref<384x64xf32, #tpu.memory_space<hbm>>
    %dma_wait3A_840 = arith.constant 0 : i32
    %dma_wait3A_841 = tpu.memref_slice %arg5[%add3A_832, %dma_wait3A_840] : memref<995328x64xf32, #tpu.memory_space<hbm>> -> memref<384x64xf32, #tpu.memory_space<hbm>>
    %dma_wait3A_842 = arith.constant 0 : i32
    %dma_wait3A_843 = arith.constant 0 : i32
    %dma_wait3A_844 = tpu.memref_slice %arg8[%dma_wait3A_833, %dma_wait3A_842, %dma_wait3A_843] : memref<2x384x64xf32, #tpu.memory_space<vmem>> -> memref<1x384x64xf32, #tpu.memory_space<vmem>>
    %dma_wait3A_845 = tpu.memref_squeeze %dma_wait3A_844 : memref<1x384x64xf32, #tpu.memory_space<vmem>> -> memref<384x64xf32, #tpu.memory_space<vmem>>
    tpu.wait_dma2 semaphore(%arg14 : memref<!tpu.dma_semaphore, #tpu.memory_space<semaphore_mem>>) src(%dma_wait3A_845 : memref<384x64xf32, #tpu.memory_space<vmem>>) dst(%dma_wait3A_841 : memref<384x64xf32, #tpu.memory_space<hbm>>)
    return
  }
}

</mosaic_0001>

<sc_bundles>
// kernel: kernel.3.cloned.1.call-start
scs
__scs_entry_jumppad:
0x0: {  	(pc) =	sbr.rel $0x88, $3  }
0x1: {  	(tag) =	ssettag $0x0;
	lr =	simm.s32 $0x1  }
0x2: {  	[smem:$0x3F9F] =	sst lr;
	_ =	strace $0xD0000000  }
0x3: {  	_ = 	snop  }
0x4: {  	_ = 	snop  }
0x5: {  	_ = 	snop  }
0x6: {  	_ = 	snop  }
0x7: {  	_ = 	snop  }
__scs_overlays_trampoline_lowered:
0x8: {  	[smem:$0x3FAE] =	sst s0  }
0x9: {  	[smem:$0x3FAF] =	sst s1  }
0xa: {  	[smem:$0x3FB0] =	sst s2  }
0xb: {  	[smem:$0x3FB1] =	sst s3  }
0xc: {  	[smem:$0x3FB2] =	sst s4  }
0xd: {  	[smem:$0x3FB3] =	sst s5  }
0xe: {  	[smem:$0x3FB4] =	sst s6  }
0xf: {  	[smem:$0x3FB5] =	sst s7  }
0x10: {  	[smem:$0x3FB6] =	sst s8  }
0x11: {  	[smem:$0x3FB7] =	sst s9;
	s0 =	simm.s32 @!p0 $0x0  }
0x12: {  	s1 =	sld [smem:$0x3F9D];
	s0 =	simm.s32 @p0 $0x1  }
0x13: {  	[smem:$0x3FB8] =	sst s0;
	s0 =	simm.s32 @!p1 $0x0  }
0x14: {  	s2 =	sld [smem:$0x3F9C];
	s0 =	simm.s32 @p1 $0x1  }
0x15: {  	[smem:$0x3FB9] =	sst s0;
	s0 =	simm.s32 @!p2 $0x0  }
0x16: {  	s3 =	sld [smem:$0x3FDB];
	s0 =	simm.s32 @p2 $0x1  }
0x17: {  	s4 =	simm.s32 $0x1BF5;
	[smem:$0x3FBB] =	sst s0  }
0x18: {  	s0 =	sld [smem:$0x3F9E];
	_ =	swait.ge [sflag:s4], $0x0  }
0x19: {  	s7 =	sld [smem:$0x3F9F]  }
0x1a: {  	s8 =	sadd.s32 $0xFFFFE003, lr  }
0x1b: {  	s9 =	sadd.s32 $0xFFFFFEF7, lr;
	s5 =	simm.s32 $0xFFFFFFFF;
	p2 =	slt.u32 s8, $0xFFFFF086  }
0x1c: {  	p1 =	slt.u32 s9, $0xF7A;
	s5 =	simm.s32 @!p2 $0x0  }
0x1d: {  	s5 =	simm.s32 @p1 $0x1;
	p0 =	seq.s32 s7, s2  }
0x1e: {  	s7 =	smul.u32 @!p0 $0xF7A, s2;
	p2 =	seq.s32 @!p0 s5, $0x0  }
0x1f: {  	s9 =	smul.u32 $0xF7A, s1;
	s8 =	simm.s32 @!p0 $0x1BF5;
	p2 =	por !p2, p0  }
0x20: {  	[sflag:s8] =	ssyncset.s32 @!p0 $0xFFFFF086;
	s6 =	sadd.s32 @!p0 s3, s7;
	s7 =	simm.s32 @!p0 $0x108  }
0x21: {  	s3 =	sadd.s32 s3, s9;
	s6 =	sadd.s32 @!p0 $0x88, s6;
	s7 =	simm.s32 @p2 $0x1082  }
0x22: {  	[simem:s7], [sflag:s8] =	dma.local @!p0 [hbm:s6], $0xF7A  }
0x23: {  	s9 =	sor.u32 $0xD0000000, s2;
	s6 =	simm.s32 $0x108;
	_ =	swait.ge @!p0 [sflag:s8], $0x0  }
0x24: {  	s3 =	sadd.s32 $0x88, s3;
	s6 =	simm.s32 @!p1 $0x1082;
	[sflag:s4] =	ssyncset.s32 $0xFFFFF086  }
0x25: {  	[simem:s6], [sflag:s4] =	dma.local [hbm:s3], $0xF7A  }
0x26: {  	[smem:$0x3F9F] =	sst s1;
	(tag) =	ssettag s2;
	_ =	strace s9  }
0x27: {  	s1 =	sld [smem:$0x3FAF]  }
0x28: {  	s2 =	sld [smem:$0x3FB0]  }
0x29: {  	s4 =	sld [smem:$0x3FB2]  }
0x2a: {  	p0 =	seq.s32 s5, $0x0;
	s5 =	sld [smem:$0x3FB3]  }
0x2b: {  	s6 =	sld [smem:$0x3FB4]  }
0x2c: {  	s7 =	sld [smem:$0x3FB5]  }
0x2d: {  	s3 =	simm.s32 $0x108;
	s8 =	sld [smem:$0x3FB6]  }
0x2e: {  	s3 =	simm.s32 @!p0 $0x1082;
	s9 =	sld [smem:$0x3FB7]  }
0x2f: {  	lr =	sadd.s32 s0, s3;
	s0 =	sld [smem:$0x3FAE]  }
0x30: {  	s3 =	sld [smem:$0x3FB1]  }
0x31: {  	[smem:$0x3FBA] =	sst s10  }
0x32: {  	s10 =	sld [smem:$0x3FB8];
	_ =	sdelay $0x3  }
0x33: {  	p0 =	seq.s32 s10, $0x1;
	s10 =	sld [smem:$0x3FBA];
	_ =	sdelay $0x3  }
0x34: {  	[smem:$0x3FBA] =	sst s10  }
0x35: {  	s10 =	sld [smem:$0x3FB9];
	_ =	sdelay $0x3  }
0x36: {  	p1 =	seq.s32 s10, $0x1;
	s10 =	sld [smem:$0x3FBA];
	_ =	sdelay $0x3  }
0x37: {  	[smem:$0x3FBA] =	sst s10  }
0x38: {  	s10 =	sld [smem:$0x3FBB]  }
0x39: {  	_ = 	snop;
	(pc) =	sbr.ind lr, $3  }
0x3a: {  	_ = 	snop  }
0x3b: {  	_ = 	snop  }
0x3c: {  	p2 =	seq.s32 s10, $0x1;
	s10 =	sld [smem:$0x3FBA]  }
0x3d: {  	_ =	shalt  }
0x3e: {  	_ =	shalt  }
0x3f: {  	_ =	shalt  }
0x40: {  	_ =	shalt  }
0x41: {  	_ =	shalt  }
0x42: {  	_ =	shalt  }
0x43: {  	_ =	shalt  }
0x44: {  	_ =	shalt  }
0x45: {  	_ =	shalt  }
0x46: {  	_ =	shalt  }
0x47: {  	_ =	shalt  }
0x48: {  	_ =	shalt  }
0x49: {  	_ =	shalt  }
0x4a: {  	_ =	shalt  }
0x4b: {  	_ =	shalt  }
0x4c: {  	_ =	shalt  }
0x4d: {  	_ =	shalt  }
0x4e: {  	_ =	shalt  }
0x4f: {  	_ =	shalt  }
0x50: {  	_ =	shalt  }
0x51: {  	_ =	shalt  }
0x52: {  	_ =	shalt  }
0x53: {  	_ =	shalt  }
0x54: {  	_ =	shalt  }
0x55: {  	_ =	shalt  }
0x56: {  	_ =	shalt  }
0x57: {  	_ =	shalt  }
0x58: {  	_ =	shalt  }
0x59: {  	_ =	shalt  }
0x5a: {  	_ =	shalt  }
0x5b: {  	_ =	shalt  }
0x5c: {  	_ =	shalt  }
0x5d: {  	_ =	shalt  }
0x5e: {  	_ =	shalt  }
0x5f: {  	_ =	shalt  }
0x60: {  	_ =	shalt  }
0x61: {  	_ =	shalt  }
0x62: {  	_ =	shalt  }
0x63: {  	_ =	shalt  }
0x64: {  	_ =	shalt  }
0x65: {  	_ =	shalt  }
0x66: {  	_ =	shalt  }
0x67: {  	_ =	shalt  }
0x68: {  	_ =	shalt  }
0x69: {  	_ =	shalt  }
0x6a: {  	_ =	shalt  }
0x6b: {  	_ =	shalt  }
0x6c: {  	_ =	shalt  }
0x6d: {  	_ =	shalt  }
0x6e: {  	_ =	shalt  }
0x6f: {  	_ =	shalt  }
0x70: {  	_ =	shalt  }
0x71: {  	_ =	shalt  }
0x72: {  	_ =	shalt  }
0x73: {  	_ =	shalt  }
0x74: {  	_ =	shalt  }
0x75: {  	_ =	shalt  }
0x76: {  	_ =	shalt  }
0x77: {  	_ =	shalt  }
0x78: {  	_ =	shalt  }
0x79: {  	_ =	shalt  }
0x7a: {  	_ =	shalt  }
0x7b: {  	_ =	shalt  }
0x7c: {  	_ =	shalt  }
0x7d: {  	_ =	shalt  }
0x7e: {  	_ =	shalt  }
0x7f: {  	_ =	shalt  }
0x80: {  	_ =	shalt  }
0x81: {  	_ =	shalt  }
0x82: {  	_ =	shalt  }
0x83: {  	_ =	shalt  }
0x84: {  	_ =	shalt  }
0x85: {  	_ =	shalt  }
0x86: {  	_ =	shalt  }
0x87: {  	_ =	shalt  }
.Lfunc_end0:
.L_simem_size_0:
called_computation.1_lowered:
.L_overlay_start_0:
0x88: {  	s2 =	sld [smem:$0x3FD9]  }
0x89: {  	s3 =	sld [smem:$0x3FFE];
	_ =	sdelay $0x1  }
0x8a: {  	s1 =	srdreg.scid  }
0x8b: {  	s0 =	sand.u32 $0x1, s1  }
0x8c: {  	s17 =	sshll.u32 s0, $0xA;
	s2 =	sadd.s32 s3, s2  }
0x8d: {  	s2 =	sadd.s32 s2, s17  }
0x8e: {  	[smem:$0x3FC6] =	sst s2  }
0x8f: {  	_ = 	snop  }
0x90: {  	s2 =	sld [smem:$0x3FD0];
	(tm) =	ssettm $0x1  }
0x91: {  	s18 =	sld [smem:$0x3FFB];
	_ =	sdelay $0x3  }
0x92: {  	_ =	strace s18  }
0x93: {  	s3 =	sld [smem:$0x3FFC];
	_ =	sdelay $0x3  }
0x94: {  	_ =	strace s3  }
0x95: {  	s3 =	sld [smem:$0x3FFD];
	_ =	sdelay $0x3  }
0x96: {  	_ =	strace s3  }
0x97: {  	_ =	strace $0x8FFFFFFF  }
0x98: {  	s19 =	sld [smem:$0x3FDB];
	_ =	sdelay $0x1  }
0x99: {  	s4 =	simm.s32 $_scs_section_size  }
0x9a: {  	s5 =	simm.s32 $_size__tile_overlayer_lowered;
	s6 =	simm.s32 $_tile_overlayer_lowered  }
0x9b: {  	s22 =	simm.s32 $0x1BFF;
	s21 =	sshll.u32 s6, $0x1;
	s3 =	sadd.s32 s4, s19  }
0x9c: {  	s7 =	simm.s32 $0x0;
	s20 =	sshll.u32 s5, $0x1;
	s5 =	sadd.s32 s21, s3  }
0x9d: {  	[timem:s7], [sflag:s22] =	dma.local [hbm:s5], s20  }
0x9e: {  	_ =	swait.ge [sflag:s22], s20  }
0x9f: {  	s4 =	ssub.s32 $0x0, s20;
	[sflag:s22] =	ssyncset.done $0x0  }
0xa0: {  	[sflag:s22] =	ssyncadd.s32 s4;
	_ =	sdelay $0x1  }
0xa1: {  	s23 =	simm.s32 $0x1B8B  }
0xa2: {  	_ =	swait.ge [sflag:s23], $0x1  }
0xa3: {  	[sflag:s23] =	ssyncset.done $0x0  }
0xa4: {  	s25 =	simm.s32 $0x1B8E;
	s24 =	sld [smem:$0x3FFE];
	[sflag:s23] =	ssyncadd.s32 $0xFFFFFFFF  }
0xa5: {  	s26 =	simm.s32 $execute0_lowered;
	[smem:$0x3FD2] =	sst s25  }
0xa6: {  	s5 =	sshll.u32 s26, $0x1;
	_ =	strace $0x80000046;
	[dreg:$0x1] =	wrdreg $0xFFFFFFFF  }
0xa7: {  	s28 =	simm.s32 $_size_execute0_lowered;
	s3 =	sadd.s32 s3, s5;
	[dreg:$0x0] =	wrdreg $0x0  }
0xa8: {  	s5 =	sshll.u32 s28, $0x1;
	[dreg:$0x2] =	wrdreg s3  }
0xa9: {  	[dreg:$0x3] =	wrdreg s5  }
0xaa: {  	[dreg:$0x4] =	wrdreg $0xC0  }
0xab: {  	_ =	task [dreg:s7], $0x5FFFF  }
0xac: {  	[dreg:$0x1] =	wrdreg $0xFFFFFFFF  }
0xad: {  	[dreg:$0x0] =	wrdreg $0x60  }
0xae: {  	[dreg:$0x2] =	wrdreg s24  }
0xaf: {  	[dreg:$0x3] =	wrdreg s2  }
0xb0: {  	[dreg:$0x4] =	wrdreg $0x9  }
0xb1: {  	_ =	task.clear_ibuf [dreg:s7], $0x5FFFF;
	_ =	strace $0x90000046  }
0xb2: {  	s29 =	simm.s32 $0x9;
	_ =	strace $0x80000048  }
0xb3: {  	_ =	swait.ge [sflag:s29], $0x1  }
0xb4: {  	[sflag:s29] =	ssyncadd.s32 $0xFFFFFFFF  }
0xb5: {  	_ =	strace $0x90000048  }
0xb6: {  	_ =	sfence  }
0xb7: {  	s30 =	sld [smem:$0x0];
	_ =	sdelay $0x2  }
0xb8: {  	s31 =	sshll.u32 s1, $0xD;
	s1 =	sshrl.u32 s1, $0x2  }
0xb9: {  	s3 =	sand.u32 $0x4000, s31;
	s1 =	sadd.s32 s1, s30  }
0xba: {  	s0 =	sor.u32 s3, s0;
	s1 =	sshll.u32 s1, $0x11  }
0xbb: {  	s0 =	sor.u32 s1, s0  }
0xbc: {  	s0 =	sadd.s32 $0x8F2B, s0  }
0xbd: {  	[sflag:s0] =	ssyncadd.remote.s32 $0x1  }
0xbe: {  	_ =	sfence.sel $0xFFFF  }
0xbf: {  	[dreg:$0x0] =	wrdreg $0xFFFFFFFF;
	(pc) =	sbr.abs _section_cstart, $3  }
0xc0: {  	[dreg:$0x1] =	wrdreg $0xFFFFFFFF  }
0xc1: {  	_ =	task.clear_ibuf [dreg:s7], $0x2FFFF;
	_ =	strace $0x9FFFFFFF  }
0xc2: {  	(tm) =	ssettm $0x7FFFFFFF  }
0xc3: {  	_ =	shalt  }
tec
execute0_lowered:
.L_overlay_start_1:
0x0: {  	(tag) =	ssettag $0x1  }
0x1: {  	s0 =	rddreg [dreg:$0x0]  }
0x2: {  	s2 =	rddreg [dreg:$0x1]  }
0x3: {  	s1 =	srdreg.scid;
	s4 =	stileid.u32  }
0x4: {  	s3 =	simm.s32 $0x0;
	s21 =	simm.s32 $0x300;
	s22 =	simm.s32 $0x180  }
0x5: {  	s18 =	simm.s32 $0x3;
	s19 =	simm.s32 $0x5;
	s20 =	simm.s32 $0x4  }
0x6: {  	s14 =	simm.s32 $0x0;
	s1 =	sand.u32 $0x1, s1;
	s4 =	sshll.u32 s4, $0x1  }
0x7: {  	[smem:$0x7FF] =	sst s3;
	s5 =	sadd.s32 $0xA00, s0;
	s7 =	sor.u32 s1, s4  }
0x8: {  	s6 =	sadd.s32 $0x3D600, s0;
	s1 =	ssub.s32 $0x2, s1;
	s8 =	smul.u32 $0x7980, s7  }
0x9: {  	_ =	strace $0x80000047;
	s23 =	sshrl.u32 s1, $0x1;
	s26 =	smul.u32 $0x3CC00, s7  }
0xa: {  	s4 =	sadd.s32 $0x1F000, s0;
	s7 =	smul.u32 $0x1E6000, s7;
	s0 =	ssub.s32 s1, s23  }
0xb: {  	s23 =	simm.s32 $0x480;
	s9 =	sshrl.u32 s8, $0x3;
	s10 =	sadd.s32 $0x300, s8  }
0xc: {  	s1 =	sadd.s32 s2, s26;
	s30 =	sshrl.u32 s7, $0x3;
	s16 =	sadd.s32 $0x480, s8  }
0xd: {  	s17 =	sadd.s32 $0x600, s8;
	s0 =	smax.u32 s0, $0x1;
	s26 =	simm.s32 $0x600  }
0xe: {  	s7 =	simm.s32 $0x400;
	s24 =	sadd.s32 s4, s9;
	[dreg:$0x9] =	wrdreg s1  }
0xf: {  	s25 =	sadd.s32 s5, s9;
	s9 =	sadd.s32 $0x180, s8;
	[dreg:$0xc] =	wrdreg s0  }
0x10: {  	s12 =	sshrl.u32 s10, $0x3;
	s1 =	sadd.s32 s2, s30;
	[dreg:$0x3] =	wrdreg s24  }
0x11: {  	s8 =	simm.s32 $0x10600;
	[dreg:$0x4] =	wrdreg s25;
	s28 =	sadd.s32 s4, s12  }
0x12: {  	s11 =	sshrl.u32 s9, $0x3;
	s29 =	sadd.s32 s5, s12;
	[dreg:$0x7] =	wrdreg s28  }
0x13: {  	s31 =	sadd.s32 $0x3B400, s1;
	s1 =	sadd.s32 $0x3C000, s1;
	[dreg:$0x8] =	wrdreg s29  }
0x14: {  	s24 =	simm.s32 $0x1;
	s25 =	simm.s32 $0x80;
	[dreg:$0xa] =	wrdreg s31  }
0x15: {  	s12 =	simm.s32 $0x6600;
	s13 =	sadd.s32 s4, s11;
	[dreg:$0xb] =	wrdreg s1  }
0x16: {  	s11 =	sadd.s32 s5, s11;
	s1 =	simm.s32 $0x4600;
	[dreg:$0x5] =	wrdreg s13  }
0x17: {  	[dreg:$0x6] =	wrdreg s11;
	s11 =	simm.s32 $0x2;
	s13 =	simm.s32 $0x6  }
.LBB2_1:
0x18: {  	[dreg:$0xd] =	wrdreg s14  }
0x19: {  	s0 =	rddreg [dreg:$0x3]  }
0x1a: {  	[tilespmem:s3], [sflag:$0x1] =	stream.linear.gather [hbm4b:s0+s3], $0x180, $0x38;
	[tilespmem:$0x18600] =	vst v63  }
0x1b: {  	s15 =	rddreg [dreg:$0x4]  }
0x1c: {  	[tilespmem:s21], [sflag:$0x1] =	stream.linear.gather [hbm4b:s15+s3], $0x180, $0x38;
	[tilespmem:$0x18600] =	vst v63  }
0x1d: {  	s30 =	rddreg [dreg:$0x5]  }
0x1e: {  	[tilespmem:s22], [sflag:$0x2] =	stream.linear.gather [hbm4b:s30+s3], $0x180, $0x38;
	[tilespmem:$0x18600] =	vst v63  }
0x1f: {  	s31 =	rddreg [dreg:$0x6]  }
0x20: {  	[tilespmem:s23], [sflag:$0x2] =	stream.linear.gather [hbm4b:s31+s3], $0x180, $0x38;
	[tilespmem:$0x18600] =	vst v63  }
0x21: {  	_ =	swait.ge [sflag:s24], $0x180  }
0x22: {  	[sflag:s24] =	ssyncset.done $0x0  }
0x23: {  	[sflag:s24] =	ssyncadd.s32 $0xFFFFFE80  }
0x24: {  	_ =	swait.ge [sflag:s24], $0x180  }
0x25: {  	[sflag:s24] =	ssyncset.done $0x0  }
0x26: {  	[sflag:s24] =	ssyncadd.s32 $0xFFFFFE80  }
0x27: {  	[tilespmem:s26], [sflag:$0x3] =	stream.indirect.gather [hbm4b:s6+s25], $0x40, s3, s25, $0xb8;
	[tilespmem:$0x18600] =	vst v63  }
0x28: {  	s14 =	simm.s32 $0xC600  }
0x29: {  	[tilespmem:s14], [sflag:$0x3] =	stream.indirect.gather [hbm4b:s6+s25], $0x40, s21, s25, $0xb8;
	[tilespmem:$0x18600] =	vst v63  }
0x2a: {  	s15 =	simm.s32 $0x2600  }
0x2b: {  	[tilespmem:s15], [sflag:$0x3] =	stream.indirect.gather [hbm4b:s6+s25], $0x40, s25, s25, $0xb8;
	[tilespmem:$0x18600] =	vst v63  }
0x2c: {  	s30 =	simm.s32 $0x380;
	s31 =	simm.s32 $0xE600  }
0x2d: {  	[tilespmem:s31], [sflag:$0x3] =	stream.indirect.gather [hbm4b:s6+s25], $0x40, s30, s25, $0xb8;
	[tilespmem:$0x18600] =	vst v63  }
0x2e: {  	s14 =	simm.s32 $0x100  }
0x2f: {  	[tilespmem:s1], [sflag:$0x3] =	stream.indirect.gather [hbm4b:s6+s25], $0x40, s14, s25, $0xb8;
	[tilespmem:$0x18600] =	vst v63  }
0x30: {  	_ = 	snop  }
0x31: {  	[tilespmem:s8], [sflag:$0x3] =	stream.indirect.gather [hbm4b:s6+s25], $0x40, s7, s25, $0xb8;
	[tilespmem:$0x18600] =	vst v63  }
0x32: {  	_ =	swait.ge [sflag:s11], $0x180  }
0x33: {  	[sflag:s11] =	ssyncset.done $0x0  }
0x34: {  	[sflag:s11] =	ssyncadd.s32 $0xFFFFFE80  }
0x35: {  	_ =	swait.ge [sflag:s11], $0x180  }
0x36: {  	[sflag:s11] =	ssyncset.done $0x0  }
0x37: {  	[sflag:s11] =	ssyncadd.s32 $0xFFFFFE80  }
0x38: {  	[tilespmem:s12], [sflag:$0x4] =	stream.indirect.gather [hbm4b:s6+s25], $0x40, s22, s25, $0xb8;
	[tilespmem:$0x18600] =	vst v63  }
0x39: {  	s15 =	simm.s32 $0x12600  }
0x3a: {  	[tilespmem:s15], [sflag:$0x4] =	stream.indirect.gather [hbm4b:s6+s25], $0x40, s23, s25, $0xb8;
	[tilespmem:$0x18600] =	vst v63  }
0x3b: {  	s30 =	simm.s32 $0x200;
	s31 =	simm.s32 $0x8600  }
0x3c: {  	[tilespmem:s31], [sflag:$0x4] =	stream.indirect.gather [hbm4b:s6+s25], $0x40, s30, s25, $0xb8;
	[tilespmem:$0x18600] =	vst v63  }
0x3d: {  	s14 =	simm.s32 $0x500;
	s15 =	simm.s32 $0x14600  }
0x3e: {  	[tilespmem:s15], [sflag:$0x4] =	stream.indirect.gather [hbm4b:s6+s25], $0x40, s14, s25, $0xb8;
	[tilespmem:$0x18600] =	vst v63  }
0x3f: {  	s30 =	simm.s32 $0x280;
	s31 =	simm.s32 $0xA600  }
0x40: {  	[tilespmem:s31], [sflag:$0x4] =	stream.indirect.gather [hbm4b:s6+s25], $0x40, s30, s25, $0xb8;
	[tilespmem:$0x18600] =	vst v63  }
0x41: {  	s14 =	simm.s32 $0x580;
	s15 =	simm.s32 $0x16600  }
0x42: {  	[tilespmem:s15], [sflag:$0x4] =	stream.indirect.gather [hbm4b:s6+s25], $0x40, s14, s25, $0xb8;
	[tilespmem:$0x18600] =	vst v63  }
0x43: {  	_ =	swait.ge [sflag:s18], $0x2000  }
0x44: {  	[sflag:s18] =	ssyncset.done $0x0  }
0x45: {  	[sflag:s18] =	ssyncadd.s32 $0xFFFFE000  }
0x46: {  	_ =	swait.ge [sflag:s18], $0x2000  }
0x47: {  	[sflag:s18] =	ssyncset.done $0x0  }
0x48: {  	[sflag:s18] =	ssyncadd.s32 $0xFFFFE000  }
0x49: {  	_ =	swait.ge [sflag:s18], $0x2000  }
0x4a: {  	[sflag:s18] =	ssyncset.done $0x0  }
0x4b: {  	[sflag:s18] =	ssyncadd.s32 $0xFFFFE000  }
0x4c: {  	_ =	swait.ge [sflag:s18], $0x2000  }
0x4d: {  	[sflag:s18] =	ssyncset.done $0x0  }
0x4e: {  	[sflag:s18] =	ssyncadd.s32 $0xFFFFE000  }
0x4f: {  	_ =	swait.ge [sflag:s18], $0x2000  }
0x50: {  	[sflag:s18] =	ssyncset.done $0x0  }
0x51: {  	[sflag:s18] =	ssyncadd.s32 $0xFFFFE000  }
0x52: {  	_ =	swait.ge [sflag:s18], $0x2000  }
0x53: {  	[sflag:s18] =	ssyncset.done $0x0  }
0x54: {  	s30 =	rddreg [dreg:$0x7];
	[sflag:s18] =	ssyncadd.s32 $0xFFFFE000  }
0x55: {  	[tilespmem:s3], [sflag:$0x1] =	stream.linear.gather [hbm4b:s30+s3], $0x180, $0x38;
	[tilespmem:$0x18600] =	vst v63  }
0x56: {  	s14 =	simm.s32 $0x640;
	s31 =	rddreg [dreg:$0x8]  }
0x57: {  	[tilespmem:s21], [sflag:$0x1] =	stream.linear.gather [hbm4b:s31+s3], $0x180, $0x38;
	[tilespmem:$0x18600] =	vst v63  }
0x58: {  	s15 =	simm.s32 $0xC640;
	v0 =	vld [tilespmem:s14+$0xFFFFFFC0]  }
0x59: {  	v1 =	vld [tilespmem:s15+$0xFFFFFFC0];
	_ =	sdelay $0x4  }
0x5a: {  	v0 =	vadd.f32 v1, v0;
	_ =	sdelay $0x1  }
0x5b: {  	v0 =	vmul.f32 $5.000000000e-01, v0;
	_ =	sdelay $0x1  }
0x5c: {  	[tilespmem:s14+$0xFFFFFFC0] =	vst v0;
	v0 =	vld [tilespmem:s14+$0xFFFFFFD0]  }
0x5d: {  	v1 =	vld [tilespmem:s15+$0xFFFFFFD0];
	_ =	sdelay $0x4  }
0x5e: {  	v0 =	vadd.f32 v1, v0;
	_ =	sdelay $0x1  }
0x5f: {  	v0 =	vmul.f32 $5.000000000e-01, v0;
	_ =	sdelay $0x1  }
0x60: {  	[tilespmem:s14+$0xFFFFFFD0] =	vst v0;
	v0 =	vld [tilespmem:s14+$0xFFFFFFE0]  }
0x61: {  	v1 =	vld [tilespmem:s15+$0xFFFFFFE0];
	_ =	sdelay $0x4  }
0x62: {  	v0 =	vadd.f32 v1, v0;
	_ =	sdelay $0x1  }
0x63: {  	v0 =	vmul.f32 $5.000000000e-01, v0;
	_ =	sdelay $0x1  }
0x64: {  	[tilespmem:s14+$0xFFFFFFE0] =	vst v0;
	v0 =	vld [tilespmem:s14+$0xFFFFFFF0]  }
0x65: {  	v1 =	vld [tilespmem:s15+$0xFFFFFFF0];
	_ =	sdelay $0x4  }
0x66: {  	v0 =	vadd.f32 v1, v0;
	_ =	sdelay $0x1  }
0x67: {  	v0 =	vmul.f32 $5.000000000e-01, v0;
	_ =	sdelay $0x1  }
0x68: {  	[tilespmem:s14+$0xFFFFFFF0] =	vst v0;
	v0 =	vld [tilespmem:s14+$0x0]  }
0x69: {  	v1 =	vld [tilespmem:s15+$0x0];
	_ =	sdelay $0x4  }
0x6a: {  	v0 =	vadd.f32 v1, v0;
	_ =	sdelay $0x1  }
0x6b: {  	v0 =	vmul.f32 $5.000000000e-01, v0;
	_ =	sdelay $0x1  }
0x6c: {  	[tilespmem:s14+$0x0] =	vst v0;
	v0 =	vld [tilespmem:s14+$0x10]  }
0x6d: {  	v1 =	vld [tilespmem:s15+$0x10];
	_ =	sdelay $0x4  }
0x6e: {  	v0 =	vadd.f32 v1, v0;
	_ =	sdelay $0x1  }
0x6f: {  	v0 =	vmul.f32 $5.000000000e-01, v0;
	_ =	sdelay $0x1  }
0x70: {  	[tilespmem:s14+$0x10] =	vst v0;
	v0 =	vld [tilespmem:s14+$0x20]  }
0x71: {  	v1 =	vld [tilespmem:s15+$0x20];
	_ =	sdelay $0x4  }
0x72: {  	v0 =	vadd.f32 v1, v0;
	_ =	sdelay $0x1  }
0x73: {  	v0 =	vmul.f32 $5.000000000e-01, v0;
	_ =	sdelay $0x1  }
0x74: {  	[tilespmem:s14+$0x20] =	vst v0;
	v0 =	vld [tilespmem:s14+$0x30]  }
0x75: {  	v1 =	vld [tilespmem:s15+$0x30];
	_ =	sdelay $0x4  }
0x76: {  	v0 =	vadd.f32 v1, v0;
	_ =	sdelay $0x1  }
0x77: {  	v0 =	vmul.f32 $5.000000000e-01, v0  }
0x78: {  	s28 =	simm.s32 $0x0;
	s29 =	simm.s32 $0x6C0  }
.LBB2_2:
0x79: {  	v1 =	vld [tilespmem:s29+$0xFFFFFFC0];
	[tilespmem:s14+$0x30] =	vst v0;
	s15 =	sadd.s32 $0x80, s15;
	s14 =	smov.u32 s29  }
0x7a: {  	s28 =	sadd.s32 $0x2, s28;
	v0 =	vld [tilespmem:s15+$0xFFFFFFC0]  }
0x7b: {  	p0 =	slt.u32 s28, $0x17E;
	_ =	sdelay $0x3  }
0x7c: {  	v0 =	vadd.f32 v0, v1;
	_ =	sdelay $0x1  }
0x7d: {  	v0 =	vmul.f32 $5.000000000e-01, v0;
	_ =	sdelay $0x1  }
0x7e: {  	[tilespmem:s29+$0xFFFFFFC0] =	vst v0;
	v0 =	vld [tilespmem:s29+$0xFFFFFFD0]  }
0x7f: {  	v1 =	vld [tilespmem:s15+$0xFFFFFFD0];
	_ =	sdelay $0x4  }
0x80: {  	v0 =	vadd.f32 v1, v0;
	_ =	sdelay $0x1  }
0x81: {  	v0 =	vmul.f32 $5.000000000e-01, v0;
	_ =	sdelay $0x1  }
0x82: {  	[tilespmem:s29+$0xFFFFFFD0] =	vst v0;
	v0 =	vld [tilespmem:s29+$0xFFFFFFE0]  }
0x83: {  	v1 =	vld [tilespmem:s15+$0xFFFFFFE0];
	_ =	sdelay $0x4  }
0x84: {  	v0 =	vadd.f32 v1, v0;
	_ =	sdelay $0x1  }
0x85: {  	v0 =	vmul.f32 $5.000000000e-01, v0;
	_ =	sdelay $0x1  }
0x86: {  	[tilespmem:s29+$0xFFFFFFE0] =	vst v0;
	v0 =	vld [tilespmem:s29+$0xFFFFFFF0]  }
0x87: {  	v1 =	vld [tilespmem:s15+$0xFFFFFFF0];
	_ =	sdelay $0x4  }
0x88: {  	v0 =	vadd.f32 v1, v0;
	_ =	sdelay $0x1  }
0x89: {  	v0 =	vmul.f32 $5.000000000e-01, v0;
	_ =	sdelay $0x1  }
0x8a: {  	[tilespmem:s29+$0xFFFFFFF0] =	vst v0;
	v0 =	vld [tilespmem:s29+$0x0]  }
0x8b: {  	v1 =	vld [tilespmem:s15+$0x0];
	_ =	sdelay $0x4  }
0x8c: {  	v0 =	vadd.f32 v1, v0;
	_ =	sdelay $0x1  }
0x8d: {  	v0 =	vmul.f32 $5.000000000e-01, v0;
	_ =	sdelay $0x1  }
0x8e: {  	[tilespmem:s29+$0x0] =	vst v0;
	v0 =	vld [tilespmem:s29+$0x10]  }
0x8f: {  	v1 =	vld [tilespmem:s15+$0x10];
	_ =	sdelay $0x4  }
0x90: {  	v0 =	vadd.f32 v1, v0;
	_ =	sdelay $0x1  }
0x91: {  	v0 =	vmul.f32 $5.000000000e-01, v0;
	_ =	sdelay $0x1  }
0x92: {  	[tilespmem:s29+$0x10] =	vst v0;
	v0 =	vld [tilespmem:s29+$0x20]  }
0x93: {  	v1 =	vld [tilespmem:s15+$0x20];
	_ =	sdelay $0x4  }
0x94: {  	v0 =	vadd.f32 v1, v0;
	_ =	sdelay $0x1  }
0x95: {  	v0 =	vmul.f32 $5.000000000e-01, v0;
	_ =	sdelay $0x1  }
0x96: {  	[tilespmem:s29+$0x20] =	vst v0;
	v0 =	vld [tilespmem:s29+$0x30]  }
0x97: {  	v1 =	vld [tilespmem:s15+$0x30];
	_ =	sdelay $0x3  }
.Ltmp0:
0x98: {  	(pc) =	sbr.rel @p0 .LBB2_2-.Ltmp0, $3  }
0x99: {  	v0 =	vadd.f32 v1, v0;
	_ =	sdelay $0x1  }
0x9a: {  	v0 =	vmul.f32 $5.000000000e-01, v0  }
0x9b: {  	s29 =	sadd.s32 $0x80, s29  }
0x9c: {  	[tilespmem:s14+$0x30] =	vst v0;
	s14 =	simm.s32 $0x0;
	s0 =	rddreg [dreg:$0x9];
	s15 =	simm.s32 $0x0  }
0x9d: {  	[hbm4b:s0+s14] =	stream.linear.scatter [tilespmem:s26], [sflag:$0x5], $0x6000, $0x38;
	[tilespmem:$0x18600] =	vst v63  }
.LBB2_4:
0x9e: {  	_ =	swait.ge [sflag:s19], $0x6000  }
0x9f: {  	[sflag:s19] =	ssyncset.done $0x0  }
0xa0: {  	[sflag:s19] =	ssyncadd.s32 $0xFFFFA000  }
0xa1: {  	_ =	swait.ge [sflag:s24], $0x180  }
0xa2: {  	[sflag:s24] =	ssyncset.done $0x0  }
0xa3: {  	[sflag:s24] =	ssyncadd.s32 $0xFFFFFE80  }
0xa4: {  	_ =	swait.ge [sflag:s24], $0x180  }
0xa5: {  	[sflag:s24] =	ssyncset.done $0x0  }
0xa6: {  	[sflag:s24] =	ssyncadd.s32 $0xFFFFFE80  }
0xa7: {  	[tilespmem:s26], [sflag:$0x3] =	stream.indirect.gather [hbm4b:s6+s25], $0x40, s14, s25, $0xb8;
	[tilespmem:$0x18600] =	vst v63  }
0xa8: {  	s0 =	simm.s32 $0xC600  }
0xa9: {  	[tilespmem:s0], [sflag:$0x3] =	stream.indirect.gather [hbm4b:s6+s25], $0x40, s21, s25, $0xb8;
	[tilespmem:$0x18600] =	vst v63  }
0xaa: {  	s31 =	simm.s32 $0x2600  }
0xab: {  	[tilespmem:s31], [sflag:$0x3] =	stream.indirect.gather [hbm4b:s6+s25], $0x40, s25, s25, $0xb8;
	[tilespmem:$0x18600] =	vst v63  }
0xac: {  	s28 =	simm.s32 $0xE600;
	s31 =	simm.s32 $0x380  }
0xad: {  	[tilespmem:s28], [sflag:$0x3] =	stream.indirect.gather [hbm4b:s6+s25], $0x40, s31, s25, $0xb8;
	[tilespmem:$0x18600] =	vst v63  }
0xae: {  	s31 =	simm.s32 $0x100  }
0xaf: {  	[tilespmem:s1], [sflag:$0x3] =	stream.indirect.gather [hbm4b:s6+s25], $0x40, s31, s25, $0xb8;
	[tilespmem:$0x18600] =	vst v63  }
0xb0: {  	_ = 	snop  }
0xb1: {  	[tilespmem:s8], [sflag:$0x3] =	stream.indirect.gather [hbm4b:s6+s25], $0x40, s7, s25, $0xb8;
	[tilespmem:$0x18600] =	vst v63  }
0xb2: {  	_ =	swait.ge [sflag:s20], $0x2000  }
0xb3: {  	[sflag:s20] =	ssyncset.done $0x0  }
0xb4: {  	[sflag:s20] =	ssyncadd.s32 $0xFFFFE000  }
0xb5: {  	_ =	swait.ge [sflag:s20], $0x2000  }
0xb6: {  	[sflag:s20] =	ssyncset.done $0x0  }
0xb7: {  	[sflag:s20] =	ssyncadd.s32 $0xFFFFE000  }
0xb8: {  	_ =	swait.ge [sflag:s20], $0x2000  }
0xb9: {  	[sflag:s20] =	ssyncset.done $0x0  }
0xba: {  	[sflag:s20] =	ssyncadd.s32 $0xFFFFE000  }
0xbb: {  	_ =	swait.ge [sflag:s20], $0x2000  }
0xbc: {  	[sflag:s20] =	ssyncset.done $0x0  }
0xbd: {  	[sflag:s20] =	ssyncadd.s32 $0xFFFFE000  }
0xbe: {  	_ =	swait.ge [sflag:s20], $0x2000  }
0xbf: {  	s28 =	smul.u32 $0x300, s15;
	[sflag:s20] =	ssyncset.done $0x0  }
0xc0: {  	[sflag:s20] =	ssyncadd.s32 $0xFFFFE000  }
0xc1: {  	s31 =	sadd.s32 s28, s16;
	_ =	swait.ge [sflag:s20], $0x2000  }
0xc2: {  	s0 =	sshrl.u32 s31, $0x3;
	[sflag:s20] =	ssyncset.done $0x0  }
0xc3: {  	s29 =	sadd.s32 s4, s0;
	[sflag:s20] =	ssyncadd.s32 $0xFFFFE000  }
0xc4: {  	[tilespmem:s22], [sflag:$0x2] =	stream.linear.gather [hbm4b:s29+s14], $0x180, $0x38;
	[tilespmem:$0x18600] =	vst v63  }
0xc5: {  	s0 =	sadd.s32 s5, s0  }
0xc6: {  	[tilespmem:s23], [sflag:$0x2] =	stream.linear.gather [hbm4b:s0+s14], $0x180, $0x38;
	[tilespmem:$0x18600] =	vst v63  }
0xc7: {  	s0 =	simm.s32 $0x0  }
0xc8: {  	v0 =	vld [tilespmem:s0+$0x12670]  }
0xc9: {  	v5 =	vld [tilespmem:s0+$0x6640]  }
0xca: {  	v1 =	vld [tilespmem:s0+$0x6670]  }
0xcb: {  	v4 =	vld [tilespmem:s0+$0x12660]  }
0xcc: {  	v6 =	vld [tilespmem:s0+$0x12650]  }
0xcd: {  	v7 =	vld [tilespmem:s0+$0x6660]  }
0xce: {  	v8 =	vld [tilespmem:s0+$0x6650]  }
0xcf: {  	v9 =	vld [tilespmem:s0+$0x12640]  }
0xd0: {  	v2 =	vld [tilespmem:s0+$0x12610];
	v0 =	vadd.f32 v0, v1  }
0xd1: {  	v3 =	vld [tilespmem:s0+$0x6610]  }
0xd2: {  	v1 =	vld [tilespmem:s0+$0x12620];
	v7 =	vadd.f32 v4, v7;
	v10 =	vmul.f32 $5.000000000e-01, v0  }
0xd3: {  	v4 =	vld [tilespmem:s0+$0x12600]  }
0xd4: {  	v8 =	vadd.f32 v6, v8;
	v9 =	vadd.f32 v9, v5;
	v6 =	vld [tilespmem:s0+$0x12630];
	[tilespmem:s0+$0x6670] =	vst v10;
	v10 =	vmul.f32 $5.000000000e-01, v7  }
0xd5: {  	v7 =	vld [tilespmem:s0+$0x6620]  }
0xd6: {  	s30 =	simm.s32 $0x200;
	s29 =	simm.s32 $0x0;
	v0 =	vld [tilespmem:s0+$0x6630];
	v5 =	vmul.f32 $5.000000000e-01, v8;
	v8 =	vmul.f32 $5.000000000e-01, v9;
	[tilespmem:s0+$0x6660] =	vst v10  }
.LBB2_5:
0xd7: {  	s31 =	sshra.s32 s30, $0x2;
	s29 =	sadd.s32 $0x2, s29;
	v9 =	vld [tilespmem:s0+$0x6600]  }
0xd8: {  	v10 =	vld [tilespmem:s31+$0x12670];
	p0 =	slt.u32 s29, $0x17E;
	[tilespmem:s0+$0x6640] =	vst v8  }
0xd9: {  	v8 =	vld [tilespmem:s31+$0x6640]  }
0xda: {  	v11 =	vld [tilespmem:s31+$0x6670];
	v1 =	vadd.f32 v1, v7  }
0xdb: {  	v2 =	vadd.f32 v2, v3;
	v7 =	vld [tilespmem:s31+$0x12660]  }
0xdc: {  	v0 =	vadd.f32 v6, v0;
	v12 =	vld [tilespmem:s31+$0x12650];
	v3 =	vadd.f32 v4, v9;
	v1 =	vmul.f32 $5.000000000e-01, v1;
	[tilespmem:s0+$0x6650] =	vst v5  }
0xdd: {  	v2 =	vmul.f32 $5.000000000e-01, v2;
	v4 =	vld [tilespmem:s31+$0x6660]  }
0xde: {  	v0 =	vmul.f32 $5.000000000e-01, v0;
	v5 =	vld [tilespmem:s31+$0x6650];
	v3 =	vmul.f32 $5.000000000e-01, v3;
	[tilespmem:s0+$0x6620] =	vst v1  }
0xdf: {  	v6 =	vld [tilespmem:s31+$0x12640];
	v9 =	vadd.f32 v10, v11;
	[tilespmem:s0+$0x6610] =	vst v2  }
0xe0: {  	v1 =	vld [tilespmem:s31+$0x12620];
	[tilespmem:s0+$0x6600] =	vst v3  }
0xe1: {  	v2 =	vld [tilespmem:s31+$0x12610];
	v9 =	vmul.f32 $5.000000000e-01, v9;
	[tilespmem:s0+$0x6630] =	vst v0;
	s0 =	smov.u32 s31  }
.Ltmp1:
0xe2: {  	v0 =	vld [tilespmem:s0+$0x6630];
	v7 =	vadd.f32 v7, v4;
	(pc) =	sbr.rel @p0 .LBB2_5-.Ltmp1, $4  }
0xe3: {  	v3 =	vld [tilespmem:s0+$0x6610];
	v5 =	vadd.f32 v12, v5;
	[tilespmem:s0+$0x6670] =	vst v9  }
0xe4: {  	v4 =	vld [tilespmem:s0+$0x12600];
	v8 =	vadd.f32 v6, v8;
	v9 =	vmul.f32 $5.000000000e-01, v7  }
0xe5: {  	v7 =	vld [tilespmem:s0+$0x6620];
	v5 =	vmul.f32 $5.000000000e-01, v5  }
0xe6: {  	s30 =	sadd.s32 $0x200, s30;
	v6 =	vld [tilespmem:s0+$0x12630];
	v8 =	vmul.f32 $5.000000000e-01, v8;
	[tilespmem:s0+$0x6660] =	vst v9  }
0xe7: {  	v9 =	vld [tilespmem:s0+$0x6600];
	_ =	sdelay $0x1  }
0xe8: {  	v2 =	vadd.f32 v2, v3  }
0xe9: {  	v1 =	vadd.f32 v1, v7  }
0xea: {  	[tilespmem:s0+$0x6650] =	vst v5;
	v2 =	vmul.f32 $5.000000000e-01, v2;
	v0 =	vadd.f32 v6, v0  }
0xeb: {  	[tilespmem:s0+$0x6640] =	vst v8;
	v3 =	vadd.f32 v4, v9;
	v1 =	vmul.f32 $5.000000000e-01, v1  }
0xec: {  	s29 =	sadd.s32 s28, s9;
	[tilespmem:s0+$0x6610] =	vst v2;
	v0 =	vmul.f32 $5.000000000e-01, v0  }
0xed: {  	s29 =	sshll.u32 s29, $0x3;
	v3 =	vmul.f32 $5.000000000e-01, v3;
	[tilespmem:s0+$0x6620] =	vst v1  }
0xee: {  	s29 =	sand.u32 $0x1FFFFC00, s29;
	[tilespmem:s0+$0x6630] =	vst v0  }
0xef: {  	[tilespmem:s0+$0x6600] =	vst v3;
	s0 =	sadd.s32 s2, s29  }
0xf0: {  	[hbm4b:s0+s3] =	stream.linear.scatter [tilespmem:s12], [sflag:$0x6], $0x6000, $0x38;
	[tilespmem:$0x18600] =	vst v63  }
0xf1: {  	_ =	swait.ge [sflag:s13], $0x6000  }
0xf2: {  	[sflag:s13] =	ssyncset.done $0x0  }
0xf3: {  	[sflag:s13] =	ssyncadd.s32 $0xFFFFA000  }
0xf4: {  	_ =	swait.ge [sflag:s11], $0x180  }
0xf5: {  	[sflag:s11] =	ssyncset.done $0x0  }
0xf6: {  	[sflag:s11] =	ssyncadd.s32 $0xFFFFFE80  }
0xf7: {  	_ =	swait.ge [sflag:s11], $0x180  }
0xf8: {  	[sflag:s11] =	ssyncset.done $0x0  }
0xf9: {  	[sflag:s11] =	ssyncadd.s32 $0xFFFFFE80  }
0xfa: {  	[tilespmem:s12], [sflag:$0x4] =	stream.indirect.gather [hbm4b:s6+s25], $0x40, s22, s25, $0xb8;
	[tilespmem:$0x18600] =	vst v63  }
0xfb: {  	s0 =	simm.s32 $0x12600  }
0xfc: {  	[tilespmem:s0], [sflag:$0x4] =	stream.indirect.gather [hbm4b:s6+s25], $0x40, s23, s25, $0xb8;
	[tilespmem:$0x18600] =	vst v63  }
0xfd: {  	s29 =	simm.s32 $0x8600;
	s0 =	simm.s32 $0x200  }
0xfe: {  	[tilespmem:s29], [sflag:$0x4] =	stream.indirect.gather [hbm4b:s6+s25], $0x40, s0, s25, $0xb8;
	[tilespmem:$0x18600] =	vst v63  }
0xff: {  	s0 =	simm.s32 $0x500;
	s29 =	simm.s32 $0x14600  }
0x100: {  	[tilespmem:s29], [sflag:$0x4] =	stream.indirect.gather [hbm4b:s6+s25], $0x40, s0, s25, $0xb8;
	[tilespmem:$0x18600] =	vst v63  }
0x101: {  	s0 =	simm.s32 $0x280;
	s29 =	simm.s32 $0xA600  }
0x102: {  	[tilespmem:s29], [sflag:$0x4] =	stream.indirect.gather [hbm4b:s6+s25], $0x40, s0, s25, $0xb8;
	[tilespmem:$0x18600] =	vst v63  }
0x103: {  	s0 =	simm.s32 $0x580;
	s29 =	simm.s32 $0x16600  }
0x104: {  	[tilespmem:s29], [sflag:$0x4] =	stream.indirect.gather [hbm4b:s6+s25], $0x40, s0, s25, $0xb8;
	[tilespmem:$0x18600] =	vst v63  }
0x105: {  	_ =	swait.ge [sflag:s18], $0x2000  }
0x106: {  	[sflag:s18] =	ssyncset.done $0x0  }
0x107: {  	[sflag:s18] =	ssyncadd.s32 $0xFFFFE000  }
0x108: {  	_ =	swait.ge [sflag:s18], $0x2000  }
0x109: {  	[sflag:s18] =	ssyncset.done $0x0  }
0x10a: {  	[sflag:s18] =	ssyncadd.s32 $0xFFFFE000  }
0x10b: {  	_ =	swait.ge [sflag:s18], $0x2000  }
0x10c: {  	[sflag:s18] =	ssyncset.done $0x0  }
0x10d: {  	[sflag:s18] =	ssyncadd.s32 $0xFFFFE000  }
0x10e: {  	_ =	swait.ge [sflag:s18], $0x2000  }
0x10f: {  	[sflag:s18] =	ssyncset.done $0x0  }
0x110: {  	[sflag:s18] =	ssyncadd.s32 $0xFFFFE000  }
0x111: {  	_ =	swait.ge [sflag:s18], $0x2000  }
0x112: {  	[sflag:s18] =	ssyncset.done $0x0  }
0x113: {  	[sflag:s18] =	ssyncadd.s32 $0xFFFFE000  }
0x114: {  	s0 =	sadd.s32 s28, s17;
	_ =	swait.ge [sflag:s18], $0x2000  }
0x115: {  	s0 =	sshrl.u32 s0, $0x3;
	[sflag:s18] =	ssyncset.done $0x0  }
0x116: {  	s29 =	sadd.s32 s4, s0;
	[sflag:s18] =	ssyncadd.s32 $0xFFFFE000  }
0x117: {  	[tilespmem:s3], [sflag:$0x1] =	stream.linear.gather [hbm4b:s29+s3], $0x180, $0x38;
	[tilespmem:$0x18600] =	vst v63  }
0x118: {  	s0 =	sadd.s32 s5, s0;
	s29 =	simm.s32 $0x640  }
0x119: {  	[tilespmem:s21], [sflag:$0x1] =	stream.linear.gather [hbm4b:s0+s3], $0x180, $0x38;
	[tilespmem:$0x18600] =	vst v63  }
0x11a: {  	s30 =	simm.s32 $0xC640;
	v0 =	vld [tilespmem:s29+$0xFFFFFFC0]  }
0x11b: {  	v1 =	vld [tilespmem:s30+$0xFFFFFFC0];
	_ =	sdelay $0x4  }
0x11c: {  	v0 =	vadd.f32 v1, v0;
	_ =	sdelay $0x1  }
0x11d: {  	v0 =	vmul.f32 $5.000000000e-01, v0;
	_ =	sdelay $0x1  }
0x11e: {  	[tilespmem:s29+$0xFFFFFFC0] =	vst v0;
	v0 =	vld [tilespmem:s29+$0xFFFFFFD0]  }
0x11f: {  	v1 =	vld [tilespmem:s30+$0xFFFFFFD0];
	_ =	sdelay $0x4  }
0x120: {  	v0 =	vadd.f32 v1, v0;
	_ =	sdelay $0x1  }
0x121: {  	v0 =	vmul.f32 $5.000000000e-01, v0;
	_ =	sdelay $0x1  }
0x122: {  	[tilespmem:s29+$0xFFFFFFD0] =	vst v0;
	v0 =	vld [tilespmem:s29+$0xFFFFFFE0]  }
0x123: {  	v1 =	vld [tilespmem:s30+$0xFFFFFFE0];
	_ =	sdelay $0x4  }
0x124: {  	v0 =	vadd.f32 v1, v0;
	_ =	sdelay $0x1  }
0x125: {  	v0 =	vmul.f32 $5.000000000e-01, v0;
	_ =	sdelay $0x1  }
0x126: {  	[tilespmem:s29+$0xFFFFFFE0] =	vst v0;
	v0 =	vld [tilespmem:s29+$0xFFFFFFF0]  }
0x127: {  	v1 =	vld [tilespmem:s30+$0xFFFFFFF0];
	_ =	sdelay $0x4  }
0x128: {  	v0 =	vadd.f32 v1, v0;
	_ =	sdelay $0x1  }
0x129: {  	v0 =	vmul.f32 $5.000000000e-01, v0;
	_ =	sdelay $0x1  }
0x12a: {  	[tilespmem:s29+$0xFFFFFFF0] =	vst v0;
	v0 =	vld [tilespmem:s29+$0x0]  }
0x12b: {  	v1 =	vld [tilespmem:s30+$0x0];
	_ =	sdelay $0x4  }
0x12c: {  	v0 =	vadd.f32 v1, v0;
	_ =	sdelay $0x1  }
0x12d: {  	v0 =	vmul.f32 $5.000000000e-01, v0;
	_ =	sdelay $0x1  }
0x12e: {  	[tilespmem:s29+$0x0] =	vst v0;
	v0 =	vld [tilespmem:s29+$0x10]  }
0x12f: {  	v1 =	vld [tilespmem:s30+$0x10];
	_ =	sdelay $0x4  }
0x130: {  	v0 =	vadd.f32 v1, v0;
	_ =	sdelay $0x1  }
0x131: {  	v0 =	vmul.f32 $5.000000000e-01, v0;
	_ =	sdelay $0x1  }
0x132: {  	[tilespmem:s29+$0x10] =	vst v0;
	v0 =	vld [tilespmem:s29+$0x20]  }
0x133: {  	v1 =	vld [tilespmem:s30+$0x20];
	_ =	sdelay $0x4  }
0x134: {  	v0 =	vadd.f32 v1, v0;
	_ =	sdelay $0x1  }
0x135: {  	v0 =	vmul.f32 $5.000000000e-01, v0;
	_ =	sdelay $0x1  }
0x136: {  	[tilespmem:s29+$0x20] =	vst v0;
	v0 =	vld [tilespmem:s29+$0x30]  }
0x137: {  	v1 =	vld [tilespmem:s30+$0x30];
	_ =	sdelay $0x4  }
0x138: {  	v0 =	vadd.f32 v1, v0;
	_ =	sdelay $0x1  }
0x139: {  	v0 =	vmul.f32 $5.000000000e-01, v0  }
0x13a: {  	s31 =	simm.s32 $0x0;
	s0 =	simm.s32 $0x6C0  }
.LBB2_7:
0x13b: {  	v1 =	vld [tilespmem:s0+$0xFFFFFFC0];
	[tilespmem:s29+$0x30] =	vst v0;
	s30 =	sadd.s32 $0x80, s30;
	s29 =	smov.u32 s0  }
0x13c: {  	s31 =	sadd.s32 $0x2, s31;
	v0 =	vld [tilespmem:s30+$0xFFFFFFC0]  }
0x13d: {  	p0 =	slt.u32 s31, $0x17E;
	_ =	sdelay $0x3  }
0x13e: {  	v0 =	vadd.f32 v0, v1;
	_ =	sdelay $0x1  }
0x13f: {  	v0 =	vmul.f32 $5.000000000e-01, v0;
	_ =	sdelay $0x1  }
0x140: {  	[tilespmem:s0+$0xFFFFFFC0] =	vst v0;
	v0 =	vld [tilespmem:s0+$0xFFFFFFD0]  }
0x141: {  	v1 =	vld [tilespmem:s30+$0xFFFFFFD0];
	_ =	sdelay $0x4  }
0x142: {  	v0 =	vadd.f32 v1, v0;
	_ =	sdelay $0x1  }
0x143: {  	v0 =	vmul.f32 $5.000000000e-01, v0;
	_ =	sdelay $0x1  }
0x144: {  	[tilespmem:s0+$0xFFFFFFD0] =	vst v0;
	v0 =	vld [tilespmem:s0+$0xFFFFFFE0]  }
0x145: {  	v1 =	vld [tilespmem:s30+$0xFFFFFFE0];
	_ =	sdelay $0x4  }
0x146: {  	v0 =	vadd.f32 v1, v0;
	_ =	sdelay $0x1  }
0x147: {  	v0 =	vmul.f32 $5.000000000e-01, v0;
	_ =	sdelay $0x1  }
0x148: {  	[tilespmem:s0+$0xFFFFFFE0] =	vst v0;
	v0 =	vld [tilespmem:s0+$0xFFFFFFF0]  }
0x149: {  	v1 =	vld [tilespmem:s30+$0xFFFFFFF0];
	_ =	sdelay $0x4  }
0x14a: {  	v0 =	vadd.f32 v1, v0;
	_ =	sdelay $0x1  }
0x14b: {  	v0 =	vmul.f32 $5.000000000e-01, v0;
	_ =	sdelay $0x1  }
0x14c: {  	[tilespmem:s0+$0xFFFFFFF0] =	vst v0;
	v0 =	vld [tilespmem:s0+$0x0]  }
0x14d: {  	v1 =	vld [tilespmem:s30+$0x0];
	_ =	sdelay $0x4  }
0x14e: {  	v0 =	vadd.f32 v1, v0;
	_ =	sdelay $0x1  }
0x14f: {  	v0 =	vmul.f32 $5.000000000e-01, v0;
	_ =	sdelay $0x1  }
0x150: {  	[tilespmem:s0+$0x0] =	vst v0;
	v0 =	vld [tilespmem:s0+$0x10]  }
0x151: {  	v1 =	vld [tilespmem:s30+$0x10];
	_ =	sdelay $0x4  }
0x152: {  	v0 =	vadd.f32 v1, v0;
	_ =	sdelay $0x1  }
0x153: {  	v0 =	vmul.f32 $5.000000000e-01, v0;
	_ =	sdelay $0x1  }
0x154: {  	[tilespmem:s0+$0x10] =	vst v0;
	v0 =	vld [tilespmem:s0+$0x20]  }
0x155: {  	v1 =	vld [tilespmem:s30+$0x20];
	_ =	sdelay $0x4  }
0x156: {  	v0 =	vadd.f32 v1, v0;
	_ =	sdelay $0x1  }
0x157: {  	v0 =	vmul.f32 $5.000000000e-01, v0;
	_ =	sdelay $0x1  }
0x158: {  	[tilespmem:s0+$0x20] =	vst v0;
	v0 =	vld [tilespmem:s0+$0x30]  }
0x159: {  	v1 =	vld [tilespmem:s30+$0x30];
	_ =	sdelay $0x3  }
.Ltmp2:
0x15a: {  	(pc) =	sbr.rel @p0 .LBB2_7-.Ltmp2, $3  }
0x15b: {  	v0 =	vadd.f32 v1, v0;
	_ =	sdelay $0x1  }
0x15c: {  	v0 =	vmul.f32 $5.000000000e-01, v0  }
0x15d: {  	s0 =	sadd.s32 $0x80, s0  }
0x15e: {  	s15 =	sadd.s32 $0x1, s15  }
0x15f: {  	p0 =	sne.s32 s15, $0x27  }
.Ltmp3:
0x160: {  	s0 =	sadd.s32 s28, s10;
	(pc) =	sbr.rel @p0 .LBB2_4-.Ltmp3, $4  }
0x161: {  	s0 =	sshll.u32 s0, $0x3  }
0x162: {  	s0 =	sand.u32 $0x1FFFFC00, s0  }
0x163: {  	[tilespmem:s29+$0x30] =	vst v0;
	s0 =	sadd.s32 s2, s0  }
0x164: {  	[hbm4b:s0+s3] =	stream.linear.scatter [tilespmem:s26], [sflag:$0x5], $0x6000, $0x38;
	[tilespmem:$0x18600] =	vst v63  }
0x165: {  	_ =	swait.ge [sflag:s19], $0x6000  }
0x166: {  	[sflag:s19] =	ssyncset.done $0x0  }
0x167: {  	[sflag:s19] =	ssyncadd.s32 $0xFFFFA000  }
0x168: {  	_ =	swait.ge [sflag:s24], $0x180  }
0x169: {  	[sflag:s24] =	ssyncset.done $0x0  }
0x16a: {  	[sflag:s24] =	ssyncadd.s32 $0xFFFFFE80  }
0x16b: {  	_ =	swait.ge [sflag:s24], $0x180  }
0x16c: {  	[sflag:s24] =	ssyncset.done $0x0  }
0x16d: {  	s0 =	simm.s32 $0x0;
	[sflag:s24] =	ssyncadd.s32 $0xFFFFFE80  }
0x16e: {  	[tilespmem:s26], [sflag:$0x3] =	stream.indirect.gather [hbm4b:s6+s25], $0x40, s0, s25, $0xb8;
	[tilespmem:$0x18600] =	vst v63  }
0x16f: {  	s28 =	simm.s32 $0xC600  }
0x170: {  	[tilespmem:s28], [sflag:$0x3] =	stream.indirect.gather [hbm4b:s6+s25], $0x40, s21, s25, $0xb8;
	[tilespmem:$0x18600] =	vst v63  }
0x171: {  	s29 =	simm.s32 $0x2600  }
0x172: {  	[tilespmem:s29], [sflag:$0x3] =	stream.indirect.gather [hbm4b:s6+s25], $0x40, s25, s25, $0xb8;
	[tilespmem:$0x18600] =	vst v63  }
0x173: {  	s30 =	simm.s32 $0x380;
	s14 =	simm.s32 $0xE600  }
0x174: {  	[tilespmem:s14], [sflag:$0x3] =	stream.indirect.gather [hbm4b:s6+s25], $0x40, s30, s25, $0xb8;
	[tilespmem:$0x18600] =	vst v63  }
0x175: {  	s31 =	simm.s32 $0x100  }
0x176: {  	[tilespmem:s1], [sflag:$0x3] =	stream.indirect.gather [hbm4b:s6+s25], $0x40, s31, s25, $0xb8;
	[tilespmem:$0x18600] =	vst v63  }
0x177: {  	_ = 	snop  }
0x178: {  	[tilespmem:s8], [sflag:$0x3] =	stream.indirect.gather [hbm4b:s6+s25], $0x40, s7, s25, $0xb8;
	[tilespmem:$0x18600] =	vst v63  }
0x179: {  	_ =	swait.ge [sflag:s20], $0x2000  }
0x17a: {  	[sflag:s20] =	ssyncset.done $0x0  }
0x17b: {  	[sflag:s20] =	ssyncadd.s32 $0xFFFFE000  }
0x17c: {  	_ =	swait.ge [sflag:s20], $0x2000  }
0x17d: {  	[sflag:s20] =	ssyncset.done $0x0  }
0x17e: {  	[sflag:s20] =	ssyncadd.s32 $0xFFFFE000  }
0x17f: {  	_ =	swait.ge [sflag:s20], $0x2000  }
0x180: {  	[sflag:s20] =	ssyncset.done $0x0  }
0x181: {  	[sflag:s20] =	ssyncadd.s32 $0xFFFFE000  }
0x182: {  	_ =	swait.ge [sflag:s20], $0x2000  }
0x183: {  	[sflag:s20] =	ssyncset.done $0x0  }
0x184: {  	[sflag:s20] =	ssyncadd.s32 $0xFFFFE000  }
0x185: {  	_ =	swait.ge [sflag:s20], $0x2000  }
0x186: {  	[sflag:s20] =	ssyncset.done $0x0  }
0x187: {  	[sflag:s20] =	ssyncadd.s32 $0xFFFFE000  }
0x188: {  	_ =	swait.ge [sflag:s20], $0x2000  }
0x189: {  	[sflag:s20] =	ssyncset.done $0x0  }
0x18a: {  	s0 =	simm.s32 $0x0;
	[sflag:s20] =	ssyncadd.s32 $0xFFFFE000  }
0x18b: {  	v0 =	vld [tilespmem:s0+$0x12670]  }
0x18c: {  	v5 =	vld [tilespmem:s0+$0x6640]  }
0x18d: {  	v1 =	vld [tilespmem:s0+$0x6670]  }
0x18e: {  	v4 =	vld [tilespmem:s0+$0x12660]  }
0x18f: {  	v6 =	vld [tilespmem:s0+$0x12650]  }
0x190: {  	v7 =	vld [tilespmem:s0+$0x6660]  }
0x191: {  	v8 =	vld [tilespmem:s0+$0x6650]  }
0x192: {  	v9 =	vld [tilespmem:s0+$0x12640]  }
0x193: {  	v2 =	vld [tilespmem:s0+$0x12610];
	v0 =	vadd.f32 v0, v1  }
0x194: {  	v3 =	vld [tilespmem:s0+$0x6610]  }
0x195: {  	v1 =	vld [tilespmem:s0+$0x12620];
	v7 =	vadd.f32 v4, v7;
	v10 =	vmul.f32 $5.000000000e-01, v0  }
0x196: {  	v4 =	vld [tilespmem:s0+$0x12600]  }
0x197: {  	v8 =	vadd.f32 v6, v8;
	v9 =	vadd.f32 v9, v5;
	v6 =	vld [tilespmem:s0+$0x12630];
	[tilespmem:s0+$0x6670] =	vst v10;
	v10 =	vmul.f32 $5.000000000e-01, v7  }
0x198: {  	v7 =	vld [tilespmem:s0+$0x6620]  }
0x199: {  	s15 =	simm.s32 $0x200;
	s14 =	simm.s32 $0x0;
	v0 =	vld [tilespmem:s0+$0x6630];
	v5 =	vmul.f32 $5.000000000e-01, v8;
	v8 =	vmul.f32 $5.000000000e-01, v9;
	[tilespmem:s0+$0x6660] =	vst v10  }
.LBB2_10:
0x19a: {  	s28 =	sshra.s32 s15, $0x2;
	s14 =	sadd.s32 $0x2, s14;
	v9 =	vld [tilespmem:s0+$0x6600]  }
0x19b: {  	v10 =	vld [tilespmem:s28+$0x12670];
	p0 =	slt.u32 s14, $0x17E;
	[tilespmem:s0+$0x6640] =	vst v8  }
0x19c: {  	v8 =	vld [tilespmem:s28+$0x6640]  }
0x19d: {  	v11 =	vld [tilespmem:s28+$0x6670];
	v1 =	vadd.f32 v1, v7  }
0x19e: {  	v2 =	vadd.f32 v2, v3;
	v7 =	vld [tilespmem:s28+$0x12660]  }
0x19f: {  	v0 =	vadd.f32 v6, v0;
	v12 =	vld [tilespmem:s28+$0x12650];
	v3 =	vadd.f32 v4, v9;
	v1 =	vmul.f32 $5.000000000e-01, v1;
	[tilespmem:s0+$0x6650] =	vst v5  }
0x1a0: {  	v2 =	vmul.f32 $5.000000000e-01, v2;
	v4 =	vld [tilespmem:s28+$0x6660]  }
0x1a1: {  	v0 =	vmul.f32 $5.000000000e-01, v0;
	v5 =	vld [tilespmem:s28+$0x6650];
	v3 =	vmul.f32 $5.000000000e-01, v3;
	[tilespmem:s0+$0x6620] =	vst v1  }
0x1a2: {  	v6 =	vld [tilespmem:s28+$0x12640];
	v9 =	vadd.f32 v10, v11;
	[tilespmem:s0+$0x6610] =	vst v2  }
0x1a3: {  	v1 =	vld [tilespmem:s28+$0x12620];
	[tilespmem:s0+$0x6600] =	vst v3  }
0x1a4: {  	v2 =	vld [tilespmem:s28+$0x12610];
	v9 =	vmul.f32 $5.000000000e-01, v9;
	[tilespmem:s0+$0x6630] =	vst v0;
	s0 =	smov.u32 s28  }
.Ltmp4:
0x1a5: {  	v0 =	vld [tilespmem:s0+$0x6630];
	v7 =	vadd.f32 v7, v4;
	(pc) =	sbr.rel @p0 .LBB2_10-.Ltmp4, $4  }
0x1a6: {  	v3 =	vld [tilespmem:s0+$0x6610];
	v5 =	vadd.f32 v12, v5;
	[tilespmem:s0+$0x6670] =	vst v9  }
0x1a7: {  	v4 =	vld [tilespmem:s0+$0x12600];
	v8 =	vadd.f32 v6, v8;
	v9 =	vmul.f32 $5.000000000e-01, v7  }
0x1a8: {  	v7 =	vld [tilespmem:s0+$0x6620];
	v5 =	vmul.f32 $5.000000000e-01, v5  }
0x1a9: {  	s15 =	sadd.s32 $0x200, s15;
	v6 =	vld [tilespmem:s0+$0x12630];
	v8 =	vmul.f32 $5.000000000e-01, v8;
	[tilespmem:s0+$0x6660] =	vst v9  }
0x1aa: {  	v9 =	vld [tilespmem:s0+$0x6600];
	_ =	sdelay $0x1  }
0x1ab: {  	v2 =	vadd.f32 v2, v3  }
0x1ac: {  	v1 =	vadd.f32 v1, v7  }
0x1ad: {  	[tilespmem:s0+$0x6650] =	vst v5;
	v2 =	vmul.f32 $5.000000000e-01, v2;
	v0 =	vadd.f32 v6, v0  }
0x1ae: {  	[tilespmem:s0+$0x6640] =	vst v8;
	v3 =	vadd.f32 v4, v9;
	v1 =	vmul.f32 $5.000000000e-01, v1  }
0x1af: {  	[tilespmem:s0+$0x6610] =	vst v2;
	v0 =	vmul.f32 $5.000000000e-01, v0  }
0x1b0: {  	v3 =	vmul.f32 $5.000000000e-01, v3;
	[tilespmem:s0+$0x6620] =	vst v1  }
0x1b1: {  	[tilespmem:s0+$0x6630] =	vst v0  }
0x1b2: {  	s31 =	rddreg [dreg:$0xa];
	[tilespmem:s0+$0x6600] =	vst v3  }
0x1b3: {  	[hbm4b:s31+s3] =	stream.linear.scatter [tilespmem:s12], [sflag:$0x6], $0x6000, $0x38;
	[tilespmem:$0x18600] =	vst v63  }
0x1b4: {  	_ =	swait.ge [sflag:s18], $0x2000  }
0x1b5: {  	[sflag:s18] =	ssyncset.done $0x0  }
0x1b6: {  	[sflag:s18] =	ssyncadd.s32 $0xFFFFE000  }
0x1b7: {  	_ =	swait.ge [sflag:s18], $0x2000  }
0x1b8: {  	[sflag:s18] =	ssyncset.done $0x0  }
0x1b9: {  	[sflag:s18] =	ssyncadd.s32 $0xFFFFE000  }
0x1ba: {  	_ =	swait.ge [sflag:s18], $0x2000  }
0x1bb: {  	[sflag:s18] =	ssyncset.done $0x0  }
0x1bc: {  	[sflag:s18] =	ssyncadd.s32 $0xFFFFE000  }
0x1bd: {  	_ =	swait.ge [sflag:s18], $0x2000  }
0x1be: {  	[sflag:s18] =	ssyncset.done $0x0  }
0x1bf: {  	[sflag:s18] =	ssyncadd.s32 $0xFFFFE000  }
0x1c0: {  	_ =	swait.ge [sflag:s18], $0x2000  }
0x1c1: {  	[sflag:s18] =	ssyncset.done $0x0  }
0x1c2: {  	[sflag:s18] =	ssyncadd.s32 $0xFFFFE000  }
0x1c3: {  	_ =	swait.ge [sflag:s18], $0x2000  }
0x1c4: {  	[sflag:s18] =	ssyncset.done $0x0  }
0x1c5: {  	s14 =	simm.s32 $0x640;
	[sflag:s18] =	ssyncadd.s32 $0xFFFFE000  }
0x1c6: {  	s15 =	simm.s32 $0xC640;
	v0 =	vld [tilespmem:s14+$0xFFFFFFC0]  }
0x1c7: {  	v1 =	vld [tilespmem:s15+$0xFFFFFFC0];
	_ =	sdelay $0x4  }
0x1c8: {  	v0 =	vadd.f32 v1, v0;
	_ =	sdelay $0x1  }
0x1c9: {  	v0 =	vmul.f32 $5.000000000e-01, v0;
	_ =	sdelay $0x1  }
0x1ca: {  	[tilespmem:s14+$0xFFFFFFC0] =	vst v0;
	v0 =	vld [tilespmem:s14+$0xFFFFFFD0]  }
0x1cb: {  	v1 =	vld [tilespmem:s15+$0xFFFFFFD0];
	_ =	sdelay $0x4  }
0x1cc: {  	v0 =	vadd.f32 v1, v0;
	_ =	sdelay $0x1  }
0x1cd: {  	v0 =	vmul.f32 $5.000000000e-01, v0;
	_ =	sdelay $0x1  }
0x1ce: {  	[tilespmem:s14+$0xFFFFFFD0] =	vst v0;
	v0 =	vld [tilespmem:s14+$0xFFFFFFE0]  }
0x1cf: {  	v1 =	vld [tilespmem:s15+$0xFFFFFFE0];
	_ =	sdelay $0x4  }
0x1d0: {  	v0 =	vadd.f32 v1, v0;
	_ =	sdelay $0x1  }
0x1d1: {  	v0 =	vmul.f32 $5.000000000e-01, v0;
	_ =	sdelay $0x1  }
0x1d2: {  	[tilespmem:s14+$0xFFFFFFE0] =	vst v0;
	v0 =	vld [tilespmem:s14+$0xFFFFFFF0]  }
0x1d3: {  	v1 =	vld [tilespmem:s15+$0xFFFFFFF0];
	_ =	sdelay $0x4  }
0x1d4: {  	v0 =	vadd.f32 v1, v0;
	_ =	sdelay $0x1  }
0x1d5: {  	v0 =	vmul.f32 $5.000000000e-01, v0;
	_ =	sdelay $0x1  }
0x1d6: {  	[tilespmem:s14+$0xFFFFFFF0] =	vst v0;
	v0 =	vld [tilespmem:s14+$0x0]  }
0x1d7: {  	v1 =	vld [tilespmem:s15+$0x0];
	_ =	sdelay $0x4  }
0x1d8: {  	v0 =	vadd.f32 v1, v0;
	_ =	sdelay $0x1  }
0x1d9: {  	v0 =	vmul.f32 $5.000000000e-01, v0;
	_ =	sdelay $0x1  }
0x1da: {  	[tilespmem:s14+$0x0] =	vst v0;
	v0 =	vld [tilespmem:s14+$0x10]  }
0x1db: {  	v1 =	vld [tilespmem:s15+$0x10];
	_ =	sdelay $0x4  }
0x1dc: {  	v0 =	vadd.f32 v1, v0;
	_ =	sdelay $0x1  }
0x1dd: {  	v0 =	vmul.f32 $5.000000000e-01, v0;
	_ =	sdelay $0x1  }
0x1de: {  	[tilespmem:s14+$0x10] =	vst v0;
	v0 =	vld [tilespmem:s14+$0x20]  }
0x1df: {  	v1 =	vld [tilespmem:s15+$0x20];
	_ =	sdelay $0x4  }
0x1e0: {  	v0 =	vadd.f32 v1, v0;
	_ =	sdelay $0x1  }
0x1e1: {  	v0 =	vmul.f32 $5.000000000e-01, v0;
	_ =	sdelay $0x1  }
0x1e2: {  	[tilespmem:s14+$0x20] =	vst v0;
	v0 =	vld [tilespmem:s14+$0x30]  }
0x1e3: {  	v1 =	vld [tilespmem:s15+$0x30];
	_ =	sdelay $0x4  }
0x1e4: {  	v0 =	vadd.f32 v1, v0;
	_ =	sdelay $0x1  }
0x1e5: {  	v0 =	vmul.f32 $5.000000000e-01, v0  }
0x1e6: {  	s28 =	simm.s32 $0x0;
	s0 =	simm.s32 $0x6C0  }
.LBB2_12:
0x1e7: {  	v1 =	vld [tilespmem:s0+$0xFFFFFFC0];
	[tilespmem:s14+$0x30] =	vst v0;
	s15 =	sadd.s32 $0x80, s15;
	s14 =	smov.u32 s0  }
0x1e8: {  	s28 =	sadd.s32 $0x2, s28;
	v0 =	vld [tilespmem:s15+$0xFFFFFFC0]  }
0x1e9: {  	p0 =	slt.u32 s28, $0x17E;
	_ =	sdelay $0x3  }
0x1ea: {  	v0 =	vadd.f32 v0, v1;
	_ =	sdelay $0x1  }
0x1eb: {  	v0 =	vmul.f32 $5.000000000e-01, v0;
	_ =	sdelay $0x1  }
0x1ec: {  	[tilespmem:s0+$0xFFFFFFC0] =	vst v0;
	v0 =	vld [tilespmem:s0+$0xFFFFFFD0]  }
0x1ed: {  	v1 =	vld [tilespmem:s15+$0xFFFFFFD0];
	_ =	sdelay $0x4  }
0x1ee: {  	v0 =	vadd.f32 v1, v0;
	_ =	sdelay $0x1  }
0x1ef: {  	v0 =	vmul.f32 $5.000000000e-01, v0;
	_ =	sdelay $0x1  }
0x1f0: {  	[tilespmem:s0+$0xFFFFFFD0] =	vst v0;
	v0 =	vld [tilespmem:s0+$0xFFFFFFE0]  }
0x1f1: {  	v1 =	vld [tilespmem:s15+$0xFFFFFFE0];
	_ =	sdelay $0x4  }
0x1f2: {  	v0 =	vadd.f32 v1, v0;
	_ =	sdelay $0x1  }
0x1f3: {  	v0 =	vmul.f32 $5.000000000e-01, v0;
	_ =	sdelay $0x1  }
0x1f4: {  	[tilespmem:s0+$0xFFFFFFE0] =	vst v0;
	v0 =	vld [tilespmem:s0+$0xFFFFFFF0]  }
0x1f5: {  	v1 =	vld [tilespmem:s15+$0xFFFFFFF0];
	_ =	sdelay $0x4  }
0x1f6: {  	v0 =	vadd.f32 v1, v0;
	_ =	sdelay $0x1  }
0x1f7: {  	v0 =	vmul.f32 $5.000000000e-01, v0;
	_ =	sdelay $0x1  }
0x1f8: {  	[tilespmem:s0+$0xFFFFFFF0] =	vst v0;
	v0 =	vld [tilespmem:s0+$0x0]  }
0x1f9: {  	v1 =	vld [tilespmem:s15+$0x0];
	_ =	sdelay $0x4  }
0x1fa: {  	v0 =	vadd.f32 v1, v0;
	_ =	sdelay $0x1  }
0x1fb: {  	v0 =	vmul.f32 $5.000000000e-01, v0;
	_ =	sdelay $0x1  }
0x1fc: {  	[tilespmem:s0+$0x0] =	vst v0;
	v0 =	vld [tilespmem:s0+$0x10]  }
0x1fd: {  	v1 =	vld [tilespmem:s15+$0x10];
	_ =	sdelay $0x4  }
0x1fe: {  	v0 =	vadd.f32 v1, v0;
	_ =	sdelay $0x1  }
0x1ff: {  	v0 =	vmul.f32 $5.000000000e-01, v0;
	_ =	sdelay $0x1  }
0x200: {  	[tilespmem:s0+$0x10] =	vst v0;
	v0 =	vld [tilespmem:s0+$0x20]  }
0x201: {  	v1 =	vld [tilespmem:s15+$0x20];
	_ =	sdelay $0x4  }
0x202: {  	v0 =	vadd.f32 v1, v0;
	_ =	sdelay $0x1  }
0x203: {  	v0 =	vmul.f32 $5.000000000e-01, v0;
	_ =	sdelay $0x1  }
0x204: {  	[tilespmem:s0+$0x20] =	vst v0;
	v0 =	vld [tilespmem:s0+$0x30]  }
0x205: {  	v1 =	vld [tilespmem:s15+$0x30];
	_ =	sdelay $0x3  }
.Ltmp5:
0x206: {  	(pc) =	sbr.rel @p0 .LBB2_12-.Ltmp5, $3  }
0x207: {  	v0 =	vadd.f32 v1, v0;
	_ =	sdelay $0x1  }
0x208: {  	v0 =	vmul.f32 $5.000000000e-01, v0  }
0x209: {  	s0 =	sadd.s32 $0x80, s0  }
0x20a: {  	[tilespmem:s14+$0x30] =	vst v0;
	s0 =	rddreg [dreg:$0xb]  }
0x20b: {  	[hbm4b:s0+s3] =	stream.linear.scatter [tilespmem:s26], [sflag:$0x5], $0x6000, $0x38;
	[tilespmem:$0x18600] =	vst v63  }
0x20c: {  	_ =	swait.ge [sflag:s13], $0x6000  }
0x20d: {  	[sflag:s13] =	ssyncset.done $0x0  }
0x20e: {  	[sflag:s13] =	ssyncadd.s32 $0xFFFFA000  }
0x20f: {  	_ =	swait.ge [sflag:s19], $0x6000  }
0x210: {  	s30 =	rddreg [dreg:$0xd]  }
0x211: {  	s31 =	rddreg [dreg:$0xc];
	s14 =	sadd.s32 $0x1, s30  }
0x212: {  	p0 =	sne.s32 s14, s31  }
.Ltmp6:
0x213: {  	_ = 	snop;
	(pc) =	sbr.rel @p0 .LBB2_1-.Ltmp6, $3  }
0x214: {  	_ =	sdelay $0x1  }
0x215: {  	[sflag:s19] =	ssyncset.done $0x0  }
0x216: {  	[sflag:s19] =	ssyncadd.s32 $0xFFFFA000  }
0x217: {  	_ =	sfence.sel $0x180000  }
0x218: {  	[bflag:$0x0] =	sbarrier.arrive $0xFFFF  }
0x219: {  	_ =	strace $0x90000047  }
0x21a: {  	s0 =	stileid.u32;
	[bflag:$0x2] =	sbarrier.arrive $0xFFFF  }
0x21b: {  	p0 =	sne.s32 s0, $0x0;
	s0 =	rddreg [dreg:$0x2]  }
0x21c: {  	s0 =	sadd.s32 @!p0 $0x100000, s0  }
0x21d: {  	[sflag:s0] =	ssyncadd.tile.s32 @!p0 $0x1;
	_ =	shalt  }
.Lfunc_end2:
_tile_overlayer_lowered:
.L_overlay_start_2:
0x21e: {  	(tag) =	ssettag $0x2  }
0x21f: {  	s0 =	rddreg [dreg:$0x0];
	s2 =	stileid.u32  }
0x220: {  	s1 =	rddreg [dreg:$0x1];
	p0 =	sne.s32 s2, $0x0  }
0x221: {  	s3 =	rddreg [dreg:$0x2];
	[bflag:$0x3] =	sbarrier.arrive $0xFFFF;
	s2 =	simm.s32 @!p0 $0x1C07  }
0x222: {  	[timem:s3], [sflag:s2] =	dma.local @!p0 [hbm:s0], s1  }
0x223: {  	s0 =	simm.s32 @!p0 $0x7  }
0x224: {  	_ =	swait.ge @!p0 [sflag:s0], s1  }
0x225: {  	s1 =	ssub.s32 @!p0 $0x0, s1;
	[sflag:s0] =	ssyncset.done @!p0 $0x0  }
0x226: {  	[sflag:s0] =	ssyncadd.s32 @!p0 s1  }
0x227: {  	[bflag:$0x3] =	sbarrier.arrive $0xFFFF  }
0x228: {  	_ =	shalt  }

// kernel: sparse-core-data-format-call.cloned.1.call-start
scs
called_computation_lowered:
.L_overlay_start_0:
0x0: {  	s2 =	sld [smem:$0x3FD9]  }
0x1: {  	s3 =	sld [smem:$0x3FFE];
	_ =	sdelay $0x1  }
0x2: {  	s1 =	srdreg.scid  }
0x3: {  	s0 =	sand.u32 $0x1, s1  }
0x4: {  	s18 =	sshll.u32 s0, $0xA;
	s2 =	sadd.s32 s3, s2  }
0x5: {  	s2 =	sadd.s32 s2, s18  }
0x6: {  	[smem:$0x3FC6] =	sst s2  }
0x7: {  	_ = 	snop  }
0x8: {  	s2 =	sld [smem:$0x3FD0];
	(tm) =	ssettm $0x1  }
0x9: {  	s19 =	sld [smem:$0x3FFB];
	_ =	sdelay $0x3  }
0xa: {  	_ =	strace s19  }
0xb: {  	s3 =	sld [smem:$0x3FFC];
	_ =	sdelay $0x3  }
0xc: {  	_ =	strace s3  }
0xd: {  	s3 =	sld [smem:$0x3FFD];
	_ =	sdelay $0x3  }
0xe: {  	_ =	strace s3  }
0xf: {  	_ =	strace $0x8FFFFFFF  }
0x10: {  	s20 =	sld [smem:$0x3FDB];
	_ =	sdelay $0x1  }
0x11: {  	s4 =	simm.s32 $_scs_section_size  }
0x12: {  	s5 =	simm.s32 $_size__tile_overlayer_lowered;
	s6 =	simm.s32 $_tile_overlayer_lowered  }
0x13: {  	s23 =	simm.s32 $0x1BFF;
	s22 =	sshll.u32 s6, $0x1;
	s3 =	sadd.s32 s4, s20  }
0x14: {  	s7 =	simm.s32 $0x0;
	s21 =	sshll.u32 s5, $0x1;
	s5 =	sadd.s32 s22, s3  }
0x15: {  	[timem:s7], [sflag:s23] =	dma.local [hbm:s5], s21  }
0x16: {  	_ =	swait.ge [sflag:s23], s21  }
0x17: {  	s4 =	ssub.s32 $0x0, s21;
	[sflag:s23] =	ssyncset.done $0x0  }
0x18: {  	[sflag:s23] =	ssyncadd.s32 s4;
	_ =	sdelay $0x1  }
0x19: {  	s24 =	simm.s32 $0x1B8B  }
0x1a: {  	_ =	swait.ge [sflag:s24], $0x1  }
0x1b: {  	[sflag:s24] =	ssyncset.done $0x0  }
0x1c: {  	s26 =	simm.s32 $0x1B8E;
	s25 =	sld [smem:$0x3FFE];
	[sflag:s24] =	ssyncadd.s32 $0xFFFFFFFF  }
0x1d: {  	s27 =	simm.s32 $execute0_lowered;
	[smem:$0x3FD2] =	sst s26  }
0x1e: {  	s5 =	sshll.u32 s27, $0x1;
	_ =	strace $0x80000049;
	[dreg:$0x1] =	wrdreg $0xFFFFFFFF  }
0x1f: {  	s28 =	simm.s32 $_size_execute0_lowered;
	s3 =	sadd.s32 s3, s5;
	[dreg:$0x0] =	wrdreg $0x0  }
0x20: {  	s5 =	sshll.u32 s28, $0x1;
	[dreg:$0x2] =	wrdreg s3  }
0x21: {  	[dreg:$0x3] =	wrdreg s5  }
0x22: {  	[dreg:$0x4] =	wrdreg $0xC0  }
0x23: {  	_ =	task [dreg:s7], $0x5FFFF  }
0x24: {  	[dreg:$0x1] =	wrdreg $0xFFFFFFFF  }
0x25: {  	[dreg:$0x0] =	wrdreg $0x60  }
0x26: {  	[dreg:$0x2] =	wrdreg s25  }
0x27: {  	[dreg:$0x3] =	wrdreg s2  }
0x28: {  	[dreg:$0x4] =	wrdreg $0x9  }
0x29: {  	_ =	task.clear_ibuf [dreg:s7], $0x5FFFF;
	_ =	strace $0x90000049  }
0x2a: {  	s29 =	simm.s32 $0x9;
	_ =	strace $0x8000004B  }
0x2b: {  	_ =	swait.ge [sflag:s29], $0x1  }
0x2c: {  	[sflag:s29] =	ssyncadd.s32 $0xFFFFFFFF  }
0x2d: {  	_ =	strace $0x9000004B  }
0x2e: {  	_ =	sfence  }
0x2f: {  	s30 =	sld [smem:$0x0];
	_ =	sdelay $0x2  }
0x30: {  	s31 =	sshll.u32 s1, $0xD;
	s1 =	sshrl.u32 s1, $0x2  }
0x31: {  	s3 =	sand.u32 $0x4000, s31;
	s1 =	sadd.s32 s1, s30  }
0x32: {  	s0 =	sor.u32 s3, s0;
	s1 =	sshll.u32 s1, $0x11  }
0x33: {  	s0 =	sor.u32 s1, s0  }
0x34: {  	s0 =	sadd.s32 $0x8F2B, s0  }
0x35: {  	[sflag:s0] =	ssyncadd.remote.s32 $0x1  }
0x36: {  	_ =	sfence.sel $0xFFFF  }
0x37: {  	[dreg:$0x0] =	wrdreg $0xFFFFFFFF;
	(pc) =	sbr.abs _section_cstart, $3  }
0x38: {  	[dreg:$0x1] =	wrdreg $0xFFFFFFFF  }
0x39: {  	_ =	task.clear_ibuf [dreg:s7], $0x2FFFF;
	_ =	strace $0x9FFFFFFF  }
0x3a: {  	(tm) =	ssettm $0x7FFFFFFF  }
0x3b: {  	_ =	shalt  }
tec
execute0_lowered:
.L_overlay_start_1:
0x0: {  	(tag) =	ssettag $0x1  }
0x1: {  	s0 =	srdreg.scid  }
0x2: {  	s1 =	sshll.u32 s0, $0x4  }
0x3: {  	s0 =	stileid.u32;
	s1 =	sand.u32 $0x10, s1  }
0x4: {  	s1 =	sor.u32 s0, s1  }
0x5: {  	s6 =	rddreg [dreg:$0x0];
	s4 =	simm.s32 $0x1;
	s2 =	sshll.u32 s1, $0x7  }
0x6: {  	s7 =	simm.s32 $0x2;
	s12 =	simm.s32 $0x0;
	s1 =	ssub.s32 $0x1000, s2  }
0x7: {  	s8 =	simm.s32 $0x8000;
	s13 =	simm.s32 $0x0;
	s3 =	sand.u32 $0xF80, s1  }
0x8: {  	s9 =	simm.s32 $0x0;
	s5 =	sshrl.u32 s1, $0xC;
	p0 =	sne.s32 s3, $0x0  }
.Ltmp0:
0x9: {  	s1 =	rddreg [dreg:$0x2];
	s4 =	simm.s32 @!p0 $0x0;
	(pc) =	sbr.rel .LBB1_1-.Ltmp0, $4  }
0xa: {  	s11 =	simm.s32 $0x0;
	s3 =	rddreg [dreg:$0x1];
	s5 =	sadd.s32 s4, s5  }
0xb: {  	_ =	strace $0x8000004A;
	s4 =	simm.s32 $0x1;
	s5 =	smul.u32 $0xF3, s5  }
0xc: {  	s6 =	sadd.s32 $0xA00, s6;
	s10 =	smov.u32 s2;
	[sflag:s4] =	ssyncpa.u1 $0x0  }
0xd: {  	p0 =	por $0x0, $0x0;
	[sflag:s7] =	ssyncpa.u1 $0x0;
	s7 =	sadd.s32 $0x1, s5  }
.LBB1_4:
0xe: {  	s16 =	sshll.u32 s13, $0x3;
	s17 =	sand.u32 $0x78, s13  }
0xf: {  	s30 =	sand.u32 $0x7E00, s13;
	s12 =	sshll.u32 s12, $0xF;
	s16 =	sand.u32 $0xC00, s16  }
0x10: {  	[tilespmem:s15+$0x810 ss:$0x81] =	vst.msk $0xffff, v2;
	s31 =	sand.u32 $0x7, s13;
	s16 =	sor.u32 s17, s16;
	s17 =	sadd.s32 s3, s30  }
0x11: {  	[tilespmem:s15+$0x1020 ss:$0x81] =	vst.msk $0xffff, v0;
	s13 =	sshll.u32 s31, $0x12;
	s12 =	sadd.s32 s12, s17;
	s16 =	sshrl.u32 s16, $0x3  }
0x12: {  	[tilespmem:s15+$0x0 ss:$0x81] =	vst.msk $0xffff, v1;
	s13 =	sor.u32 $0x400, s13;
	s12 =	sadd.s32 s16, s12  }
0x13: {  	[hbm4b:s12+s13] =	stream.strided.scatter [tilespmem:s14], [sflag:$0x2], $0x2000, s8, s13, $0x20;
	[tilespmem:$0x8080] =	vst v63  }
.LBB1_5:
0x14: {  	s14 =	sadd.s32 $0x1, s9  }
0x15: {  	s12 =	sadd.s32 $0x1000, s10;
	s16 =	smov.u32 s10;
	p2 =	sgt.s32 s14, $0xF2  }
0x16: {  	s16 =	smov.u32 @p2 s12  }
0x17: {  	s14 =	simm.s32 @p2 $0x0;
	p2 =	sgt.s32 s16, $0xFFF  }
0x18: {  	s16 =	smov.u32 @p2 s2;
	p2 =	sne.s32 s11, s7  }
.Ltmp1:
0x19: {  	p1 =	slt.u32 s11, $0x2;
	(pc) =	sbr.rel @!p2 .LBB1_6-.Ltmp1, $4  }
0x1a: {  	s15 =	simm.s32 @!p1 $0x2  }
0x1b: {  	s13 =	smov.u32 s10;
	p0 =	por !p0, !p0;
	_ =	swait.ge @!p1 [sflag:s15], $0x2000  }
0x1c: {  	s12 =	smov.u32 s9;
	[sflag:s15] =	ssyncset.done @!p1 $0x0;
	s9 =	smov.u32 s14  }
0x1d: {  	s11 =	sadd.s32 $0x1, s11;
	[sflag:s15] =	ssyncadd.s32 @!p1 $0xFFFFE000;
	s10 =	smov.u32 s16  }
.LBB1_1:
0x1e: {  	p1 =	sge.u32 s11, s5  }
0x1f: {  	s14 =	sand.u32 @!p1 $0x1FFFFFF, s9  }
0x20: {  	s15 =	smulhi.u32 @!p1 $0x1084211, s14;
	_ =	sdelay $0x1  }
0x21: {  	s15 =	smul.u32 @!p1 $0xF8, s15  }
0x22: {  	s16 =	sxor.u32 @!p1 $0xFFFFFFFF, s11;
	s17 =	smul.u32 @!p1 $0xF80, s10  }
0x23: {  	s31 =	sadd.s32 $0xFFFFFFFF, s11;
	s16 =	sshll.u32 @!p1 s16, $0xD;
	s14 =	ssub.s32 @!p1 s14, s15  }
0x24: {  	s15 =	sand.u32 @!p1 $0x2000, s16;
	s16 =	sadd.s32 @!p1 s6, s17;
	s14 =	sshll.u32 @!p1 s14, $0x4  }
0x25: {  	s17 =	simm.s32 @!p1 $0x7C00;
	s14 =	sadd.s32 @!p1 s14, s16;
	s16 =	simm.s32 @!p1 $0x40  }
0x26: {  	[tilespmem:s15], [sflag:$0x1] =	stream.strided.gather @!p1 [hbm4b:s14+s16], $0x2000, s17, s16, $0x38;
	[tilespmem:$0x8080] =	vst v63  }
0x27: {  	p1 =	sge.u32 s31, s5  }
.Ltmp2:
0x28: {  	_ = 	snop;
	(pc) =	sbr.rel @p1 .LBB1_5-.Ltmp2, $1  }
0x29: {  	_ =	sdelay $0x3  }
0x2a: {  	s14 =	simm.s32 $0x1  }
0x2b: {  	_ =	swait.ge [sflag:s4], $0x2000;
	s14 =	simm.s32 @!p0 $0x0  }
0x2c: {  	[sflag:s4] =	ssyncset.done $0x0;
	s15 =	sshll.u32 s14, $0xD  }
0x2d: {  	[sflag:s4] =	ssyncadd.s32 $0xFFFFE000;
	s18 =	sor.u32 $0x20, s15  }
0x2e: {  	s14 =	smul.u32 $0x8100, s14;
	v3 =	vld [tilespmem:s18+$0x10]  }
0x2f: {  	s30 =	sand.u32 $0x1, s11;
	v2 =	vld [tilespmem:s18+$0xFFFFFFF0]  }
0x30: {  	s15 =	smul.u32 $0x8100, s30;
	s14 =	sshrl.u32 s14, $0x2;
	v0 =	vld [tilespmem:s18+$0x0]  }
0x31: {  	v1 =	vld [tilespmem:s18+$0xFFFFFFE0];
	s16 =	sor.u32 $0x4000, s14  }
0x32: {  	s31 =	sshrl.u32 s15, $0x2;
	s15 =	sadd.s32 $0x0, s16  }
0x33: {  	s17 =	simm.s32 $0x4;
	s18 =	sadd.s32 $0x40, s18;
	s14 =	sor.u32 $0x4000, s31;
	[tilespmem:s15+$0x1830 ss:$0x81] =	vst.msk $0xffff, v3  }
.LBB1_3:
0x34: {  	v3 =	vld [tilespmem:s18+$0x10];
	p1 =	sne.s32 s17, $0x1FC;
	[tilespmem:s15+$0x810 ss:$0x81] =	vst.msk $0xffff, v2;
	s19 =	smov.u32 s17;
	s17 =	sadd.s32 $0x4, s17  }
.Ltmp3:
0x35: {  	v2 =	vld [tilespmem:s18+$0xFFFFFFF0];
	[tilespmem:s15+$0x1020 ss:$0x81] =	vst.msk $0xffff, v0;
	(pc) =	sbr.rel @p1 .LBB1_3-.Ltmp3, $4  }
0x36: {  	v0 =	vld [tilespmem:s18+$0x0];
	[tilespmem:s15+$0x0 ss:$0x81] =	vst.msk $0xffff, v1  }
0x37: {  	s15 =	sshra.s32 s19, $0x2;
	v1 =	vld [tilespmem:s18+$0xFFFFFFE0]  }
0x38: {  	s15 =	sadd.s32 s15, s16  }
0x39: {  	s18 =	sadd.s32 $0x40, s18;
	[tilespmem:s15+$0x1830 ss:$0x81] =	vst.msk $0xffff, v3  }
.Ltmp4:
0x3a: {  	_ = 	snop;
	(pc) =	sbr.rel .LBB1_4-.Ltmp4, $1  }
0x3b: {  	_ =	sdelay $0x3  }
.LBB1_6:
0x3c: {  	_ =	sfence.sel $0x180000  }
0x3d: {  	s2 =	simm.s32 $0x1;
	[bflag:$0x0] =	sbarrier.arrive $0xFFFF  }
0x3e: {  	s31 =	simm.s32 $0x2;
	[sflag:s2] =	ssyncpa.u1 $0x1  }
0x3f: {  	[sflag:s31] =	ssyncpa.u1 $0x1  }
0x40: {  	p0 =	sne.s32 s0, $0x0;
	_ =	strace $0x9000004A  }
0x41: {  	s0 =	sadd.s32 @!p0 $0x100000, s1;
	[bflag:$0x2] =	sbarrier.arrive $0xFFFF  }
0x42: {  	[sflag:s0] =	ssyncadd.tile.s32 @!p0 $0x1;
	_ =	shalt  }
.Lfunc_end1:
_tile_overlayer_lowered:
.L_overlay_start_2:
0x43: {  	(tag) =	ssettag $0x2  }
0x44: {  	s0 =	rddreg [dreg:$0x0];
	s2 =	stileid.u32  }
0x45: {  	s1 =	rddreg [dreg:$0x1];
	p0 =	sne.s32 s2, $0x0  }
0x46: {  	s3 =	rddreg [dreg:$0x2];
	[bflag:$0x3] =	sbarrier.arrive $0xFFFF;
	s2 =	simm.s32 @!p0 $0x1C01  }
0x47: {  	[timem:s3], [sflag:s2] =	dma.local @!p0 [hbm:s0], s1  }
0x48: {  	s0 =	simm.s32 @!p0 $0x1  }
0x49: {  	_ =	swait.ge @!p0 [sflag:s0], s1  }
0x4a: {  	s1 =	ssub.s32 @!p0 $0x0, s1;
	[sflag:s0] =	ssyncset.done @!p0 $0x0  }
0x4b: {  	[sflag:s0] =	ssyncadd.s32 @!p0 s1  }
0x4c: {  	[bflag:$0x3] =	sbarrier.arrive $0xFFFF  }
0x4d: {  	_ =	shalt  }

</sc_bundles>
